<compile_context>
chip_gen: v7x
topology: tpu7x:2x2x1
jax: 0.10.2.dev20260603
libtpu: 0.0.44.dev20260713+nightly
codegen_flags: <defaults>
</compile_context>

<pallas_src>
import functools

import jax
import jax.numpy as jnp
from jax import lax
from jax.experimental import pallas as pl
from jax.experimental.pallas import tpu as pltpu
from jax.experimental.pallas import tpu_sc as plsc

NN = 10000
NP = 10240
DUMMY = 10176
EE = 320000
NC, NS = 2, 16
NW = NC * NS
CHUNK = 128
CPT = 80
EPT = CPT * CHUNK
EP = NW * EPT
NBUF = 4
GS = 64
STRIPE = NP // NS

_mesh = plsc.VectorSubcoreMesh(core_axis_name="c", subcore_axis_name="s")
_sc_params = pltpu.CompilerParams(use_tc_tiling_on_sc=False)


def _make_deg():
    @functools.partial(
        pl.kernel,
        out_type=jax.ShapeDtypeStruct((NC, NP, 8), jnp.float32),
        mesh=_mesh,
        scratch_types=[
            pltpu.VMEM((CPT, CHUNK), jnp.int32),
            pltpu.VMEM((CHUNK, 8), jnp.float32),
            pltpu.VMEM_SHARED((NP, 8), jnp.float32),
        ],
        compiler_params=_sc_params,
    )
    def deg_kernel(dst_hbm, ones_hbm, zeros_hbm, out_hbm, didx, ones_v, acc):
        cid = lax.axis_index("c")
        sid = lax.axis_index("s")
        wid = cid * NS + sid
        pltpu.sync_copy(zeros_hbm, acc.at[pl.ds(sid * STRIPE, STRIPE)])
        pltpu.sync_copy(ones_hbm, ones_v)
        pltpu.sync_copy(dst_hbm.at[pl.ds(wid * CPT, CPT)], didx)
        plsc.subcore_barrier()

        def body(i, carry):
            pltpu.sync_copy(ones_v, acc.at[didx.at[i]], add=True)
            return carry

        lax.fori_loop(0, CPT, body, 0)
        plsc.subcore_barrier()
        pltpu.sync_copy(acc.at[pl.ds(sid * STRIPE, STRIPE)],
                        out_hbm.at[cid, pl.ds(sid * STRIPE, STRIPE)])

    return deg_kernel


def _make_agg(width):
    @functools.partial(
        pl.kernel,
        out_type=jax.ShapeDtypeStruct((NC, NP, width), jnp.float32),
        mesh=_mesh,
        scratch_types=[
            pltpu.VMEM((CPT, CHUNK), jnp.int32),
            pltpu.VMEM((CPT, CHUNK), jnp.int32),
            [pltpu.VMEM((CHUNK, width), jnp.float32) for _ in range(NBUF)],
            pltpu.VMEM_SHARED((NP, width), jnp.float32),
            [pltpu.SemaphoreType.DMA for _ in range(NBUF)],
        ],
        compiler_params=_sc_params,
    )
    def agg_kernel(y_hbm, src_hbm, dst_hbm, zeros_hbm, out_hbm,
                   sidx, didx, rows, acc, sems):
        cid = lax.axis_index("c")
        sid = lax.axis_index("s")
        wid = cid * NS + sid
        pltpu.sync_copy(zeros_hbm, acc.at[pl.ds(sid * STRIPE, STRIPE)])
        pltpu.sync_copy(src_hbm.at[pl.ds(wid * CPT, CPT)], sidx)
        pltpu.sync_copy(dst_hbm.at[pl.ds(wid * CPT, CPT)], didx)
        plsc.subcore_barrier()
        for k in range(NBUF):
            pltpu.async_copy(y_hbm.at[sidx.at[k]], rows[k], sems[k])

        def round_body(r, carry):
            c0 = r * NBUF
            for k in range(NBUF):
                pltpu.make_async_copy(y_hbm.at[sidx.at[c0 + k]],
                                      rows[k], sems[k]).wait()
                pltpu.sync_copy(rows[k], acc.at[didx.at[c0 + k]], add=True)

                @pl.when(r < CPT // NBUF - 1)
                def _():
                    pltpu.async_copy(y_hbm.at[sidx.at[c0 + NBUF + k]],
                                     rows[k], sems[k])
            return carry

        lax.fori_loop(0, CPT // NBUF, round_body, 0)
        plsc.subcore_barrier()
        pltpu.sync_copy(acc.at[pl.ds(sid * STRIPE, STRIPE)],
                        out_hbm.at[cid, pl.ds(sid * STRIPE, STRIPE)])

    return agg_kernel


def _tc_pre(deg_ref, x_ref, w_ref, y_ref, dinv_ref):
    deg = deg_ref[0, :, 0:1] + deg_ref[1, :, 0:1] + 1.0
    dinv = 1.0 / jnp.sqrt(deg)
    dinv_ref[...] = dinv
    xw = jnp.dot(x_ref[...], w_ref[...], preferred_element_type=jnp.float32)
    y_ref[...] = xw * dinv


def _tc_mid(s_ref, y_ref, dinv_ref, b_ref, w_ref, out_ref):
    dinv = dinv_ref[...]
    h = (s_ref[0] + s_ref[1] + y_ref[...]) * dinv + b_ref[...]
    h = jnp.maximum(h, 0.0)
    hw = jnp.dot(h, w_ref[...], preferred_element_type=jnp.float32)
    out_ref[...] = hw * dinv


def _tc_fin(s_ref, y_ref, dinv_ref, b_ref, batch_ref, m1_ref, mb1_ref,
            gamma_ref, beta_ref, m2_ref, mb2_ref, out_ref):
    h = (s_ref[0] + s_ref[1] + y_ref[...]) * dinv_ref[...] + b_ref[...]
    seg = lax.broadcasted_iota(jnp.int32, (NP, GS), 1)
    onehot = (batch_ref[...] == seg).astype(jnp.float32)
    dn = (((0,), (0,)), ((), ()))
    sums = lax.dot_general(onehot, h, dn,
                           preferred_element_type=jnp.float32,
                           precision=lax.Precision.HIGHEST)
    cnt = lax.dot_general(onehot, jnp.ones((NP, 1), jnp.float32), dn,
                          preferred_element_type=jnp.float32,
                          precision=lax.Precision.HIGHEST)
    g = sums / jnp.maximum(cnt, 1.0)
    z = jnp.dot(g, m1_ref[...], preferred_element_type=jnp.float32) + mb1_ref[...]
    mu = jnp.mean(z, axis=0, keepdims=True)
    var = jnp.mean((z - mu) * (z - mu), axis=0, keepdims=True)
    z = (z - mu) / jnp.sqrt(var + 1e-5) * gamma_ref[...] + beta_ref[...]
    z = jnp.maximum(z, 0.0)
    out_ref[...] = (jnp.dot(z, m2_ref[...], preferred_element_type=jnp.float32)
                    + mb2_ref[...])


def kernel(x, edge_index, batch, W1, b1, W2, b2, W3, b3,
           M1, mb1, gamma, beta, M2, mb2):
    f32 = jnp.float32
    src = edge_index[0]
    dst = edge_index[1]
    padv = jnp.full((EP - EE,), DUMMY, jnp.int32)
    srcp = jnp.concatenate([src, padv]).reshape(NW * CPT, CHUNK)
    dstp = jnp.concatenate([dst, padv]).reshape(NW * CPT, CHUNK)
    xp = jnp.pad(x, ((0, NP - NN), (0, 0)))
    batchp = jnp.pad(batch, (0, NP - NN), constant_values=GS)[:, None]

    ones_c = jnp.ones((CHUNK, 8), f32)
    zeros1 = jnp.zeros((STRIPE, 8), f32)
    zeros_h = jnp.zeros((STRIPE, 64), f32)
    zeros_o = jnp.zeros((STRIPE, 16), f32)

    deg2 = _make_deg()(dstp, ones_c, zeros1)

    H, O = W1.shape[1], W3.shape[1]
    y1, dinv = pl.pallas_call(
        _tc_pre,
        out_shape=(jax.ShapeDtypeStruct((NP, H), f32),
                   jax.ShapeDtypeStruct((NP, 1), f32)),
    )(deg2, xp, W1)

    agg_h = _make_agg(H)
    s1 = agg_h(y1, srcp, dstp, zeros_h)
    y2 = pl.pallas_call(
        _tc_mid, out_shape=jax.ShapeDtypeStruct((NP, H), f32),
    )(s1, y1, dinv, b1[None, :], W2)

    s2 = agg_h(y2, srcp, dstp, zeros_h)
    y3 = pl.pallas_call(
        _tc_mid, out_shape=jax.ShapeDtypeStruct((NP, O), f32),
    )(s2, y2, dinv, b2[None, :], W3)

    s3 = _make_agg(O)(y3, srcp, dstp, zeros_o)
    out = pl.pallas_call(
        _tc_fin, out_shape=jax.ShapeDtypeStruct((GS, 2), f32),
    )(s3, y3, dinv, b3[None, :], batchp, M1, mb1[None, :],
      gamma[None, :], beta[None, :], M2, mb2[None, :])
    return out

# --- scband reference (transcript-rebuilt; emitter-appended) ---
"""Pipeline reference for scband-classifier-20186346291698 (READ-ONLY COPY).

The authoritative reference and input builder live on the scoring server;
editing this copy changes nothing except your own understanding.
"""

import jax, jax.numpy as jnp
import numpy as np

N = 10000
E = 320000
F_IN = 128
H = 64
O = 16
G = 64


def setup_inputs(seed: int = 0) -> dict:
    key = jax.random.key(seed)
    ks = jax.random.split(key, 16)
    x = jax.random.normal(ks[0], (N, F_IN), dtype=jnp.float32)
    edge_index = jax.random.randint(ks[1], (2, E), 0, N, dtype=jnp.int32)
    batch = jnp.sort(jax.random.randint(ks[2], (N,), 0, G, dtype=jnp.int32))
    def w(k, fi, fo):
        return jax.random.normal(k, (fi, fo), dtype=jnp.float32) * (1.0 / np.sqrt(fi))
    W1 = w(ks[3], F_IN, H); b1 = jnp.zeros((H,), jnp.float32)
    W2 = w(ks[4], H, H); b2 = jnp.zeros((H,), jnp.float32)
    W3 = w(ks[5], H, O); b3 = jnp.zeros((O,), jnp.float32)
    M1 = w(ks[6], O, O); mb1 = jnp.zeros((O,), jnp.float32)
    gamma = jnp.ones((O,), jnp.float32); beta = jnp.zeros((O,), jnp.float32)
    M2 = w(ks[7], O, 2); mb2 = jnp.zeros((2,), jnp.float32)
    return {"x": x, "edge_index": edge_index, "batch": batch,
            "W1": W1, "b1": b1, "W2": W2, "b2": b2, "W3": W3, "b3": b3,
            "M1": M1, "mb1": mb1, "gamma": gamma, "beta": beta, "M2": M2, "mb2": mb2}


def _gcn_conv(x, src, dst, W, b, n):
    # symmetric-normalized GCN conv with self loops already appended to src/dst
    deg = jnp.zeros((n,), x.dtype).at[dst].add(1.0)
    dinv = jnp.where(deg > 0, 1.0 / jnp.sqrt(deg), 0.0)
    norm = dinv[src] * dinv[dst]
    xw = x @ W
    msg = xw[src] * norm[:, None]
    out = jax.ops.segment_sum(msg, dst, num_segments=n)
    return out + b


def reference(x, edge_index, batch, W1, b1, W2, b2, W3, b3, M1, mb1, gamma, beta, M2, mb2):
    n = x.shape[0]
    loops = jnp.arange(n, dtype=edge_index.dtype)
    src = jnp.concatenate([edge_index[0], loops])
    dst = jnp.concatenate([edge_index[1], loops])
    # 3-layer GCN (ReLU between layers, none after last)
    h = jax.nn.relu(_gcn_conv(x, src, dst, W1, b1, n))
    h = jax.nn.relu(_gcn_conv(h, src, dst, W2, b2, n))
    h = _gcn_conv(h, src, dst, W3, b3, n)
    # global mean pool over graphs
    sums = jax.ops.segment_sum(h, batch, num_segments=G)
    cnt = jax.ops.segment_sum(jnp.ones((n, 1), h.dtype), batch, num_segments=G)
    g = sums / jnp.maximum(cnt, 1.0)
    # MLP [16, 16, 2] with batch norm (batch statistics) + ReLU
    z = g @ M1 + mb1
    mu = jnp.mean(z, axis=0)
    var = jnp.var(z, axis=0)
    z = (z - mu) / jnp.sqrt(var + 1e-5) * gamma + beta
    z = jax.nn.relu(z)
    out = z @ M2 + mb2
    return out

if __name__ == "__main__":
    import jax
    _d = setup_inputs()
    print(jax.jit(kernel)(*tuple(_d.values())))

</pallas_src>

<mosaic_0001>
#map = affine_map<(d0, d1) -> (0, 0)>
#map1 = affine_map<(d0, d1) -> (0, 0, 0)>
module attributes {stable_mosaic.version = 14 : i64} {
  func.func @deg_kernel(%arg0: i32, %arg1: i32, %arg2: memref<2560x128xi32, #tpu.memory_space<hbm>>, %arg3: memref<128x8xf32, #tpu.memory_space<hbm>>, %arg4: memref<640x8xf32, #tpu.memory_space<hbm>>, %arg5: memref<2x10240x8xf32, #tpu.memory_space<hbm>>, %arg6: memref<80x128xi32, #tpu.memory_space<vmem>>, %arg7: memref<128x8xf32, #tpu.memory_space<vmem>>, %arg8: memref<10240x8xf32, #tpu.memory_space<vmem_shared>>) attributes {dimension_semantics = [#tpu.dimension_semantics<core_parallel>, #tpu.dimension_semantics<subcore_parallel>], iteration_bounds = array<i64: 2, 16>, scalar_prefetch = 0 : i64, scratch_operands = 3 : i64, tpu.core_type = #tpu.core_type<sc_vector_subcore>, window_params = [{transform_indices = #map}, {transform_indices = #map}, {transform_indices = #map}, {transform_indices = #map1}]} {
    %mul3A = arith.constant 16 : i32
    %mul3A_0 = arith.muli %arg0, %mul3A : i32
    %add3A = arith.addi %mul3A_0, %arg1 : i32
    %mul3A_1 = arith.constant 640 : i32
    %mul3A_2 = arith.muli %arg1, %mul3A_1 : i32
    "tpu.region"() ({
      %run_scoped3A = tpu.sem_alloc : memref<!tpu.dma_semaphore, #tpu.memory_space<semaphore_mem>>
      %dma_start3A = arith.constant 0 : i32
      %dma_start3A_15 = tpu.memref_slice %arg8[%mul3A_2, %dma_start3A] : memref<10240x8xf32, #tpu.memory_space<vmem_shared>> -> memref<640x8xf32, #tpu.memory_space<vmem_shared>>
      tpu.enqueue_dma source(%arg4 : memref<640x8xf32, #tpu.memory_space<hbm>>) target(%dma_start3A_15 : memref<640x8xf32, #tpu.memory_space<vmem_shared>>) target_semaphore(%run_scoped3A : memref<!tpu.dma_semaphore, #tpu.memory_space<semaphore_mem>>)
      %dma_wait3A = arith.constant 0 : i32
      %dma_wait3A_16 = tpu.memref_slice %arg8[%mul3A_2, %dma_wait3A] : memref<10240x8xf32, #tpu.memory_space<vmem_shared>> -> memref<640x8xf32, #tpu.memory_space<vmem_shared>>
      tpu.wait_dma2 semaphore(%run_scoped3A : memref<!tpu.dma_semaphore, #tpu.memory_space<semaphore_mem>>) src(%arg4 : memref<640x8xf32, #tpu.memory_space<hbm>>) dst(%dma_wait3A_16 : memref<640x8xf32, #tpu.memory_space<vmem_shared>>)
      tpu.yield
    }) : () -> ()
    "tpu.region"() ({
      %run_scoped3A = tpu.sem_alloc : memref<!tpu.dma_semaphore, #tpu.memory_space<semaphore_mem>>
      tpu.enqueue_dma source(%arg3 : memref<128x8xf32, #tpu.memory_space<hbm>>) target(%arg7 : memref<128x8xf32, #tpu.memory_space<vmem>>) target_semaphore(%run_scoped3A : memref<!tpu.dma_semaphore, #tpu.memory_space<semaphore_mem>>)
      tpu.wait_dma2 semaphore(%run_scoped3A : memref<!tpu.dma_semaphore, #tpu.memory_space<semaphore_mem>>) src(%arg3 : memref<128x8xf32, #tpu.memory_space<hbm>>) dst(%arg7 : memref<128x8xf32, #tpu.memory_space<vmem>>)
      tpu.yield
    }) : () -> ()
    %mul3A_3 = arith.constant 80 : i32
    %mul3A_4 = arith.muli %add3A, %mul3A_3 : i32
    "tpu.region"() ({
      %run_scoped3A = tpu.sem_alloc : memref<!tpu.dma_semaphore, #tpu.memory_space<semaphore_mem>>
      %dma_start3A = arith.constant 0 : i32
      %dma_start3A_15 = tpu.memref_slice %arg2[%mul3A_4, %dma_start3A] : memref<2560x128xi32, #tpu.memory_space<hbm>> -> memref<80x128xi32, #tpu.memory_space<hbm>>
      %dma_start3A_16 = arith.constant 0 : i32
      %dma_start3A_17 = tpu.memref_slice %arg2[%mul3A_4, %dma_start3A_16] : memref<2560x128xi32, #tpu.memory_space<hbm>> -> memref<80x128xi32, #tpu.memory_space<hbm>>
      tpu.enqueue_dma source(%dma_start3A_17 : memref<80x128xi32, #tpu.memory_space<hbm>>) target(%arg6 : memref<80x128xi32, #tpu.memory_space<vmem>>) target_semaphore(%run_scoped3A : memref<!tpu.dma_semaphore, #tpu.memory_space<semaphore_mem>>)
      %dma_wait3A = arith.constant 0 : i32
      %dma_wait3A_18 = tpu.memref_slice %arg2[%mul3A_4, %dma_wait3A] : memref<2560x128xi32, #tpu.memory_space<hbm>> -> memref<80x128xi32, #tpu.memory_space<hbm>>
      %dma_wait3A_19 = arith.constant 0 : i32
      %dma_wait3A_20 = tpu.memref_slice %arg2[%mul3A_4, %dma_wait3A_19] : memref<2560x128xi32, #tpu.memory_space<hbm>> -> memref<80x128xi32, #tpu.memory_space<hbm>>
      tpu.wait_dma2 semaphore(%run_scoped3A : memref<!tpu.dma_semaphore, #tpu.memory_space<semaphore_mem>>) src(%dma_wait3A_20 : memref<80x128xi32, #tpu.memory_space<hbm>>) dst(%arg6 : memref<80x128xi32, #tpu.memory_space<vmem>>)
      tpu.yield
    }) : () -> ()
    %barrier3A = arith.constant 0 : index
    tpu.barrier barrier_id(%barrier3A)
    %scan3A = arith.constant 0 : i32
    %scan3A_5 = arith.constant 0 : i32
    %scan3A_6 = arith.constant 80 : i32
    %scan3A_7 = arith.addi %scan3A_5, %scan3A_6 : i32
    %scan3A_8 = arith.constant 1 : i32
    scf.for %scan3A_15 = %scan3A_5 to %scan3A_7 step %scan3A_8  : i32 {
      "tpu.region"() ({
        %run_scoped3A = tpu.sem_alloc : memref<!tpu.dma_semaphore, #tpu.memory_space<semaphore_mem>>
        %dma_start3A = arith.constant 0 : i32
        %dma_start3A_16 = tpu.memref_slice %arg6[%scan3A_15, %dma_start3A] : memref<80x128xi32, #tpu.memory_space<vmem>> -> memref<1x128xi32, #tpu.memory_space<vmem>>
        %dma_start3A_17 = tpu.memref_squeeze %dma_start3A_16 : memref<1x128xi32, #tpu.memory_space<vmem>> -> memref<128xi32, #tpu.memory_space<vmem>>
        %dma_start3A_18 = arith.constant 0 : i32
        %dma_start3A_19 = arith.constant 0 : i32
        %dma_start3A_20 = tpu.memref_slice %arg8[%dma_start3A_18, %dma_start3A_19] : memref<10240x8xf32, #tpu.memory_space<vmem_shared>> -> memref<10240x8xf32, #tpu.memory_space<vmem_shared>>
        tpu.enqueue_indirect_dma source(%arg7 : memref<128x8xf32, #tpu.memory_space<vmem>>) target(%dma_start3A_20 : memref<10240x8xf32, #tpu.memory_space<vmem_shared>>) offsets(%dma_start3A_17 : memref<128xi32, #tpu.memory_space<vmem>>) semaphore(%run_scoped3A : memref<!tpu.dma_semaphore, #tpu.memory_space<semaphore_mem>>) {add = true}
        %dma_wait3A = arith.constant 0 : i32
        %dma_wait3A_21 = tpu.memref_slice %arg6[%scan3A_15, %dma_wait3A] : memref<80x128xi32, #tpu.memory_space<vmem>> -> memref<1x128xi32, #tpu.memory_space<vmem>>
        %dma_wait3A_22 = tpu.memref_squeeze %dma_wait3A_21 : memref<1x128xi32, #tpu.memory_space<vmem>> -> memref<128xi32, #tpu.memory_space<vmem>>
        %dma_wait3A_23 = arith.constant 0 : i32
        %dma_wait3A_24 = arith.constant 0 : i32
        %dma_wait3A_25 = tpu.memref_slice %arg8[%dma_wait3A_23, %dma_wait3A_24] : memref<10240x8xf32, #tpu.memory_space<vmem_shared>> -> memref<10240x8xf32, #tpu.memory_space<vmem_shared>>
        tpu.wait_indirect_dma semaphore(%run_scoped3A : memref<!tpu.dma_semaphore, #tpu.memory_space<semaphore_mem>>) src(%arg7 : memref<128x8xf32, #tpu.memory_space<vmem>>) dst(%dma_wait3A_25 : memref<10240x8xf32, #tpu.memory_space<vmem_shared>>)
        tpu.yield
      }) : () -> ()
    }
    %scan3A_9 = arith.constant 80 : i32
    %barrier3A_10 = arith.constant 0 : index
    tpu.barrier barrier_id(%barrier3A_10)
    %mul3A_11 = arith.constant 640 : i32
    %mul3A_12 = arith.muli %arg1, %mul3A_11 : i32
    %mul3A_13 = arith.constant 640 : i32
    %mul3A_14 = arith.muli %arg1, %mul3A_13 : i32
    "tpu.region"() ({
      %run_scoped3A = tpu.sem_alloc : memref<!tpu.dma_semaphore, #tpu.memory_space<semaphore_mem>>
      %dma_start3A = arith.constant 0 : i32
      %dma_start3A_15 = tpu.memref_slice %arg5[%arg0, %mul3A_14, %dma_start3A] : memref<2x10240x8xf32, #tpu.memory_space<hbm>> -> memref<1x640x8xf32, #tpu.memory_space<hbm>>
      %dma_start3A_16 = tpu.memref_squeeze %dma_start3A_15 : memref<1x640x8xf32, #tpu.memory_space<hbm>> -> memref<640x8xf32, #tpu.memory_space<hbm>>
      %dma_start3A_17 = arith.constant 0 : i32
      %dma_start3A_18 = tpu.memref_slice %arg8[%mul3A_12, %dma_start3A_17] : memref<10240x8xf32, #tpu.memory_space<vmem_shared>> -> memref<640x8xf32, #tpu.memory_space<vmem_shared>>
      tpu.enqueue_dma source(%dma_start3A_18 : memref<640x8xf32, #tpu.memory_space<vmem_shared>>) target(%dma_start3A_16 : memref<640x8xf32, #tpu.memory_space<hbm>>) target_semaphore(%run_scoped3A : memref<!tpu.dma_semaphore, #tpu.memory_space<semaphore_mem>>)
      %dma_wait3A = arith.constant 0 : i32
      %dma_wait3A_19 = tpu.memref_slice %arg5[%arg0, %mul3A_14, %dma_wait3A] : memref<2x10240x8xf32, #tpu.memory_space<hbm>> -> memref<1x640x8xf32, #tpu.memory_space<hbm>>
      %dma_wait3A_20 = tpu.memref_squeeze %dma_wait3A_19 : memref<1x640x8xf32, #tpu.memory_space<hbm>> -> memref<640x8xf32, #tpu.memory_space<hbm>>
      %dma_wait3A_21 = arith.constant 0 : i32
      %dma_wait3A_22 = tpu.memref_slice %arg8[%mul3A_12, %dma_wait3A_21] : memref<10240x8xf32, #tpu.memory_space<vmem_shared>> -> memref<640x8xf32, #tpu.memory_space<vmem_shared>>
      tpu.wait_dma2 semaphore(%run_scoped3A : memref<!tpu.dma_semaphore, #tpu.memory_space<semaphore_mem>>) src(%dma_wait3A_22 : memref<640x8xf32, #tpu.memory_space<vmem_shared>>) dst(%dma_wait3A_20 : memref<640x8xf32, #tpu.memory_space<hbm>>)
      tpu.yield
    }) : () -> ()
    return
  }
}

#map = affine_map<(d0, d1) -> (0, 0)>
#map1 = affine_map<(d0, d1) -> (0, 0, 0)>
module attributes {stable_mosaic.version = 14 : i64} {
  func.func @agg_kernel(%arg0: i32, %arg1: i32, %arg2: memref<10240x64xf32, #tpu.memory_space<hbm>>, %arg3: memref<2560x128xi32, #tpu.memory_space<hbm>>, %arg4: memref<2560x128xi32, #tpu.memory_space<hbm>>, %arg5: memref<640x64xf32, #tpu.memory_space<hbm>>, %arg6: memref<2x10240x64xf32, #tpu.memory_space<hbm>>, %arg7: memref<80x128xi32, #tpu.memory_space<vmem>>, %arg8: memref<80x128xi32, #tpu.memory_space<vmem>>, %arg9: memref<128x64xf32, #tpu.memory_space<vmem>>, %arg10: memref<128x64xf32, #tpu.memory_space<vmem>>, %arg11: memref<128x64xf32, #tpu.memory_space<vmem>>, %arg12: memref<128x64xf32, #tpu.memory_space<vmem>>, %arg13: memref<10240x64xf32, #tpu.memory_space<vmem_shared>>, %arg14: memref<!tpu.dma_semaphore, #tpu.memory_space<semaphore_mem>>, %arg15: memref<!tpu.dma_semaphore, #tpu.memory_space<semaphore_mem>>, %arg16: memref<!tpu.dma_semaphore, #tpu.memory_space<semaphore_mem>>, %arg17: memref<!tpu.dma_semaphore, #tpu.memory_space<semaphore_mem>>) attributes {dimension_semantics = [#tpu.dimension_semantics<core_parallel>, #tpu.dimension_semantics<subcore_parallel>], iteration_bounds = array<i64: 2, 16>, scalar_prefetch = 0 : i64, scratch_operands = 11 : i64, tpu.core_type = #tpu.core_type<sc_vector_subcore>, window_params = [{transform_indices = #map}, {transform_indices = #map}, {transform_indices = #map}, {transform_indices = #map}, {transform_indices = #map1}]} {
    %mul3A = arith.constant 16 : i32
    %mul3A_0 = arith.muli %arg0, %mul3A : i32
    %add3A = arith.addi %mul3A_0, %arg1 : i32
    %mul3A_1 = arith.constant 640 : i32
    %mul3A_2 = arith.muli %arg1, %mul3A_1 : i32
    "tpu.region"() ({
      %run_scoped3A = tpu.sem_alloc : memref<!tpu.dma_semaphore, #tpu.memory_space<semaphore_mem>>
      %dma_start3A_44 = arith.constant 0 : i32
      %dma_start3A_45 = tpu.memref_slice %arg13[%mul3A_2, %dma_start3A_44] : memref<10240x64xf32, #tpu.memory_space<vmem_shared>> -> memref<640x64xf32, #tpu.memory_space<vmem_shared>>
      tpu.enqueue_dma source(%arg5 : memref<640x64xf32, #tpu.memory_space<hbm>>) target(%dma_start3A_45 : memref<640x64xf32, #tpu.memory_space<vmem_shared>>) target_semaphore(%run_scoped3A : memref<!tpu.dma_semaphore, #tpu.memory_space<semaphore_mem>>)
      %dma_wait3A = arith.constant 0 : i32
      %dma_wait3A_46 = tpu.memref_slice %arg13[%mul3A_2, %dma_wait3A] : memref<10240x64xf32, #tpu.memory_space<vmem_shared>> -> memref<640x64xf32, #tpu.memory_space<vmem_shared>>
      tpu.wait_dma2 semaphore(%run_scoped3A : memref<!tpu.dma_semaphore, #tpu.memory_space<semaphore_mem>>) src(%arg5 : memref<640x64xf32, #tpu.memory_space<hbm>>) dst(%dma_wait3A_46 : memref<640x64xf32, #tpu.memory_space<vmem_shared>>)
      tpu.yield
    }) : () -> ()
    %mul3A_3 = arith.constant 80 : i32
    %mul3A_4 = arith.muli %add3A, %mul3A_3 : i32
    "tpu.region"() ({
      %run_scoped3A = tpu.sem_alloc : memref<!tpu.dma_semaphore, #tpu.memory_space<semaphore_mem>>
      %dma_start3A_44 = arith.constant 0 : i32
      %dma_start3A_45 = tpu.memref_slice %arg3[%mul3A_4, %dma_start3A_44] : memref<2560x128xi32, #tpu.memory_space<hbm>> -> memref<80x128xi32, #tpu.memory_space<hbm>>
      %dma_start3A_46 = arith.constant 0 : i32
      %dma_start3A_47 = tpu.memref_slice %arg3[%mul3A_4, %dma_start3A_46] : memref<2560x128xi32, #tpu.memory_space<hbm>> -> memref<80x128xi32, #tpu.memory_space<hbm>>
      tpu.enqueue_dma source(%dma_start3A_47 : memref<80x128xi32, #tpu.memory_space<hbm>>) target(%arg7 : memref<80x128xi32, #tpu.memory_space<vmem>>) target_semaphore(%run_scoped3A : memref<!tpu.dma_semaphore, #tpu.memory_space<semaphore_mem>>)
      %dma_wait3A = arith.constant 0 : i32
      %dma_wait3A_48 = tpu.memref_slice %arg3[%mul3A_4, %dma_wait3A] : memref<2560x128xi32, #tpu.memory_space<hbm>> -> memref<80x128xi32, #tpu.memory_space<hbm>>
      %dma_wait3A_49 = arith.constant 0 : i32
      %dma_wait3A_50 = tpu.memref_slice %arg3[%mul3A_4, %dma_wait3A_49] : memref<2560x128xi32, #tpu.memory_space<hbm>> -> memref<80x128xi32, #tpu.memory_space<hbm>>
      tpu.wait_dma2 semaphore(%run_scoped3A : memref<!tpu.dma_semaphore, #tpu.memory_space<semaphore_mem>>) src(%dma_wait3A_50 : memref<80x128xi32, #tpu.memory_space<hbm>>) dst(%arg7 : memref<80x128xi32, #tpu.memory_space<vmem>>)
      tpu.yield
    }) : () -> ()
    %mul3A_5 = arith.constant 80 : i32
    %mul3A_6 = arith.muli %add3A, %mul3A_5 : i32
    "tpu.region"() ({
      %run_scoped3A = tpu.sem_alloc : memref<!tpu.dma_semaphore, #tpu.memory_space<semaphore_mem>>
      %dma_start3A_44 = arith.constant 0 : i32
      %dma_start3A_45 = tpu.memref_slice %arg4[%mul3A_6, %dma_start3A_44] : memref<2560x128xi32, #tpu.memory_space<hbm>> -> memref<80x128xi32, #tpu.memory_space<hbm>>
      %dma_start3A_46 = arith.constant 0 : i32
      %dma_start3A_47 = tpu.memref_slice %arg4[%mul3A_6, %dma_start3A_46] : memref<2560x128xi32, #tpu.memory_space<hbm>> -> memref<80x128xi32, #tpu.memory_space<hbm>>
      tpu.enqueue_dma source(%dma_start3A_47 : memref<80x128xi32, #tpu.memory_space<hbm>>) target(%arg8 : memref<80x128xi32, #tpu.memory_space<vmem>>) target_semaphore(%run_scoped3A : memref<!tpu.dma_semaphore, #tpu.memory_space<semaphore_mem>>)
      %dma_wait3A = arith.constant 0 : i32
      %dma_wait3A_48 = tpu.memref_slice %arg4[%mul3A_6, %dma_wait3A] : memref<2560x128xi32, #tpu.memory_space<hbm>> -> memref<80x128xi32, #tpu.memory_space<hbm>>
      %dma_wait3A_49 = arith.constant 0 : i32
      %dma_wait3A_50 = tpu.memref_slice %arg4[%mul3A_6, %dma_wait3A_49] : memref<2560x128xi32, #tpu.memory_space<hbm>> -> memref<80x128xi32, #tpu.memory_space<hbm>>
      tpu.wait_dma2 semaphore(%run_scoped3A : memref<!tpu.dma_semaphore, #tpu.memory_space<semaphore_mem>>) src(%dma_wait3A_50 : memref<80x128xi32, #tpu.memory_space<hbm>>) dst(%arg8 : memref<80x128xi32, #tpu.memory_space<vmem>>)
      tpu.yield
    }) : () -> ()
    %barrier3A = arith.constant 0 : index
    tpu.barrier barrier_id(%barrier3A)
    %dma_start3A = arith.constant 0 : i32
    %dma_start3A_7 = arith.constant 0 : i32
    %dma_start3A_8 = tpu.memref_slice %arg7[%dma_start3A, %dma_start3A_7] : memref<80x128xi32, #tpu.memory_space<vmem>> -> memref<1x128xi32, #tpu.memory_space<vmem>>
    %dma_start3A_9 = tpu.memref_squeeze %dma_start3A_8 : memref<1x128xi32, #tpu.memory_space<vmem>> -> memref<128xi32, #tpu.memory_space<vmem>>
    %dma_start3A_10 = arith.constant 0 : i32
    %dma_start3A_11 = arith.constant 0 : i32
    %dma_start3A_12 = tpu.memref_slice %arg2[%dma_start3A_10, %dma_start3A_11] : memref<10240x64xf32, #tpu.memory_space<hbm>> -> memref<10240x64xf32, #tpu.memory_space<hbm>>
    tpu.enqueue_indirect_dma source(%dma_start3A_12 : memref<10240x64xf32, #tpu.memory_space<hbm>>) target(%arg9 : memref<128x64xf32, #tpu.memory_space<vmem>>) offsets(%dma_start3A_9 : memref<128xi32, #tpu.memory_space<vmem>>) semaphore(%arg14 : memref<!tpu.dma_semaphore, #tpu.memory_space<semaphore_mem>>)
    %dma_start3A_13 = arith.constant 1 : i32
    %dma_start3A_14 = arith.constant 0 : i32
    %dma_start3A_15 = tpu.memref_slice %arg7[%dma_start3A_13, %dma_start3A_14] : memref<80x128xi32, #tpu.memory_space<vmem>> -> memref<1x128xi32, #tpu.memory_space<vmem>>
    %dma_start3A_16 = tpu.memref_squeeze %dma_start3A_15 : memref<1x128xi32, #tpu.memory_space<vmem>> -> memref<128xi32, #tpu.memory_space<vmem>>
    %dma_start3A_17 = arith.constant 0 : i32
    %dma_start3A_18 = arith.constant 0 : i32
    %dma_start3A_19 = tpu.memref_slice %arg2[%dma_start3A_17, %dma_start3A_18] : memref<10240x64xf32, #tpu.memory_space<hbm>> -> memref<10240x64xf32, #tpu.memory_space<hbm>>
    tpu.enqueue_indirect_dma source(%dma_start3A_19 : memref<10240x64xf32, #tpu.memory_space<hbm>>) target(%arg10 : memref<128x64xf32, #tpu.memory_space<vmem>>) offsets(%dma_start3A_16 : memref<128xi32, #tpu.memory_space<vmem>>) semaphore(%arg15 : memref<!tpu.dma_semaphore, #tpu.memory_space<semaphore_mem>>)
    %dma_start3A_20 = arith.constant 2 : i32
    %dma_start3A_21 = arith.constant 0 : i32
    %dma_start3A_22 = tpu.memref_slice %arg7[%dma_start3A_20, %dma_start3A_21] : memref<80x128xi32, #tpu.memory_space<vmem>> -> memref<1x128xi32, #tpu.memory_space<vmem>>
    %dma_start3A_23 = tpu.memref_squeeze %dma_start3A_22 : memref<1x128xi32, #tpu.memory_space<vmem>> -> memref<128xi32, #tpu.memory_space<vmem>>
    %dma_start3A_24 = arith.constant 0 : i32
    %dma_start3A_25 = arith.constant 0 : i32
    %dma_start3A_26 = tpu.memref_slice %arg2[%dma_start3A_24, %dma_start3A_25] : memref<10240x64xf32, #tpu.memory_space<hbm>> -> memref<10240x64xf32, #tpu.memory_space<hbm>>
    tpu.enqueue_indirect_dma source(%dma_start3A_26 : memref<10240x64xf32, #tpu.memory_space<hbm>>) target(%arg11 : memref<128x64xf32, #tpu.memory_space<vmem>>) offsets(%dma_start3A_23 : memref<128xi32, #tpu.memory_space<vmem>>) semaphore(%arg16 : memref<!tpu.dma_semaphore, #tpu.memory_space<semaphore_mem>>)
    %dma_start3A_27 = arith.constant 3 : i32
    %dma_start3A_28 = arith.constant 0 : i32
    %dma_start3A_29 = tpu.memref_slice %arg7[%dma_start3A_27, %dma_start3A_28] : memref<80x128xi32, #tpu.memory_space<vmem>> -> memref<1x128xi32, #tpu.memory_space<vmem>>
    %dma_start3A_30 = tpu.memref_squeeze %dma_start3A_29 : memref<1x128xi32, #tpu.memory_space<vmem>> -> memref<128xi32, #tpu.memory_space<vmem>>
    %dma_start3A_31 = arith.constant 0 : i32
    %dma_start3A_32 = arith.constant 0 : i32
    %dma_start3A_33 = tpu.memref_slice %arg2[%dma_start3A_31, %dma_start3A_32] : memref<10240x64xf32, #tpu.memory_space<hbm>> -> memref<10240x64xf32, #tpu.memory_space<hbm>>
    tpu.enqueue_indirect_dma source(%dma_start3A_33 : memref<10240x64xf32, #tpu.memory_space<hbm>>) target(%arg12 : memref<128x64xf32, #tpu.memory_space<vmem>>) offsets(%dma_start3A_30 : memref<128xi32, #tpu.memory_space<vmem>>) semaphore(%arg17 : memref<!tpu.dma_semaphore, #tpu.memory_space<semaphore_mem>>)
    %scan3A = arith.constant 0 : i32
    %scan3A_34 = arith.constant 0 : i32
    %scan3A_35 = arith.constant 20 : i32
    %scan3A_36 = arith.addi %scan3A_34, %scan3A_35 : i32
    %scan3A_37 = arith.constant 1 : i32
    scf.for %scan3A_44 = %scan3A_34 to %scan3A_36 step %scan3A_37  : i32 {
      %mul3A_45 = arith.constant 4 : i32
      %mul3A_46 = arith.muli %scan3A_44, %mul3A_45 : i32
      %add3A_47 = arith.constant 0 : i32
      %add3A_48 = arith.addi %mul3A_46, %add3A_47 : i32
      %dma_wait3A = arith.constant 0 : i32
      %dma_wait3A_49 = tpu.memref_slice %arg7[%add3A_48, %dma_wait3A] : memref<80x128xi32, #tpu.memory_space<vmem>> -> memref<1x128xi32, #tpu.memory_space<vmem>>
      %dma_wait3A_50 = tpu.memref_squeeze %dma_wait3A_49 : memref<1x128xi32, #tpu.memory_space<vmem>> -> memref<128xi32, #tpu.memory_space<vmem>>
      %dma_wait3A_51 = arith.constant 0 : i32
      %dma_wait3A_52 = arith.constant 0 : i32
      %dma_wait3A_53 = tpu.memref_slice %arg2[%dma_wait3A_51, %dma_wait3A_52] : memref<10240x64xf32, #tpu.memory_space<hbm>> -> memref<10240x64xf32, #tpu.memory_space<hbm>>
      tpu.wait_indirect_dma semaphore(%arg14 : memref<!tpu.dma_semaphore, #tpu.memory_space<semaphore_mem>>) src(%dma_wait3A_53 : memref<10240x64xf32, #tpu.memory_space<hbm>>) dst(%arg9 : memref<128x64xf32, #tpu.memory_space<vmem>>)
      %add3A_54 = arith.constant 0 : i32
      %add3A_55 = arith.addi %mul3A_46, %add3A_54 : i32
      "tpu.region"() ({
        %run_scoped3A = tpu.sem_alloc : memref<!tpu.dma_semaphore, #tpu.memory_space<semaphore_mem>>
        %dma_start3A_103 = arith.constant 0 : i32
        %dma_start3A_104 = tpu.memref_slice %arg8[%add3A_55, %dma_start3A_103] : memref<80x128xi32, #tpu.memory_space<vmem>> -> memref<1x128xi32, #tpu.memory_space<vmem>>
        %dma_start3A_105 = tpu.memref_squeeze %dma_start3A_104 : memref<1x128xi32, #tpu.memory_space<vmem>> -> memref<128xi32, #tpu.memory_space<vmem>>
        %dma_start3A_106 = arith.constant 0 : i32
        %dma_start3A_107 = arith.constant 0 : i32
        %dma_start3A_108 = tpu.memref_slice %arg13[%dma_start3A_106, %dma_start3A_107] : memref<10240x64xf32, #tpu.memory_space<vmem_shared>> -> memref<10240x64xf32, #tpu.memory_space<vmem_shared>>
        tpu.enqueue_indirect_dma source(%arg9 : memref<128x64xf32, #tpu.memory_space<vmem>>) target(%dma_start3A_108 : memref<10240x64xf32, #tpu.memory_space<vmem_shared>>) offsets(%dma_start3A_105 : memref<128xi32, #tpu.memory_space<vmem>>) semaphore(%run_scoped3A : memref<!tpu.dma_semaphore, #tpu.memory_space<semaphore_mem>>) {add = true}
        %dma_wait3A_109 = arith.constant 0 : i32
        %dma_wait3A_110 = tpu.memref_slice %arg8[%add3A_55, %dma_wait3A_109] : memref<80x128xi32, #tpu.memory_space<vmem>> -> memref<1x128xi32, #tpu.memory_space<vmem>>
        %dma_wait3A_111 = tpu.memref_squeeze %dma_wait3A_110 : memref<1x128xi32, #tpu.memory_space<vmem>> -> memref<128xi32, #tpu.memory_space<vmem>>
        %dma_wait3A_112 = arith.constant 0 : i32
        %dma_wait3A_113 = arith.constant 0 : i32
        %dma_wait3A_114 = tpu.memref_slice %arg13[%dma_wait3A_112, %dma_wait3A_113] : memref<10240x64xf32, #tpu.memory_space<vmem_shared>> -> memref<10240x64xf32, #tpu.memory_space<vmem_shared>>
        tpu.wait_indirect_dma semaphore(%run_scoped3A : memref<!tpu.dma_semaphore, #tpu.memory_space<semaphore_mem>>) src(%arg9 : memref<128x64xf32, #tpu.memory_space<vmem>>) dst(%dma_wait3A_114 : memref<10240x64xf32, #tpu.memory_space<vmem_shared>>)
        tpu.yield
      }) : () -> ()
      %lt3A = arith.constant 19 : i32
      %lt3A_56 = arith.cmpi slt, %scan3A_44, %lt3A : i32
      %convert_element_type3A = arith.extui %lt3A_56 : i1 to i32
      %cond3A = arith.constant 0 : i32
      %cond3A_57 = arith.cmpi ne, %convert_element_type3A, %cond3A : i32
      scf.if %cond3A_57 {
        %add3A_103 = arith.constant 4 : i32
        %add3A_104 = arith.addi %mul3A_46, %add3A_103 : i32
        %add3A_105 = arith.constant 0 : i32
        %add3A_106 = arith.addi %add3A_104, %add3A_105 : i32
        %dma_start3A_107 = arith.constant 0 : i32
        %dma_start3A_108 = tpu.memref_slice %arg7[%add3A_106, %dma_start3A_107] : memref<80x128xi32, #tpu.memory_space<vmem>> -> memref<1x128xi32, #tpu.memory_space<vmem>>
        %dma_start3A_109 = tpu.memref_squeeze %dma_start3A_108 : memref<1x128xi32, #tpu.memory_space<vmem>> -> memref<128xi32, #tpu.memory_space<vmem>>
        %dma_start3A_110 = arith.constant 0 : i32
        %dma_start3A_111 = arith.constant 0 : i32
        %dma_start3A_112 = tpu.memref_slice %arg2[%dma_start3A_110, %dma_start3A_111] : memref<10240x64xf32, #tpu.memory_space<hbm>> -> memref<10240x64xf32, #tpu.memory_space<hbm>>
        tpu.enqueue_indirect_dma source(%dma_start3A_112 : memref<10240x64xf32, #tpu.memory_space<hbm>>) target(%arg9 : memref<128x64xf32, #tpu.memory_space<vmem>>) offsets(%dma_start3A_109 : memref<128xi32, #tpu.memory_space<vmem>>) semaphore(%arg14 : memref<!tpu.dma_semaphore, #tpu.memory_space<semaphore_mem>>)
      } else {
      }
      %add3A_58 = arith.constant 1 : i32
      %add3A_59 = arith.addi %mul3A_46, %add3A_58 : i32
      %dma_wait3A_60 = arith.constant 0 : i32
      %dma_wait3A_61 = tpu.memref_slice %arg7[%add3A_59, %dma_wait3A_60] : memref<80x128xi32, #tpu.memory_space<vmem>> -> memref<1x128xi32, #tpu.memory_space<vmem>>
      %dma_wait3A_62 = tpu.memref_squeeze %dma_wait3A_61 : memref<1x128xi32, #tpu.memory_space<vmem>> -> memref<128xi32, #tpu.memory_space<vmem>>
      %dma_wait3A_63 = arith.constant 0 : i32
      %dma_wait3A_64 = arith.constant 0 : i32
      %dma_wait3A_65 = tpu.memref_slice %arg2[%dma_wait3A_63, %dma_wait3A_64] : memref<10240x64xf32, #tpu.memory_space<hbm>> -> memref<10240x64xf32, #tpu.memory_space<hbm>>
      tpu.wait_indirect_dma semaphore(%arg15 : memref<!tpu.dma_semaphore, #tpu.memory_space<semaphore_mem>>) src(%dma_wait3A_65 : memref<10240x64xf32, #tpu.memory_space<hbm>>) dst(%arg10 : memref<128x64xf32, #tpu.memory_space<vmem>>)
      %add3A_66 = arith.constant 1 : i32
      %add3A_67 = arith.addi %mul3A_46, %add3A_66 : i32
      "tpu.region"() ({
        %run_scoped3A = tpu.sem_alloc : memref<!tpu.dma_semaphore, #tpu.memory_space<semaphore_mem>>
        %dma_start3A_103 = arith.constant 0 : i32
        %dma_start3A_104 = tpu.memref_slice %arg8[%add3A_67, %dma_start3A_103] : memref<80x128xi32, #tpu.memory_space<vmem>> -> memref<1x128xi32, #tpu.memory_space<vmem>>
        %dma_start3A_105 = tpu.memref_squeeze %dma_start3A_104 : memref<1x128xi32, #tpu.memory_space<vmem>> -> memref<128xi32, #tpu.memory_space<vmem>>
        %dma_start3A_106 = arith.constant 0 : i32
        %dma_start3A_107 = arith.constant 0 : i32
        %dma_start3A_108 = tpu.memref_slice %arg13[%dma_start3A_106, %dma_start3A_107] : memref<10240x64xf32, #tpu.memory_space<vmem_shared>> -> memref<10240x64xf32, #tpu.memory_space<vmem_shared>>
        tpu.enqueue_indirect_dma source(%arg10 : memref<128x64xf32, #tpu.memory_space<vmem>>) target(%dma_start3A_108 : memref<10240x64xf32, #tpu.memory_space<vmem_shared>>) offsets(%dma_start3A_105 : memref<128xi32, #tpu.memory_space<vmem>>) semaphore(%run_scoped3A : memref<!tpu.dma_semaphore, #tpu.memory_space<semaphore_mem>>) {add = true}
        %dma_wait3A_109 = arith.constant 0 : i32
        %dma_wait3A_110 = tpu.memref_slice %arg8[%add3A_67, %dma_wait3A_109] : memref<80x128xi32, #tpu.memory_space<vmem>> -> memref<1x128xi32, #tpu.memory_space<vmem>>
        %dma_wait3A_111 = tpu.memref_squeeze %dma_wait3A_110 : memref<1x128xi32, #tpu.memory_space<vmem>> -> memref<128xi32, #tpu.memory_space<vmem>>
        %dma_wait3A_112 = arith.constant 0 : i32
        %dma_wait3A_113 = arith.constant 0 : i32
        %dma_wait3A_114 = tpu.memref_slice %arg13[%dma_wait3A_112, %dma_wait3A_113] : memref<10240x64xf32, #tpu.memory_space<vmem_shared>> -> memref<10240x64xf32, #tpu.memory_space<vmem_shared>>
        tpu.wait_indirect_dma semaphore(%run_scoped3A : memref<!tpu.dma_semaphore, #tpu.memory_space<semaphore_mem>>) src(%arg10 : memref<128x64xf32, #tpu.memory_space<vmem>>) dst(%dma_wait3A_114 : memref<10240x64xf32, #tpu.memory_space<vmem_shared>>)
        tpu.yield
      }) : () -> ()
      %lt3A_68 = arith.constant 19 : i32
      %lt3A_69 = arith.cmpi slt, %scan3A_44, %lt3A_68 : i32
      %convert_element_type3A_70 = arith.extui %lt3A_69 : i1 to i32
      %cond3A_71 = arith.constant 0 : i32
      %cond3A_72 = arith.cmpi ne, %convert_element_type3A_70, %cond3A_71 : i32
      scf.if %cond3A_72 {
        %add3A_103 = arith.constant 4 : i32
        %add3A_104 = arith.addi %mul3A_46, %add3A_103 : i32
        %add3A_105 = arith.constant 1 : i32
        %add3A_106 = arith.addi %add3A_104, %add3A_105 : i32
        %dma_start3A_107 = arith.constant 0 : i32
        %dma_start3A_108 = tpu.memref_slice %arg7[%add3A_106, %dma_start3A_107] : memref<80x128xi32, #tpu.memory_space<vmem>> -> memref<1x128xi32, #tpu.memory_space<vmem>>
        %dma_start3A_109 = tpu.memref_squeeze %dma_start3A_108 : memref<1x128xi32, #tpu.memory_space<vmem>> -> memref<128xi32, #tpu.memory_space<vmem>>
        %dma_start3A_110 = arith.constant 0 : i32
        %dma_start3A_111 = arith.constant 0 : i32
        %dma_start3A_112 = tpu.memref_slice %arg2[%dma_start3A_110, %dma_start3A_111] : memref<10240x64xf32, #tpu.memory_space<hbm>> -> memref<10240x64xf32, #tpu.memory_space<hbm>>
        tpu.enqueue_indirect_dma source(%dma_start3A_112 : memref<10240x64xf32, #tpu.memory_space<hbm>>) target(%arg10 : memref<128x64xf32, #tpu.memory_space<vmem>>) offsets(%dma_start3A_109 : memref<128xi32, #tpu.memory_space<vmem>>) semaphore(%arg15 : memref<!tpu.dma_semaphore, #tpu.memory_space<semaphore_mem>>)
      } else {
      }
      %add3A_73 = arith.constant 2 : i32
      %add3A_74 = arith.addi %mul3A_46, %add3A_73 : i32
      %dma_wait3A_75 = arith.constant 0 : i32
      %dma_wait3A_76 = tpu.memref_slice %arg7[%add3A_74, %dma_wait3A_75] : memref<80x128xi32, #tpu.memory_space<vmem>> -> memref<1x128xi32, #tpu.memory_space<vmem>>
      %dma_wait3A_77 = tpu.memref_squeeze %dma_wait3A_76 : memref<1x128xi32, #tpu.memory_space<vmem>> -> memref<128xi32, #tpu.memory_space<vmem>>
      %dma_wait3A_78 = arith.constant 0 : i32
      %dma_wait3A_79 = arith.constant 0 : i32
      %dma_wait3A_80 = tpu.memref_slice %arg2[%dma_wait3A_78, %dma_wait3A_79] : memref<10240x64xf32, #tpu.memory_space<hbm>> -> memref<10240x64xf32, #tpu.memory_space<hbm>>
      tpu.wait_indirect_dma semaphore(%arg16 : memref<!tpu.dma_semaphore, #tpu.memory_space<semaphore_mem>>) src(%dma_wait3A_80 : memref<10240x64xf32, #tpu.memory_space<hbm>>) dst(%arg11 : memref<128x64xf32, #tpu.memory_space<vmem>>)
      %add3A_81 = arith.constant 2 : i32
      %add3A_82 = arith.addi %mul3A_46, %add3A_81 : i32
      "tpu.region"() ({
        %run_scoped3A = tpu.sem_alloc : memref<!tpu.dma_semaphore, #tpu.memory_space<semaphore_mem>>
        %dma_start3A_103 = arith.constant 0 : i32
        %dma_start3A_104 = tpu.memref_slice %arg8[%add3A_82, %dma_start3A_103] : memref<80x128xi32, #tpu.memory_space<vmem>> -> memref<1x128xi32, #tpu.memory_space<vmem>>
        %dma_start3A_105 = tpu.memref_squeeze %dma_start3A_104 : memref<1x128xi32, #tpu.memory_space<vmem>> -> memref<128xi32, #tpu.memory_space<vmem>>
        %dma_start3A_106 = arith.constant 0 : i32
        %dma_start3A_107 = arith.constant 0 : i32
        %dma_start3A_108 = tpu.memref_slice %arg13[%dma_start3A_106, %dma_start3A_107] : memref<10240x64xf32, #tpu.memory_space<vmem_shared>> -> memref<10240x64xf32, #tpu.memory_space<vmem_shared>>
        tpu.enqueue_indirect_dma source(%arg11 : memref<128x64xf32, #tpu.memory_space<vmem>>) target(%dma_start3A_108 : memref<10240x64xf32, #tpu.memory_space<vmem_shared>>) offsets(%dma_start3A_105 : memref<128xi32, #tpu.memory_space<vmem>>) semaphore(%run_scoped3A : memref<!tpu.dma_semaphore, #tpu.memory_space<semaphore_mem>>) {add = true}
        %dma_wait3A_109 = arith.constant 0 : i32
        %dma_wait3A_110 = tpu.memref_slice %arg8[%add3A_82, %dma_wait3A_109] : memref<80x128xi32, #tpu.memory_space<vmem>> -> memref<1x128xi32, #tpu.memory_space<vmem>>
        %dma_wait3A_111 = tpu.memref_squeeze %dma_wait3A_110 : memref<1x128xi32, #tpu.memory_space<vmem>> -> memref<128xi32, #tpu.memory_space<vmem>>
        %dma_wait3A_112 = arith.constant 0 : i32
        %dma_wait3A_113 = arith.constant 0 : i32
        %dma_wait3A_114 = tpu.memref_slice %arg13[%dma_wait3A_112, %dma_wait3A_113] : memref<10240x64xf32, #tpu.memory_space<vmem_shared>> -> memref<10240x64xf32, #tpu.memory_space<vmem_shared>>
        tpu.wait_indirect_dma semaphore(%run_scoped3A : memref<!tpu.dma_semaphore, #tpu.memory_space<semaphore_mem>>) src(%arg11 : memref<128x64xf32, #tpu.memory_space<vmem>>) dst(%dma_wait3A_114 : memref<10240x64xf32, #tpu.memory_space<vmem_shared>>)
        tpu.yield
      }) : () -> ()
      %lt3A_83 = arith.constant 19 : i32
      %lt3A_84 = arith.cmpi slt, %scan3A_44, %lt3A_83 : i32
      %convert_element_type3A_85 = arith.extui %lt3A_84 : i1 to i32
      %cond3A_86 = arith.constant 0 : i32
      %cond3A_87 = arith.cmpi ne, %convert_element_type3A_85, %cond3A_86 : i32
      scf.if %cond3A_87 {
        %add3A_103 = arith.constant 4 : i32
        %add3A_104 = arith.addi %mul3A_46, %add3A_103 : i32
        %add3A_105 = arith.constant 2 : i32
        %add3A_106 = arith.addi %add3A_104, %add3A_105 : i32
        %dma_start3A_107 = arith.constant 0 : i32
        %dma_start3A_108 = tpu.memref_slice %arg7[%add3A_106, %dma_start3A_107] : memref<80x128xi32, #tpu.memory_space<vmem>> -> memref<1x128xi32, #tpu.memory_space<vmem>>
        %dma_start3A_109 = tpu.memref_squeeze %dma_start3A_108 : memref<1x128xi32, #tpu.memory_space<vmem>> -> memref<128xi32, #tpu.memory_space<vmem>>
        %dma_start3A_110 = arith.constant 0 : i32
        %dma_start3A_111 = arith.constant 0 : i32
        %dma_start3A_112 = tpu.memref_slice %arg2[%dma_start3A_110, %dma_start3A_111] : memref<10240x64xf32, #tpu.memory_space<hbm>> -> memref<10240x64xf32, #tpu.memory_space<hbm>>
        tpu.enqueue_indirect_dma source(%dma_start3A_112 : memref<10240x64xf32, #tpu.memory_space<hbm>>) target(%arg11 : memref<128x64xf32, #tpu.memory_space<vmem>>) offsets(%dma_start3A_109 : memref<128xi32, #tpu.memory_space<vmem>>) semaphore(%arg16 : memref<!tpu.dma_semaphore, #tpu.memory_space<semaphore_mem>>)
      } else {
      }
      %add3A_88 = arith.constant 3 : i32
      %add3A_89 = arith.addi %mul3A_46, %add3A_88 : i32
      %dma_wait3A_90 = arith.constant 0 : i32
      %dma_wait3A_91 = tpu.memref_slice %arg7[%add3A_89, %dma_wait3A_90] : memref<80x128xi32, #tpu.memory_space<vmem>> -> memref<1x128xi32, #tpu.memory_space<vmem>>
      %dma_wait3A_92 = tpu.memref_squeeze %dma_wait3A_91 : memref<1x128xi32, #tpu.memory_space<vmem>> -> memref<128xi32, #tpu.memory_space<vmem>>
      %dma_wait3A_93 = arith.constant 0 : i32
      %dma_wait3A_94 = arith.constant 0 : i32
      %dma_wait3A_95 = tpu.memref_slice %arg2[%dma_wait3A_93, %dma_wait3A_94] : memref<10240x64xf32, #tpu.memory_space<hbm>> -> memref<10240x64xf32, #tpu.memory_space<hbm>>
      tpu.wait_indirect_dma semaphore(%arg17 : memref<!tpu.dma_semaphore, #tpu.memory_space<semaphore_mem>>) src(%dma_wait3A_95 : memref<10240x64xf32, #tpu.memory_space<hbm>>) dst(%arg12 : memref<128x64xf32, #tpu.memory_space<vmem>>)
      %add3A_96 = arith.constant 3 : i32
      %add3A_97 = arith.addi %mul3A_46, %add3A_96 : i32
      "tpu.region"() ({
        %run_scoped3A = tpu.sem_alloc : memref<!tpu.dma_semaphore, #tpu.memory_space<semaphore_mem>>
        %dma_start3A_103 = arith.constant 0 : i32
        %dma_start3A_104 = tpu.memref_slice %arg8[%add3A_97, %dma_start3A_103] : memref<80x128xi32, #tpu.memory_space<vmem>> -> memref<1x128xi32, #tpu.memory_space<vmem>>
        %dma_start3A_105 = tpu.memref_squeeze %dma_start3A_104 : memref<1x128xi32, #tpu.memory_space<vmem>> -> memref<128xi32, #tpu.memory_space<vmem>>
        %dma_start3A_106 = arith.constant 0 : i32
        %dma_start3A_107 = arith.constant 0 : i32
        %dma_start3A_108 = tpu.memref_slice %arg13[%dma_start3A_106, %dma_start3A_107] : memref<10240x64xf32, #tpu.memory_space<vmem_shared>> -> memref<10240x64xf32, #tpu.memory_space<vmem_shared>>
        tpu.enqueue_indirect_dma source(%arg12 : memref<128x64xf32, #tpu.memory_space<vmem>>) target(%dma_start3A_108 : memref<10240x64xf32, #tpu.memory_space<vmem_shared>>) offsets(%dma_start3A_105 : memref<128xi32, #tpu.memory_space<vmem>>) semaphore(%run_scoped3A : memref<!tpu.dma_semaphore, #tpu.memory_space<semaphore_mem>>) {add = true}
        %dma_wait3A_109 = arith.constant 0 : i32
        %dma_wait3A_110 = tpu.memref_slice %arg8[%add3A_97, %dma_wait3A_109] : memref<80x128xi32, #tpu.memory_space<vmem>> -> memref<1x128xi32, #tpu.memory_space<vmem>>
        %dma_wait3A_111 = tpu.memref_squeeze %dma_wait3A_110 : memref<1x128xi32, #tpu.memory_space<vmem>> -> memref<128xi32, #tpu.memory_space<vmem>>
        %dma_wait3A_112 = arith.constant 0 : i32
        %dma_wait3A_113 = arith.constant 0 : i32
        %dma_wait3A_114 = tpu.memref_slice %arg13[%dma_wait3A_112, %dma_wait3A_113] : memref<10240x64xf32, #tpu.memory_space<vmem_shared>> -> memref<10240x64xf32, #tpu.memory_space<vmem_shared>>
        tpu.wait_indirect_dma semaphore(%run_scoped3A : memref<!tpu.dma_semaphore, #tpu.memory_space<semaphore_mem>>) src(%arg12 : memref<128x64xf32, #tpu.memory_space<vmem>>) dst(%dma_wait3A_114 : memref<10240x64xf32, #tpu.memory_space<vmem_shared>>)
        tpu.yield
      }) : () -> ()
      %lt3A_98 = arith.constant 19 : i32
      %lt3A_99 = arith.cmpi slt, %scan3A_44, %lt3A_98 : i32
      %convert_element_type3A_100 = arith.extui %lt3A_99 : i1 to i32
      %cond3A_101 = arith.constant 0 : i32
      %cond3A_102 = arith.cmpi ne, %convert_element_type3A_100, %cond3A_101 : i32
      scf.if %cond3A_102 {
        %add3A_103 = arith.constant 4 : i32
        %add3A_104 = arith.addi %mul3A_46, %add3A_103 : i32
        %add3A_105 = arith.constant 3 : i32
        %add3A_106 = arith.addi %add3A_104, %add3A_105 : i32
        %dma_start3A_107 = arith.constant 0 : i32
        %dma_start3A_108 = tpu.memref_slice %arg7[%add3A_106, %dma_start3A_107] : memref<80x128xi32, #tpu.memory_space<vmem>> -> memref<1x128xi32, #tpu.memory_space<vmem>>
        %dma_start3A_109 = tpu.memref_squeeze %dma_start3A_108 : memref<1x128xi32, #tpu.memory_space<vmem>> -> memref<128xi32, #tpu.memory_space<vmem>>
        %dma_start3A_110 = arith.constant 0 : i32
        %dma_start3A_111 = arith.constant 0 : i32
        %dma_start3A_112 = tpu.memref_slice %arg2[%dma_start3A_110, %dma_start3A_111] : memref<10240x64xf32, #tpu.memory_space<hbm>> -> memref<10240x64xf32, #tpu.memory_space<hbm>>
        tpu.enqueue_indirect_dma source(%dma_start3A_112 : memref<10240x64xf32, #tpu.memory_space<hbm>>) target(%arg12 : memref<128x64xf32, #tpu.memory_space<vmem>>) offsets(%dma_start3A_109 : memref<128xi32, #tpu.memory_space<vmem>>) semaphore(%arg17 : memref<!tpu.dma_semaphore, #tpu.memory_space<semaphore_mem>>)
      } else {
      }
    }
    %scan3A_38 = arith.constant 20 : i32
    %barrier3A_39 = arith.constant 0 : index
    tpu.barrier barrier_id(%barrier3A_39)
    %mul3A_40 = arith.constant 640 : i32
    %mul3A_41 = arith.muli %arg1, %mul3A_40 : i32
    %mul3A_42 = arith.constant 640 : i32
    %mul3A_43 = arith.muli %arg1, %mul3A_42 : i32
    "tpu.region"() ({
      %run_scoped3A = tpu.sem_alloc : memref<!tpu.dma_semaphore, #tpu.memory_space<semaphore_mem>>
      %dma_start3A_44 = arith.constant 0 : i32
      %dma_start3A_45 = tpu.memref_slice %arg6[%arg0, %mul3A_43, %dma_start3A_44] : memref<2x10240x64xf32, #tpu.memory_space<hbm>> -> memref<1x640x64xf32, #tpu.memory_space<hbm>>
      %dma_start3A_46 = tpu.memref_squeeze %dma_start3A_45 : memref<1x640x64xf32, #tpu.memory_space<hbm>> -> memref<640x64xf32, #tpu.memory_space<hbm>>
      %dma_start3A_47 = arith.constant 0 : i32
      %dma_start3A_48 = tpu.memref_slice %arg13[%mul3A_41, %dma_start3A_47] : memref<10240x64xf32, #tpu.memory_space<vmem_shared>> -> memref<640x64xf32, #tpu.memory_space<vmem_shared>>
      tpu.enqueue_dma source(%dma_start3A_48 : memref<640x64xf32, #tpu.memory_space<vmem_shared>>) target(%dma_start3A_46 : memref<640x64xf32, #tpu.memory_space<hbm>>) target_semaphore(%run_scoped3A : memref<!tpu.dma_semaphore, #tpu.memory_space<semaphore_mem>>)
      %dma_wait3A = arith.constant 0 : i32
      %dma_wait3A_49 = tpu.memref_slice %arg6[%arg0, %mul3A_43, %dma_wait3A] : memref<2x10240x64xf32, #tpu.memory_space<hbm>> -> memref<1x640x64xf32, #tpu.memory_space<hbm>>
      %dma_wait3A_50 = tpu.memref_squeeze %dma_wait3A_49 : memref<1x640x64xf32, #tpu.memory_space<hbm>> -> memref<640x64xf32, #tpu.memory_space<hbm>>
      %dma_wait3A_51 = arith.constant 0 : i32
      %dma_wait3A_52 = tpu.memref_slice %arg13[%mul3A_41, %dma_wait3A_51] : memref<10240x64xf32, #tpu.memory_space<vmem_shared>> -> memref<640x64xf32, #tpu.memory_space<vmem_shared>>
      tpu.wait_dma2 semaphore(%run_scoped3A : memref<!tpu.dma_semaphore, #tpu.memory_space<semaphore_mem>>) src(%dma_wait3A_52 : memref<640x64xf32, #tpu.memory_space<vmem_shared>>) dst(%dma_wait3A_50 : memref<640x64xf32, #tpu.memory_space<hbm>>)
      tpu.yield
    }) : () -> ()
    return
  }
}

#map = affine_map<(d0, d1) -> (0, 0)>
#map1 = affine_map<(d0, d1) -> (0, 0, 0)>
module attributes {stable_mosaic.version = 14 : i64} {
  func.func @agg_kernel(%arg0: i32, %arg1: i32, %arg2: memref<10240x64xf32, #tpu.memory_space<hbm>>, %arg3: memref<2560x128xi32, #tpu.memory_space<hbm>>, %arg4: memref<2560x128xi32, #tpu.memory_space<hbm>>, %arg5: memref<640x64xf32, #tpu.memory_space<hbm>>, %arg6: memref<2x10240x64xf32, #tpu.memory_space<hbm>>, %arg7: memref<80x128xi32, #tpu.memory_space<vmem>>, %arg8: memref<80x128xi32, #tpu.memory_space<vmem>>, %arg9: memref<128x64xf32, #tpu.memory_space<vmem>>, %arg10: memref<128x64xf32, #tpu.memory_space<vmem>>, %arg11: memref<128x64xf32, #tpu.memory_space<vmem>>, %arg12: memref<128x64xf32, #tpu.memory_space<vmem>>, %arg13: memref<10240x64xf32, #tpu.memory_space<vmem_shared>>, %arg14: memref<!tpu.dma_semaphore, #tpu.memory_space<semaphore_mem>>, %arg15: memref<!tpu.dma_semaphore, #tpu.memory_space<semaphore_mem>>, %arg16: memref<!tpu.dma_semaphore, #tpu.memory_space<semaphore_mem>>, %arg17: memref<!tpu.dma_semaphore, #tpu.memory_space<semaphore_mem>>) attributes {dimension_semantics = [#tpu.dimension_semantics<core_parallel>, #tpu.dimension_semantics<subcore_parallel>], iteration_bounds = array<i64: 2, 16>, scalar_prefetch = 0 : i64, scratch_operands = 11 : i64, tpu.core_type = #tpu.core_type<sc_vector_subcore>, window_params = [{transform_indices = #map}, {transform_indices = #map}, {transform_indices = #map}, {transform_indices = #map}, {transform_indices = #map1}]} {
    %mul3A = arith.constant 16 : i32
    %mul3A_0 = arith.muli %arg0, %mul3A : i32
    %add3A = arith.addi %mul3A_0, %arg1 : i32
    %mul3A_1 = arith.constant 640 : i32
    %mul3A_2 = arith.muli %arg1, %mul3A_1 : i32
    "tpu.region"() ({
      %run_scoped3A = tpu.sem_alloc : memref<!tpu.dma_semaphore, #tpu.memory_space<semaphore_mem>>
      %dma_start3A_44 = arith.constant 0 : i32
      %dma_start3A_45 = tpu.memref_slice %arg13[%mul3A_2, %dma_start3A_44] : memref<10240x64xf32, #tpu.memory_space<vmem_shared>> -> memref<640x64xf32, #tpu.memory_space<vmem_shared>>
      tpu.enqueue_dma source(%arg5 : memref<640x64xf32, #tpu.memory_space<hbm>>) target(%dma_start3A_45 : memref<640x64xf32, #tpu.memory_space<vmem_shared>>) target_semaphore(%run_scoped3A : memref<!tpu.dma_semaphore, #tpu.memory_space<semaphore_mem>>)
      %dma_wait3A = arith.constant 0 : i32
      %dma_wait3A_46 = tpu.memref_slice %arg13[%mul3A_2, %dma_wait3A] : memref<10240x64xf32, #tpu.memory_space<vmem_shared>> -> memref<640x64xf32, #tpu.memory_space<vmem_shared>>
      tpu.wait_dma2 semaphore(%run_scoped3A : memref<!tpu.dma_semaphore, #tpu.memory_space<semaphore_mem>>) src(%arg5 : memref<640x64xf32, #tpu.memory_space<hbm>>) dst(%dma_wait3A_46 : memref<640x64xf32, #tpu.memory_space<vmem_shared>>)
      tpu.yield
    }) : () -> ()
    %mul3A_3 = arith.constant 80 : i32
    %mul3A_4 = arith.muli %add3A, %mul3A_3 : i32
    "tpu.region"() ({
      %run_scoped3A = tpu.sem_alloc : memref<!tpu.dma_semaphore, #tpu.memory_space<semaphore_mem>>
      %dma_start3A_44 = arith.constant 0 : i32
      %dma_start3A_45 = tpu.memref_slice %arg3[%mul3A_4, %dma_start3A_44] : memref<2560x128xi32, #tpu.memory_space<hbm>> -> memref<80x128xi32, #tpu.memory_space<hbm>>
      %dma_start3A_46 = arith.constant 0 : i32
      %dma_start3A_47 = tpu.memref_slice %arg3[%mul3A_4, %dma_start3A_46] : memref<2560x128xi32, #tpu.memory_space<hbm>> -> memref<80x128xi32, #tpu.memory_space<hbm>>
      tpu.enqueue_dma source(%dma_start3A_47 : memref<80x128xi32, #tpu.memory_space<hbm>>) target(%arg7 : memref<80x128xi32, #tpu.memory_space<vmem>>) target_semaphore(%run_scoped3A : memref<!tpu.dma_semaphore, #tpu.memory_space<semaphore_mem>>)
      %dma_wait3A = arith.constant 0 : i32
      %dma_wait3A_48 = tpu.memref_slice %arg3[%mul3A_4, %dma_wait3A] : memref<2560x128xi32, #tpu.memory_space<hbm>> -> memref<80x128xi32, #tpu.memory_space<hbm>>
      %dma_wait3A_49 = arith.constant 0 : i32
      %dma_wait3A_50 = tpu.memref_slice %arg3[%mul3A_4, %dma_wait3A_49] : memref<2560x128xi32, #tpu.memory_space<hbm>> -> memref<80x128xi32, #tpu.memory_space<hbm>>
      tpu.wait_dma2 semaphore(%run_scoped3A : memref<!tpu.dma_semaphore, #tpu.memory_space<semaphore_mem>>) src(%dma_wait3A_50 : memref<80x128xi32, #tpu.memory_space<hbm>>) dst(%arg7 : memref<80x128xi32, #tpu.memory_space<vmem>>)
      tpu.yield
    }) : () -> ()
    %mul3A_5 = arith.constant 80 : i32
    %mul3A_6 = arith.muli %add3A, %mul3A_5 : i32
    "tpu.region"() ({
      %run_scoped3A = tpu.sem_alloc : memref<!tpu.dma_semaphore, #tpu.memory_space<semaphore_mem>>
      %dma_start3A_44 = arith.constant 0 : i32
      %dma_start3A_45 = tpu.memref_slice %arg4[%mul3A_6, %dma_start3A_44] : memref<2560x128xi32, #tpu.memory_space<hbm>> -> memref<80x128xi32, #tpu.memory_space<hbm>>
      %dma_start3A_46 = arith.constant 0 : i32
      %dma_start3A_47 = tpu.memref_slice %arg4[%mul3A_6, %dma_start3A_46] : memref<2560x128xi32, #tpu.memory_space<hbm>> -> memref<80x128xi32, #tpu.memory_space<hbm>>
      tpu.enqueue_dma source(%dma_start3A_47 : memref<80x128xi32, #tpu.memory_space<hbm>>) target(%arg8 : memref<80x128xi32, #tpu.memory_space<vmem>>) target_semaphore(%run_scoped3A : memref<!tpu.dma_semaphore, #tpu.memory_space<semaphore_mem>>)
      %dma_wait3A = arith.constant 0 : i32
      %dma_wait3A_48 = tpu.memref_slice %arg4[%mul3A_6, %dma_wait3A] : memref<2560x128xi32, #tpu.memory_space<hbm>> -> memref<80x128xi32, #tpu.memory_space<hbm>>
      %dma_wait3A_49 = arith.constant 0 : i32
      %dma_wait3A_50 = tpu.memref_slice %arg4[%mul3A_6, %dma_wait3A_49] : memref<2560x128xi32, #tpu.memory_space<hbm>> -> memref<80x128xi32, #tpu.memory_space<hbm>>
      tpu.wait_dma2 semaphore(%run_scoped3A : memref<!tpu.dma_semaphore, #tpu.memory_space<semaphore_mem>>) src(%dma_wait3A_50 : memref<80x128xi32, #tpu.memory_space<hbm>>) dst(%arg8 : memref<80x128xi32, #tpu.memory_space<vmem>>)
      tpu.yield
    }) : () -> ()
    %barrier3A = arith.constant 0 : index
    tpu.barrier barrier_id(%barrier3A)
    %dma_start3A = arith.constant 0 : i32
    %dma_start3A_7 = arith.constant 0 : i32
    %dma_start3A_8 = tpu.memref_slice %arg7[%dma_start3A, %dma_start3A_7] : memref<80x128xi32, #tpu.memory_space<vmem>> -> memref<1x128xi32, #tpu.memory_space<vmem>>
    %dma_start3A_9 = tpu.memref_squeeze %dma_start3A_8 : memref<1x128xi32, #tpu.memory_space<vmem>> -> memref<128xi32, #tpu.memory_space<vmem>>
    %dma_start3A_10 = arith.constant 0 : i32
    %dma_start3A_11 = arith.constant 0 : i32
    %dma_start3A_12 = tpu.memref_slice %arg2[%dma_start3A_10, %dma_start3A_11] : memref<10240x64xf32, #tpu.memory_space<hbm>> -> memref<10240x64xf32, #tpu.memory_space<hbm>>
    tpu.enqueue_indirect_dma source(%dma_start3A_12 : memref<10240x64xf32, #tpu.memory_space<hbm>>) target(%arg9 : memref<128x64xf32, #tpu.memory_space<vmem>>) offsets(%dma_start3A_9 : memref<128xi32, #tpu.memory_space<vmem>>) semaphore(%arg14 : memref<!tpu.dma_semaphore, #tpu.memory_space<semaphore_mem>>)
    %dma_start3A_13 = arith.constant 1 : i32
    %dma_start3A_14 = arith.constant 0 : i32
    %dma_start3A_15 = tpu.memref_slice %arg7[%dma_start3A_13, %dma_start3A_14] : memref<80x128xi32, #tpu.memory_space<vmem>> -> memref<1x128xi32, #tpu.memory_space<vmem>>
    %dma_start3A_16 = tpu.memref_squeeze %dma_start3A_15 : memref<1x128xi32, #tpu.memory_space<vmem>> -> memref<128xi32, #tpu.memory_space<vmem>>
    %dma_start3A_17 = arith.constant 0 : i32
    %dma_start3A_18 = arith.constant 0 : i32
    %dma_start3A_19 = tpu.memref_slice %arg2[%dma_start3A_17, %dma_start3A_18] : memref<10240x64xf32, #tpu.memory_space<hbm>> -> memref<10240x64xf32, #tpu.memory_space<hbm>>
    tpu.enqueue_indirect_dma source(%dma_start3A_19 : memref<10240x64xf32, #tpu.memory_space<hbm>>) target(%arg10 : memref<128x64xf32, #tpu.memory_space<vmem>>) offsets(%dma_start3A_16 : memref<128xi32, #tpu.memory_space<vmem>>) semaphore(%arg15 : memref<!tpu.dma_semaphore, #tpu.memory_space<semaphore_mem>>)
    %dma_start3A_20 = arith.constant 2 : i32
    %dma_start3A_21 = arith.constant 0 : i32
    %dma_start3A_22 = tpu.memref_slice %arg7[%dma_start3A_20, %dma_start3A_21] : memref<80x128xi32, #tpu.memory_space<vmem>> -> memref<1x128xi32, #tpu.memory_space<vmem>>
    %dma_start3A_23 = tpu.memref_squeeze %dma_start3A_22 : memref<1x128xi32, #tpu.memory_space<vmem>> -> memref<128xi32, #tpu.memory_space<vmem>>
    %dma_start3A_24 = arith.constant 0 : i32
    %dma_start3A_25 = arith.constant 0 : i32
    %dma_start3A_26 = tpu.memref_slice %arg2[%dma_start3A_24, %dma_start3A_25] : memref<10240x64xf32, #tpu.memory_space<hbm>> -> memref<10240x64xf32, #tpu.memory_space<hbm>>
    tpu.enqueue_indirect_dma source(%dma_start3A_26 : memref<10240x64xf32, #tpu.memory_space<hbm>>) target(%arg11 : memref<128x64xf32, #tpu.memory_space<vmem>>) offsets(%dma_start3A_23 : memref<128xi32, #tpu.memory_space<vmem>>) semaphore(%arg16 : memref<!tpu.dma_semaphore, #tpu.memory_space<semaphore_mem>>)
    %dma_start3A_27 = arith.constant 3 : i32
    %dma_start3A_28 = arith.constant 0 : i32
    %dma_start3A_29 = tpu.memref_slice %arg7[%dma_start3A_27, %dma_start3A_28] : memref<80x128xi32, #tpu.memory_space<vmem>> -> memref<1x128xi32, #tpu.memory_space<vmem>>
    %dma_start3A_30 = tpu.memref_squeeze %dma_start3A_29 : memref<1x128xi32, #tpu.memory_space<vmem>> -> memref<128xi32, #tpu.memory_space<vmem>>
    %dma_start3A_31 = arith.constant 0 : i32
    %dma_start3A_32 = arith.constant 0 : i32
    %dma_start3A_33 = tpu.memref_slice %arg2[%dma_start3A_31, %dma_start3A_32] : memref<10240x64xf32, #tpu.memory_space<hbm>> -> memref<10240x64xf32, #tpu.memory_space<hbm>>
    tpu.enqueue_indirect_dma source(%dma_start3A_33 : memref<10240x64xf32, #tpu.memory_space<hbm>>) target(%arg12 : memref<128x64xf32, #tpu.memory_space<vmem>>) offsets(%dma_start3A_30 : memref<128xi32, #tpu.memory_space<vmem>>) semaphore(%arg17 : memref<!tpu.dma_semaphore, #tpu.memory_space<semaphore_mem>>)
    %scan3A = arith.constant 0 : i32
    %scan3A_34 = arith.constant 0 : i32
    %scan3A_35 = arith.constant 20 : i32
    %scan3A_36 = arith.addi %scan3A_34, %scan3A_35 : i32
    %scan3A_37 = arith.constant 1 : i32
    scf.for %scan3A_44 = %scan3A_34 to %scan3A_36 step %scan3A_37  : i32 {
      %mul3A_45 = arith.constant 4 : i32
      %mul3A_46 = arith.muli %scan3A_44, %mul3A_45 : i32
      %add3A_47 = arith.constant 0 : i32
      %add3A_48 = arith.addi %mul3A_46, %add3A_47 : i32
      %dma_wait3A = arith.constant 0 : i32
      %dma_wait3A_49 = tpu.memref_slice %arg7[%add3A_48, %dma_wait3A] : memref<80x128xi32, #tpu.memory_space<vmem>> -> memref<1x128xi32, #tpu.memory_space<vmem>>
      %dma_wait3A_50 = tpu.memref_squeeze %dma_wait3A_49 : memref<1x128xi32, #tpu.memory_space<vmem>> -> memref<128xi32, #tpu.memory_space<vmem>>
      %dma_wait3A_51 = arith.constant 0 : i32
      %dma_wait3A_52 = arith.constant 0 : i32
      %dma_wait3A_53 = tpu.memref_slice %arg2[%dma_wait3A_51, %dma_wait3A_52] : memref<10240x64xf32, #tpu.memory_space<hbm>> -> memref<10240x64xf32, #tpu.memory_space<hbm>>
      tpu.wait_indirect_dma semaphore(%arg14 : memref<!tpu.dma_semaphore, #tpu.memory_space<semaphore_mem>>) src(%dma_wait3A_53 : memref<10240x64xf32, #tpu.memory_space<hbm>>) dst(%arg9 : memref<128x64xf32, #tpu.memory_space<vmem>>)
      %add3A_54 = arith.constant 0 : i32
      %add3A_55 = arith.addi %mul3A_46, %add3A_54 : i32
      "tpu.region"() ({
        %run_scoped3A = tpu.sem_alloc : memref<!tpu.dma_semaphore, #tpu.memory_space<semaphore_mem>>
        %dma_start3A_103 = arith.constant 0 : i32
        %dma_start3A_104 = tpu.memref_slice %arg8[%add3A_55, %dma_start3A_103] : memref<80x128xi32, #tpu.memory_space<vmem>> -> memref<1x128xi32, #tpu.memory_space<vmem>>
        %dma_start3A_105 = tpu.memref_squeeze %dma_start3A_104 : memref<1x128xi32, #tpu.memory_space<vmem>> -> memref<128xi32, #tpu.memory_space<vmem>>
        %dma_start3A_106 = arith.constant 0 : i32
        %dma_start3A_107 = arith.constant 0 : i32
        %dma_start3A_108 = tpu.memref_slice %arg13[%dma_start3A_106, %dma_start3A_107] : memref<10240x64xf32, #tpu.memory_space<vmem_shared>> -> memref<10240x64xf32, #tpu.memory_space<vmem_shared>>
        tpu.enqueue_indirect_dma source(%arg9 : memref<128x64xf32, #tpu.memory_space<vmem>>) target(%dma_start3A_108 : memref<10240x64xf32, #tpu.memory_space<vmem_shared>>) offsets(%dma_start3A_105 : memref<128xi32, #tpu.memory_space<vmem>>) semaphore(%run_scoped3A : memref<!tpu.dma_semaphore, #tpu.memory_space<semaphore_mem>>) {add = true}
        %dma_wait3A_109 = arith.constant 0 : i32
        %dma_wait3A_110 = tpu.memref_slice %arg8[%add3A_55, %dma_wait3A_109] : memref<80x128xi32, #tpu.memory_space<vmem>> -> memref<1x128xi32, #tpu.memory_space<vmem>>
        %dma_wait3A_111 = tpu.memref_squeeze %dma_wait3A_110 : memref<1x128xi32, #tpu.memory_space<vmem>> -> memref<128xi32, #tpu.memory_space<vmem>>
        %dma_wait3A_112 = arith.constant 0 : i32
        %dma_wait3A_113 = arith.constant 0 : i32
        %dma_wait3A_114 = tpu.memref_slice %arg13[%dma_wait3A_112, %dma_wait3A_113] : memref<10240x64xf32, #tpu.memory_space<vmem_shared>> -> memref<10240x64xf32, #tpu.memory_space<vmem_shared>>
        tpu.wait_indirect_dma semaphore(%run_scoped3A : memref<!tpu.dma_semaphore, #tpu.memory_space<semaphore_mem>>) src(%arg9 : memref<128x64xf32, #tpu.memory_space<vmem>>) dst(%dma_wait3A_114 : memref<10240x64xf32, #tpu.memory_space<vmem_shared>>)
        tpu.yield
      }) : () -> ()
      %lt3A = arith.constant 19 : i32
      %lt3A_56 = arith.cmpi slt, %scan3A_44, %lt3A : i32
      %convert_element_type3A = arith.extui %lt3A_56 : i1 to i32
      %cond3A = arith.constant 0 : i32
      %cond3A_57 = arith.cmpi ne, %convert_element_type3A, %cond3A : i32
      scf.if %cond3A_57 {
        %add3A_103 = arith.constant 4 : i32
        %add3A_104 = arith.addi %mul3A_46, %add3A_103 : i32
        %add3A_105 = arith.constant 0 : i32
        %add3A_106 = arith.addi %add3A_104, %add3A_105 : i32
        %dma_start3A_107 = arith.constant 0 : i32
        %dma_start3A_108 = tpu.memref_slice %arg7[%add3A_106, %dma_start3A_107] : memref<80x128xi32, #tpu.memory_space<vmem>> -> memref<1x128xi32, #tpu.memory_space<vmem>>
        %dma_start3A_109 = tpu.memref_squeeze %dma_start3A_108 : memref<1x128xi32, #tpu.memory_space<vmem>> -> memref<128xi32, #tpu.memory_space<vmem>>
        %dma_start3A_110 = arith.constant 0 : i32
        %dma_start3A_111 = arith.constant 0 : i32
        %dma_start3A_112 = tpu.memref_slice %arg2[%dma_start3A_110, %dma_start3A_111] : memref<10240x64xf32, #tpu.memory_space<hbm>> -> memref<10240x64xf32, #tpu.memory_space<hbm>>
        tpu.enqueue_indirect_dma source(%dma_start3A_112 : memref<10240x64xf32, #tpu.memory_space<hbm>>) target(%arg9 : memref<128x64xf32, #tpu.memory_space<vmem>>) offsets(%dma_start3A_109 : memref<128xi32, #tpu.memory_space<vmem>>) semaphore(%arg14 : memref<!tpu.dma_semaphore, #tpu.memory_space<semaphore_mem>>)
      } else {
      }
      %add3A_58 = arith.constant 1 : i32
      %add3A_59 = arith.addi %mul3A_46, %add3A_58 : i32
      %dma_wait3A_60 = arith.constant 0 : i32
      %dma_wait3A_61 = tpu.memref_slice %arg7[%add3A_59, %dma_wait3A_60] : memref<80x128xi32, #tpu.memory_space<vmem>> -> memref<1x128xi32, #tpu.memory_space<vmem>>
      %dma_wait3A_62 = tpu.memref_squeeze %dma_wait3A_61 : memref<1x128xi32, #tpu.memory_space<vmem>> -> memref<128xi32, #tpu.memory_space<vmem>>
      %dma_wait3A_63 = arith.constant 0 : i32
      %dma_wait3A_64 = arith.constant 0 : i32
      %dma_wait3A_65 = tpu.memref_slice %arg2[%dma_wait3A_63, %dma_wait3A_64] : memref<10240x64xf32, #tpu.memory_space<hbm>> -> memref<10240x64xf32, #tpu.memory_space<hbm>>
      tpu.wait_indirect_dma semaphore(%arg15 : memref<!tpu.dma_semaphore, #tpu.memory_space<semaphore_mem>>) src(%dma_wait3A_65 : memref<10240x64xf32, #tpu.memory_space<hbm>>) dst(%arg10 : memref<128x64xf32, #tpu.memory_space<vmem>>)
      %add3A_66 = arith.constant 1 : i32
      %add3A_67 = arith.addi %mul3A_46, %add3A_66 : i32
      "tpu.region"() ({
        %run_scoped3A = tpu.sem_alloc : memref<!tpu.dma_semaphore, #tpu.memory_space<semaphore_mem>>
        %dma_start3A_103 = arith.constant 0 : i32
        %dma_start3A_104 = tpu.memref_slice %arg8[%add3A_67, %dma_start3A_103] : memref<80x128xi32, #tpu.memory_space<vmem>> -> memref<1x128xi32, #tpu.memory_space<vmem>>
        %dma_start3A_105 = tpu.memref_squeeze %dma_start3A_104 : memref<1x128xi32, #tpu.memory_space<vmem>> -> memref<128xi32, #tpu.memory_space<vmem>>
        %dma_start3A_106 = arith.constant 0 : i32
        %dma_start3A_107 = arith.constant 0 : i32
        %dma_start3A_108 = tpu.memref_slice %arg13[%dma_start3A_106, %dma_start3A_107] : memref<10240x64xf32, #tpu.memory_space<vmem_shared>> -> memref<10240x64xf32, #tpu.memory_space<vmem_shared>>
        tpu.enqueue_indirect_dma source(%arg10 : memref<128x64xf32, #tpu.memory_space<vmem>>) target(%dma_start3A_108 : memref<10240x64xf32, #tpu.memory_space<vmem_shared>>) offsets(%dma_start3A_105 : memref<128xi32, #tpu.memory_space<vmem>>) semaphore(%run_scoped3A : memref<!tpu.dma_semaphore, #tpu.memory_space<semaphore_mem>>) {add = true}
        %dma_wait3A_109 = arith.constant 0 : i32
        %dma_wait3A_110 = tpu.memref_slice %arg8[%add3A_67, %dma_wait3A_109] : memref<80x128xi32, #tpu.memory_space<vmem>> -> memref<1x128xi32, #tpu.memory_space<vmem>>
        %dma_wait3A_111 = tpu.memref_squeeze %dma_wait3A_110 : memref<1x128xi32, #tpu.memory_space<vmem>> -> memref<128xi32, #tpu.memory_space<vmem>>
        %dma_wait3A_112 = arith.constant 0 : i32
        %dma_wait3A_113 = arith.constant 0 : i32
        %dma_wait3A_114 = tpu.memref_slice %arg13[%dma_wait3A_112, %dma_wait3A_113] : memref<10240x64xf32, #tpu.memory_space<vmem_shared>> -> memref<10240x64xf32, #tpu.memory_space<vmem_shared>>
        tpu.wait_indirect_dma semaphore(%run_scoped3A : memref<!tpu.dma_semaphore, #tpu.memory_space<semaphore_mem>>) src(%arg10 : memref<128x64xf32, #tpu.memory_space<vmem>>) dst(%dma_wait3A_114 : memref<10240x64xf32, #tpu.memory_space<vmem_shared>>)
        tpu.yield
      }) : () -> ()
      %lt3A_68 = arith.constant 19 : i32
      %lt3A_69 = arith.cmpi slt, %scan3A_44, %lt3A_68 : i32
      %convert_element_type3A_70 = arith.extui %lt3A_69 : i1 to i32
      %cond3A_71 = arith.constant 0 : i32
      %cond3A_72 = arith.cmpi ne, %convert_element_type3A_70, %cond3A_71 : i32
      scf.if %cond3A_72 {
        %add3A_103 = arith.constant 4 : i32
        %add3A_104 = arith.addi %mul3A_46, %add3A_103 : i32
        %add3A_105 = arith.constant 1 : i32
        %add3A_106 = arith.addi %add3A_104, %add3A_105 : i32
        %dma_start3A_107 = arith.constant 0 : i32
        %dma_start3A_108 = tpu.memref_slice %arg7[%add3A_106, %dma_start3A_107] : memref<80x128xi32, #tpu.memory_space<vmem>> -> memref<1x128xi32, #tpu.memory_space<vmem>>
        %dma_start3A_109 = tpu.memref_squeeze %dma_start3A_108 : memref<1x128xi32, #tpu.memory_space<vmem>> -> memref<128xi32, #tpu.memory_space<vmem>>
        %dma_start3A_110 = arith.constant 0 : i32
        %dma_start3A_111 = arith.constant 0 : i32
        %dma_start3A_112 = tpu.memref_slice %arg2[%dma_start3A_110, %dma_start3A_111] : memref<10240x64xf32, #tpu.memory_space<hbm>> -> memref<10240x64xf32, #tpu.memory_space<hbm>>
        tpu.enqueue_indirect_dma source(%dma_start3A_112 : memref<10240x64xf32, #tpu.memory_space<hbm>>) target(%arg10 : memref<128x64xf32, #tpu.memory_space<vmem>>) offsets(%dma_start3A_109 : memref<128xi32, #tpu.memory_space<vmem>>) semaphore(%arg15 : memref<!tpu.dma_semaphore, #tpu.memory_space<semaphore_mem>>)
      } else {
      }
      %add3A_73 = arith.constant 2 : i32
      %add3A_74 = arith.addi %mul3A_46, %add3A_73 : i32
      %dma_wait3A_75 = arith.constant 0 : i32
      %dma_wait3A_76 = tpu.memref_slice %arg7[%add3A_74, %dma_wait3A_75] : memref<80x128xi32, #tpu.memory_space<vmem>> -> memref<1x128xi32, #tpu.memory_space<vmem>>
      %dma_wait3A_77 = tpu.memref_squeeze %dma_wait3A_76 : memref<1x128xi32, #tpu.memory_space<vmem>> -> memref<128xi32, #tpu.memory_space<vmem>>
      %dma_wait3A_78 = arith.constant 0 : i32
      %dma_wait3A_79 = arith.constant 0 : i32
      %dma_wait3A_80 = tpu.memref_slice %arg2[%dma_wait3A_78, %dma_wait3A_79] : memref<10240x64xf32, #tpu.memory_space<hbm>> -> memref<10240x64xf32, #tpu.memory_space<hbm>>
      tpu.wait_indirect_dma semaphore(%arg16 : memref<!tpu.dma_semaphore, #tpu.memory_space<semaphore_mem>>) src(%dma_wait3A_80 : memref<10240x64xf32, #tpu.memory_space<hbm>>) dst(%arg11 : memref<128x64xf32, #tpu.memory_space<vmem>>)
      %add3A_81 = arith.constant 2 : i32
      %add3A_82 = arith.addi %mul3A_46, %add3A_81 : i32
      "tpu.region"() ({
        %run_scoped3A = tpu.sem_alloc : memref<!tpu.dma_semaphore, #tpu.memory_space<semaphore_mem>>
        %dma_start3A_103 = arith.constant 0 : i32
        %dma_start3A_104 = tpu.memref_slice %arg8[%add3A_82, %dma_start3A_103] : memref<80x128xi32, #tpu.memory_space<vmem>> -> memref<1x128xi32, #tpu.memory_space<vmem>>
        %dma_start3A_105 = tpu.memref_squeeze %dma_start3A_104 : memref<1x128xi32, #tpu.memory_space<vmem>> -> memref<128xi32, #tpu.memory_space<vmem>>
        %dma_start3A_106 = arith.constant 0 : i32
        %dma_start3A_107 = arith.constant 0 : i32
        %dma_start3A_108 = tpu.memref_slice %arg13[%dma_start3A_106, %dma_start3A_107] : memref<10240x64xf32, #tpu.memory_space<vmem_shared>> -> memref<10240x64xf32, #tpu.memory_space<vmem_shared>>
        tpu.enqueue_indirect_dma source(%arg11 : memref<128x64xf32, #tpu.memory_space<vmem>>) target(%dma_start3A_108 : memref<10240x64xf32, #tpu.memory_space<vmem_shared>>) offsets(%dma_start3A_105 : memref<128xi32, #tpu.memory_space<vmem>>) semaphore(%run_scoped3A : memref<!tpu.dma_semaphore, #tpu.memory_space<semaphore_mem>>) {add = true}
        %dma_wait3A_109 = arith.constant 0 : i32
        %dma_wait3A_110 = tpu.memref_slice %arg8[%add3A_82, %dma_wait3A_109] : memref<80x128xi32, #tpu.memory_space<vmem>> -> memref<1x128xi32, #tpu.memory_space<vmem>>
        %dma_wait3A_111 = tpu.memref_squeeze %dma_wait3A_110 : memref<1x128xi32, #tpu.memory_space<vmem>> -> memref<128xi32, #tpu.memory_space<vmem>>
        %dma_wait3A_112 = arith.constant 0 : i32
        %dma_wait3A_113 = arith.constant 0 : i32
        %dma_wait3A_114 = tpu.memref_slice %arg13[%dma_wait3A_112, %dma_wait3A_113] : memref<10240x64xf32, #tpu.memory_space<vmem_shared>> -> memref<10240x64xf32, #tpu.memory_space<vmem_shared>>
        tpu.wait_indirect_dma semaphore(%run_scoped3A : memref<!tpu.dma_semaphore, #tpu.memory_space<semaphore_mem>>) src(%arg11 : memref<128x64xf32, #tpu.memory_space<vmem>>) dst(%dma_wait3A_114 : memref<10240x64xf32, #tpu.memory_space<vmem_shared>>)
        tpu.yield
      }) : () -> ()
      %lt3A_83 = arith.constant 19 : i32
      %lt3A_84 = arith.cmpi slt, %scan3A_44, %lt3A_83 : i32
      %convert_element_type3A_85 = arith.extui %lt3A_84 : i1 to i32
      %cond3A_86 = arith.constant 0 : i32
      %cond3A_87 = arith.cmpi ne, %convert_element_type3A_85, %cond3A_86 : i32
      scf.if %cond3A_87 {
        %add3A_103 = arith.constant 4 : i32
        %add3A_104 = arith.addi %mul3A_46, %add3A_103 : i32
        %add3A_105 = arith.constant 2 : i32
        %add3A_106 = arith.addi %add3A_104, %add3A_105 : i32
        %dma_start3A_107 = arith.constant 0 : i32
        %dma_start3A_108 = tpu.memref_slice %arg7[%add3A_106, %dma_start3A_107] : memref<80x128xi32, #tpu.memory_space<vmem>> -> memref<1x128xi32, #tpu.memory_space<vmem>>
        %dma_start3A_109 = tpu.memref_squeeze %dma_start3A_108 : memref<1x128xi32, #tpu.memory_space<vmem>> -> memref<128xi32, #tpu.memory_space<vmem>>
        %dma_start3A_110 = arith.constant 0 : i32
        %dma_start3A_111 = arith.constant 0 : i32
        %dma_start3A_112 = tpu.memref_slice %arg2[%dma_start3A_110, %dma_start3A_111] : memref<10240x64xf32, #tpu.memory_space<hbm>> -> memref<10240x64xf32, #tpu.memory_space<hbm>>
        tpu.enqueue_indirect_dma source(%dma_start3A_112 : memref<10240x64xf32, #tpu.memory_space<hbm>>) target(%arg11 : memref<128x64xf32, #tpu.memory_space<vmem>>) offsets(%dma_start3A_109 : memref<128xi32, #tpu.memory_space<vmem>>) semaphore(%arg16 : memref<!tpu.dma_semaphore, #tpu.memory_space<semaphore_mem>>)
      } else {
      }
      %add3A_88 = arith.constant 3 : i32
      %add3A_89 = arith.addi %mul3A_46, %add3A_88 : i32
      %dma_wait3A_90 = arith.constant 0 : i32
      %dma_wait3A_91 = tpu.memref_slice %arg7[%add3A_89, %dma_wait3A_90] : memref<80x128xi32, #tpu.memory_space<vmem>> -> memref<1x128xi32, #tpu.memory_space<vmem>>
      %dma_wait3A_92 = tpu.memref_squeeze %dma_wait3A_91 : memref<1x128xi32, #tpu.memory_space<vmem>> -> memref<128xi32, #tpu.memory_space<vmem>>
      %dma_wait3A_93 = arith.constant 0 : i32
      %dma_wait3A_94 = arith.constant 0 : i32
      %dma_wait3A_95 = tpu.memref_slice %arg2[%dma_wait3A_93, %dma_wait3A_94] : memref<10240x64xf32, #tpu.memory_space<hbm>> -> memref<10240x64xf32, #tpu.memory_space<hbm>>
      tpu.wait_indirect_dma semaphore(%arg17 : memref<!tpu.dma_semaphore, #tpu.memory_space<semaphore_mem>>) src(%dma_wait3A_95 : memref<10240x64xf32, #tpu.memory_space<hbm>>) dst(%arg12 : memref<128x64xf32, #tpu.memory_space<vmem>>)
      %add3A_96 = arith.constant 3 : i32
      %add3A_97 = arith.addi %mul3A_46, %add3A_96 : i32
      "tpu.region"() ({
        %run_scoped3A = tpu.sem_alloc : memref<!tpu.dma_semaphore, #tpu.memory_space<semaphore_mem>>
        %dma_start3A_103 = arith.constant 0 : i32
        %dma_start3A_104 = tpu.memref_slice %arg8[%add3A_97, %dma_start3A_103] : memref<80x128xi32, #tpu.memory_space<vmem>> -> memref<1x128xi32, #tpu.memory_space<vmem>>
        %dma_start3A_105 = tpu.memref_squeeze %dma_start3A_104 : memref<1x128xi32, #tpu.memory_space<vmem>> -> memref<128xi32, #tpu.memory_space<vmem>>
        %dma_start3A_106 = arith.constant 0 : i32
        %dma_start3A_107 = arith.constant 0 : i32
        %dma_start3A_108 = tpu.memref_slice %arg13[%dma_start3A_106, %dma_start3A_107] : memref<10240x64xf32, #tpu.memory_space<vmem_shared>> -> memref<10240x64xf32, #tpu.memory_space<vmem_shared>>
        tpu.enqueue_indirect_dma source(%arg12 : memref<128x64xf32, #tpu.memory_space<vmem>>) target(%dma_start3A_108 : memref<10240x64xf32, #tpu.memory_space<vmem_shared>>) offsets(%dma_start3A_105 : memref<128xi32, #tpu.memory_space<vmem>>) semaphore(%run_scoped3A : memref<!tpu.dma_semaphore, #tpu.memory_space<semaphore_mem>>) {add = true}
        %dma_wait3A_109 = arith.constant 0 : i32
        %dma_wait3A_110 = tpu.memref_slice %arg8[%add3A_97, %dma_wait3A_109] : memref<80x128xi32, #tpu.memory_space<vmem>> -> memref<1x128xi32, #tpu.memory_space<vmem>>
        %dma_wait3A_111 = tpu.memref_squeeze %dma_wait3A_110 : memref<1x128xi32, #tpu.memory_space<vmem>> -> memref<128xi32, #tpu.memory_space<vmem>>
        %dma_wait3A_112 = arith.constant 0 : i32
        %dma_wait3A_113 = arith.constant 0 : i32
        %dma_wait3A_114 = tpu.memref_slice %arg13[%dma_wait3A_112, %dma_wait3A_113] : memref<10240x64xf32, #tpu.memory_space<vmem_shared>> -> memref<10240x64xf32, #tpu.memory_space<vmem_shared>>
        tpu.wait_indirect_dma semaphore(%run_scoped3A : memref<!tpu.dma_semaphore, #tpu.memory_space<semaphore_mem>>) src(%arg12 : memref<128x64xf32, #tpu.memory_space<vmem>>) dst(%dma_wait3A_114 : memref<10240x64xf32, #tpu.memory_space<vmem_shared>>)
        tpu.yield
      }) : () -> ()
      %lt3A_98 = arith.constant 19 : i32
      %lt3A_99 = arith.cmpi slt, %scan3A_44, %lt3A_98 : i32
      %convert_element_type3A_100 = arith.extui %lt3A_99 : i1 to i32
      %cond3A_101 = arith.constant 0 : i32
      %cond3A_102 = arith.cmpi ne, %convert_element_type3A_100, %cond3A_101 : i32
      scf.if %cond3A_102 {
        %add3A_103 = arith.constant 4 : i32
        %add3A_104 = arith.addi %mul3A_46, %add3A_103 : i32
        %add3A_105 = arith.constant 3 : i32
        %add3A_106 = arith.addi %add3A_104, %add3A_105 : i32
        %dma_start3A_107 = arith.constant 0 : i32
        %dma_start3A_108 = tpu.memref_slice %arg7[%add3A_106, %dma_start3A_107] : memref<80x128xi32, #tpu.memory_space<vmem>> -> memref<1x128xi32, #tpu.memory_space<vmem>>
        %dma_start3A_109 = tpu.memref_squeeze %dma_start3A_108 : memref<1x128xi32, #tpu.memory_space<vmem>> -> memref<128xi32, #tpu.memory_space<vmem>>
        %dma_start3A_110 = arith.constant 0 : i32
        %dma_start3A_111 = arith.constant 0 : i32
        %dma_start3A_112 = tpu.memref_slice %arg2[%dma_start3A_110, %dma_start3A_111] : memref<10240x64xf32, #tpu.memory_space<hbm>> -> memref<10240x64xf32, #tpu.memory_space<hbm>>
        tpu.enqueue_indirect_dma source(%dma_start3A_112 : memref<10240x64xf32, #tpu.memory_space<hbm>>) target(%arg12 : memref<128x64xf32, #tpu.memory_space<vmem>>) offsets(%dma_start3A_109 : memref<128xi32, #tpu.memory_space<vmem>>) semaphore(%arg17 : memref<!tpu.dma_semaphore, #tpu.memory_space<semaphore_mem>>)
      } else {
      }
    }
    %scan3A_38 = arith.constant 20 : i32
    %barrier3A_39 = arith.constant 0 : index
    tpu.barrier barrier_id(%barrier3A_39)
    %mul3A_40 = arith.constant 640 : i32
    %mul3A_41 = arith.muli %arg1, %mul3A_40 : i32
    %mul3A_42 = arith.constant 640 : i32
    %mul3A_43 = arith.muli %arg1, %mul3A_42 : i32
    "tpu.region"() ({
      %run_scoped3A = tpu.sem_alloc : memref<!tpu.dma_semaphore, #tpu.memory_space<semaphore_mem>>
      %dma_start3A_44 = arith.constant 0 : i32
      %dma_start3A_45 = tpu.memref_slice %arg6[%arg0, %mul3A_43, %dma_start3A_44] : memref<2x10240x64xf32, #tpu.memory_space<hbm>> -> memref<1x640x64xf32, #tpu.memory_space<hbm>>
      %dma_start3A_46 = tpu.memref_squeeze %dma_start3A_45 : memref<1x640x64xf32, #tpu.memory_space<hbm>> -> memref<640x64xf32, #tpu.memory_space<hbm>>
      %dma_start3A_47 = arith.constant 0 : i32
      %dma_start3A_48 = tpu.memref_slice %arg13[%mul3A_41, %dma_start3A_47] : memref<10240x64xf32, #tpu.memory_space<vmem_shared>> -> memref<640x64xf32, #tpu.memory_space<vmem_shared>>
      tpu.enqueue_dma source(%dma_start3A_48 : memref<640x64xf32, #tpu.memory_space<vmem_shared>>) target(%dma_start3A_46 : memref<640x64xf32, #tpu.memory_space<hbm>>) target_semaphore(%run_scoped3A : memref<!tpu.dma_semaphore, #tpu.memory_space<semaphore_mem>>)
      %dma_wait3A = arith.constant 0 : i32
      %dma_wait3A_49 = tpu.memref_slice %arg6[%arg0, %mul3A_43, %dma_wait3A] : memref<2x10240x64xf32, #tpu.memory_space<hbm>> -> memref<1x640x64xf32, #tpu.memory_space<hbm>>
      %dma_wait3A_50 = tpu.memref_squeeze %dma_wait3A_49 : memref<1x640x64xf32, #tpu.memory_space<hbm>> -> memref<640x64xf32, #tpu.memory_space<hbm>>
      %dma_wait3A_51 = arith.constant 0 : i32
      %dma_wait3A_52 = tpu.memref_slice %arg13[%mul3A_41, %dma_wait3A_51] : memref<10240x64xf32, #tpu.memory_space<vmem_shared>> -> memref<640x64xf32, #tpu.memory_space<vmem_shared>>
      tpu.wait_dma2 semaphore(%run_scoped3A : memref<!tpu.dma_semaphore, #tpu.memory_space<semaphore_mem>>) src(%dma_wait3A_52 : memref<640x64xf32, #tpu.memory_space<vmem_shared>>) dst(%dma_wait3A_50 : memref<640x64xf32, #tpu.memory_space<hbm>>)
      tpu.yield
    }) : () -> ()
    return
  }
}

#map = affine_map<(d0, d1) -> (0, 0)>
#map1 = affine_map<(d0, d1) -> (0, 0, 0)>
module attributes {stable_mosaic.version = 14 : i64} {
  func.func @agg_kernel(%arg0: i32, %arg1: i32, %arg2: memref<10240x16xf32, #tpu.memory_space<hbm>>, %arg3: memref<2560x128xi32, #tpu.memory_space<hbm>>, %arg4: memref<2560x128xi32, #tpu.memory_space<hbm>>, %arg5: memref<640x16xf32, #tpu.memory_space<hbm>>, %arg6: memref<2x10240x16xf32, #tpu.memory_space<hbm>>, %arg7: memref<80x128xi32, #tpu.memory_space<vmem>>, %arg8: memref<80x128xi32, #tpu.memory_space<vmem>>, %arg9: memref<128x16xf32, #tpu.memory_space<vmem>>, %arg10: memref<128x16xf32, #tpu.memory_space<vmem>>, %arg11: memref<128x16xf32, #tpu.memory_space<vmem>>, %arg12: memref<128x16xf32, #tpu.memory_space<vmem>>, %arg13: memref<10240x16xf32, #tpu.memory_space<vmem_shared>>, %arg14: memref<!tpu.dma_semaphore, #tpu.memory_space<semaphore_mem>>, %arg15: memref<!tpu.dma_semaphore, #tpu.memory_space<semaphore_mem>>, %arg16: memref<!tpu.dma_semaphore, #tpu.memory_space<semaphore_mem>>, %arg17: memref<!tpu.dma_semaphore, #tpu.memory_space<semaphore_mem>>) attributes {dimension_semantics = [#tpu.dimension_semantics<core_parallel>, #tpu.dimension_semantics<subcore_parallel>], iteration_bounds = array<i64: 2, 16>, scalar_prefetch = 0 : i64, scratch_operands = 11 : i64, tpu.core_type = #tpu.core_type<sc_vector_subcore>, window_params = [{transform_indices = #map}, {transform_indices = #map}, {transform_indices = #map}, {transform_indices = #map}, {transform_indices = #map1}]} {
    %mul3A = arith.constant 16 : i32
    %mul3A_0 = arith.muli %arg0, %mul3A : i32
    %add3A = arith.addi %mul3A_0, %arg1 : i32
    %mul3A_1 = arith.constant 640 : i32
    %mul3A_2 = arith.muli %arg1, %mul3A_1 : i32
    "tpu.region"() ({
      %run_scoped3A = tpu.sem_alloc : memref<!tpu.dma_semaphore, #tpu.memory_space<semaphore_mem>>
      %dma_start3A_44 = arith.constant 0 : i32
      %dma_start3A_45 = tpu.memref_slice %arg13[%mul3A_2, %dma_start3A_44] : memref<10240x16xf32, #tpu.memory_space<vmem_shared>> -> memref<640x16xf32, #tpu.memory_space<vmem_shared>>
      tpu.enqueue_dma source(%arg5 : memref<640x16xf32, #tpu.memory_space<hbm>>) target(%dma_start3A_45 : memref<640x16xf32, #tpu.memory_space<vmem_shared>>) target_semaphore(%run_scoped3A : memref<!tpu.dma_semaphore, #tpu.memory_space<semaphore_mem>>)
      %dma_wait3A = arith.constant 0 : i32
      %dma_wait3A_46 = tpu.memref_slice %arg13[%mul3A_2, %dma_wait3A] : memref<10240x16xf32, #tpu.memory_space<vmem_shared>> -> memref<640x16xf32, #tpu.memory_space<vmem_shared>>
      tpu.wait_dma2 semaphore(%run_scoped3A : memref<!tpu.dma_semaphore, #tpu.memory_space<semaphore_mem>>) src(%arg5 : memref<640x16xf32, #tpu.memory_space<hbm>>) dst(%dma_wait3A_46 : memref<640x16xf32, #tpu.memory_space<vmem_shared>>)
      tpu.yield
    }) : () -> ()
    %mul3A_3 = arith.constant 80 : i32
    %mul3A_4 = arith.muli %add3A, %mul3A_3 : i32
    "tpu.region"() ({
      %run_scoped3A = tpu.sem_alloc : memref<!tpu.dma_semaphore, #tpu.memory_space<semaphore_mem>>
      %dma_start3A_44 = arith.constant 0 : i32
      %dma_start3A_45 = tpu.memref_slice %arg3[%mul3A_4, %dma_start3A_44] : memref<2560x128xi32, #tpu.memory_space<hbm>> -> memref<80x128xi32, #tpu.memory_space<hbm>>
      %dma_start3A_46 = arith.constant 0 : i32
      %dma_start3A_47 = tpu.memref_slice %arg3[%mul3A_4, %dma_start3A_46] : memref<2560x128xi32, #tpu.memory_space<hbm>> -> memref<80x128xi32, #tpu.memory_space<hbm>>
      tpu.enqueue_dma source(%dma_start3A_47 : memref<80x128xi32, #tpu.memory_space<hbm>>) target(%arg7 : memref<80x128xi32, #tpu.memory_space<vmem>>) target_semaphore(%run_scoped3A : memref<!tpu.dma_semaphore, #tpu.memory_space<semaphore_mem>>)
      %dma_wait3A = arith.constant 0 : i32
      %dma_wait3A_48 = tpu.memref_slice %arg3[%mul3A_4, %dma_wait3A] : memref<2560x128xi32, #tpu.memory_space<hbm>> -> memref<80x128xi32, #tpu.memory_space<hbm>>
      %dma_wait3A_49 = arith.constant 0 : i32
      %dma_wait3A_50 = tpu.memref_slice %arg3[%mul3A_4, %dma_wait3A_49] : memref<2560x128xi32, #tpu.memory_space<hbm>> -> memref<80x128xi32, #tpu.memory_space<hbm>>
      tpu.wait_dma2 semaphore(%run_scoped3A : memref<!tpu.dma_semaphore, #tpu.memory_space<semaphore_mem>>) src(%dma_wait3A_50 : memref<80x128xi32, #tpu.memory_space<hbm>>) dst(%arg7 : memref<80x128xi32, #tpu.memory_space<vmem>>)
      tpu.yield
    }) : () -> ()
    %mul3A_5 = arith.constant 80 : i32
    %mul3A_6 = arith.muli %add3A, %mul3A_5 : i32
    "tpu.region"() ({
      %run_scoped3A = tpu.sem_alloc : memref<!tpu.dma_semaphore, #tpu.memory_space<semaphore_mem>>
      %dma_start3A_44 = arith.constant 0 : i32
      %dma_start3A_45 = tpu.memref_slice %arg4[%mul3A_6, %dma_start3A_44] : memref<2560x128xi32, #tpu.memory_space<hbm>> -> memref<80x128xi32, #tpu.memory_space<hbm>>
      %dma_start3A_46 = arith.constant 0 : i32
      %dma_start3A_47 = tpu.memref_slice %arg4[%mul3A_6, %dma_start3A_46] : memref<2560x128xi32, #tpu.memory_space<hbm>> -> memref<80x128xi32, #tpu.memory_space<hbm>>
      tpu.enqueue_dma source(%dma_start3A_47 : memref<80x128xi32, #tpu.memory_space<hbm>>) target(%arg8 : memref<80x128xi32, #tpu.memory_space<vmem>>) target_semaphore(%run_scoped3A : memref<!tpu.dma_semaphore, #tpu.memory_space<semaphore_mem>>)
      %dma_wait3A = arith.constant 0 : i32
      %dma_wait3A_48 = tpu.memref_slice %arg4[%mul3A_6, %dma_wait3A] : memref<2560x128xi32, #tpu.memory_space<hbm>> -> memref<80x128xi32, #tpu.memory_space<hbm>>
      %dma_wait3A_49 = arith.constant 0 : i32
      %dma_wait3A_50 = tpu.memref_slice %arg4[%mul3A_6, %dma_wait3A_49] : memref<2560x128xi32, #tpu.memory_space<hbm>> -> memref<80x128xi32, #tpu.memory_space<hbm>>
      tpu.wait_dma2 semaphore(%run_scoped3A : memref<!tpu.dma_semaphore, #tpu.memory_space<semaphore_mem>>) src(%dma_wait3A_50 : memref<80x128xi32, #tpu.memory_space<hbm>>) dst(%arg8 : memref<80x128xi32, #tpu.memory_space<vmem>>)
      tpu.yield
    }) : () -> ()
    %barrier3A = arith.constant 0 : index
    tpu.barrier barrier_id(%barrier3A)
    %dma_start3A = arith.constant 0 : i32
    %dma_start3A_7 = arith.constant 0 : i32
    %dma_start3A_8 = tpu.memref_slice %arg7[%dma_start3A, %dma_start3A_7] : memref<80x128xi32, #tpu.memory_space<vmem>> -> memref<1x128xi32, #tpu.memory_space<vmem>>
    %dma_start3A_9 = tpu.memref_squeeze %dma_start3A_8 : memref<1x128xi32, #tpu.memory_space<vmem>> -> memref<128xi32, #tpu.memory_space<vmem>>
    %dma_start3A_10 = arith.constant 0 : i32
    %dma_start3A_11 = arith.constant 0 : i32
    %dma_start3A_12 = tpu.memref_slice %arg2[%dma_start3A_10, %dma_start3A_11] : memref<10240x16xf32, #tpu.memory_space<hbm>> -> memref<10240x16xf32, #tpu.memory_space<hbm>>
    tpu.enqueue_indirect_dma source(%dma_start3A_12 : memref<10240x16xf32, #tpu.memory_space<hbm>>) target(%arg9 : memref<128x16xf32, #tpu.memory_space<vmem>>) offsets(%dma_start3A_9 : memref<128xi32, #tpu.memory_space<vmem>>) semaphore(%arg14 : memref<!tpu.dma_semaphore, #tpu.memory_space<semaphore_mem>>)
    %dma_start3A_13 = arith.constant 1 : i32
    %dma_start3A_14 = arith.constant 0 : i32
    %dma_start3A_15 = tpu.memref_slice %arg7[%dma_start3A_13, %dma_start3A_14] : memref<80x128xi32, #tpu.memory_space<vmem>> -> memref<1x128xi32, #tpu.memory_space<vmem>>
    %dma_start3A_16 = tpu.memref_squeeze %dma_start3A_15 : memref<1x128xi32, #tpu.memory_space<vmem>> -> memref<128xi32, #tpu.memory_space<vmem>>
    %dma_start3A_17 = arith.constant 0 : i32
    %dma_start3A_18 = arith.constant 0 : i32
    %dma_start3A_19 = tpu.memref_slice %arg2[%dma_start3A_17, %dma_start3A_18] : memref<10240x16xf32, #tpu.memory_space<hbm>> -> memref<10240x16xf32, #tpu.memory_space<hbm>>
    tpu.enqueue_indirect_dma source(%dma_start3A_19 : memref<10240x16xf32, #tpu.memory_space<hbm>>) target(%arg10 : memref<128x16xf32, #tpu.memory_space<vmem>>) offsets(%dma_start3A_16 : memref<128xi32, #tpu.memory_space<vmem>>) semaphore(%arg15 : memref<!tpu.dma_semaphore, #tpu.memory_space<semaphore_mem>>)
    %dma_start3A_20 = arith.constant 2 : i32
    %dma_start3A_21 = arith.constant 0 : i32
    %dma_start3A_22 = tpu.memref_slice %arg7[%dma_start3A_20, %dma_start3A_21] : memref<80x128xi32, #tpu.memory_space<vmem>> -> memref<1x128xi32, #tpu.memory_space<vmem>>
    %dma_start3A_23 = tpu.memref_squeeze %dma_start3A_22 : memref<1x128xi32, #tpu.memory_space<vmem>> -> memref<128xi32, #tpu.memory_space<vmem>>
    %dma_start3A_24 = arith.constant 0 : i32
    %dma_start3A_25 = arith.constant 0 : i32
    %dma_start3A_26 = tpu.memref_slice %arg2[%dma_start3A_24, %dma_start3A_25] : memref<10240x16xf32, #tpu.memory_space<hbm>> -> memref<10240x16xf32, #tpu.memory_space<hbm>>
    tpu.enqueue_indirect_dma source(%dma_start3A_26 : memref<10240x16xf32, #tpu.memory_space<hbm>>) target(%arg11 : memref<128x16xf32, #tpu.memory_space<vmem>>) offsets(%dma_start3A_23 : memref<128xi32, #tpu.memory_space<vmem>>) semaphore(%arg16 : memref<!tpu.dma_semaphore, #tpu.memory_space<semaphore_mem>>)
    %dma_start3A_27 = arith.constant 3 : i32
    %dma_start3A_28 = arith.constant 0 : i32
    %dma_start3A_29 = tpu.memref_slice %arg7[%dma_start3A_27, %dma_start3A_28] : memref<80x128xi32, #tpu.memory_space<vmem>> -> memref<1x128xi32, #tpu.memory_space<vmem>>
    %dma_start3A_30 = tpu.memref_squeeze %dma_start3A_29 : memref<1x128xi32, #tpu.memory_space<vmem>> -> memref<128xi32, #tpu.memory_space<vmem>>
    %dma_start3A_31 = arith.constant 0 : i32
    %dma_start3A_32 = arith.constant 0 : i32
    %dma_start3A_33 = tpu.memref_slice %arg2[%dma_start3A_31, %dma_start3A_32] : memref<10240x16xf32, #tpu.memory_space<hbm>> -> memref<10240x16xf32, #tpu.memory_space<hbm>>
    tpu.enqueue_indirect_dma source(%dma_start3A_33 : memref<10240x16xf32, #tpu.memory_space<hbm>>) target(%arg12 : memref<128x16xf32, #tpu.memory_space<vmem>>) offsets(%dma_start3A_30 : memref<128xi32, #tpu.memory_space<vmem>>) semaphore(%arg17 : memref<!tpu.dma_semaphore, #tpu.memory_space<semaphore_mem>>)
    %scan3A = arith.constant 0 : i32
    %scan3A_34 = arith.constant 0 : i32
    %scan3A_35 = arith.constant 20 : i32
    %scan3A_36 = arith.addi %scan3A_34, %scan3A_35 : i32
    %scan3A_37 = arith.constant 1 : i32
    scf.for %scan3A_44 = %scan3A_34 to %scan3A_36 step %scan3A_37  : i32 {
      %mul3A_45 = arith.constant 4 : i32
      %mul3A_46 = arith.muli %scan3A_44, %mul3A_45 : i32
      %add3A_47 = arith.constant 0 : i32
      %add3A_48 = arith.addi %mul3A_46, %add3A_47 : i32
      %dma_wait3A = arith.constant 0 : i32
      %dma_wait3A_49 = tpu.memref_slice %arg7[%add3A_48, %dma_wait3A] : memref<80x128xi32, #tpu.memory_space<vmem>> -> memref<1x128xi32, #tpu.memory_space<vmem>>
      %dma_wait3A_50 = tpu.memref_squeeze %dma_wait3A_49 : memref<1x128xi32, #tpu.memory_space<vmem>> -> memref<128xi32, #tpu.memory_space<vmem>>
      %dma_wait3A_51 = arith.constant 0 : i32
      %dma_wait3A_52 = arith.constant 0 : i32
      %dma_wait3A_53 = tpu.memref_slice %arg2[%dma_wait3A_51, %dma_wait3A_52] : memref<10240x16xf32, #tpu.memory_space<hbm>> -> memref<10240x16xf32, #tpu.memory_space<hbm>>
      tpu.wait_indirect_dma semaphore(%arg14 : memref<!tpu.dma_semaphore, #tpu.memory_space<semaphore_mem>>) src(%dma_wait3A_53 : memref<10240x16xf32, #tpu.memory_space<hbm>>) dst(%arg9 : memref<128x16xf32, #tpu.memory_space<vmem>>)
      %add3A_54 = arith.constant 0 : i32
      %add3A_55 = arith.addi %mul3A_46, %add3A_54 : i32
      "tpu.region"() ({
        %run_scoped3A = tpu.sem_alloc : memref<!tpu.dma_semaphore, #tpu.memory_space<semaphore_mem>>
        %dma_start3A_103 = arith.constant 0 : i32
        %dma_start3A_104 = tpu.memref_slice %arg8[%add3A_55, %dma_start3A_103] : memref<80x128xi32, #tpu.memory_space<vmem>> -> memref<1x128xi32, #tpu.memory_space<vmem>>
        %dma_start3A_105 = tpu.memref_squeeze %dma_start3A_104 : memref<1x128xi32, #tpu.memory_space<vmem>> -> memref<128xi32, #tpu.memory_space<vmem>>
        %dma_start3A_106 = arith.constant 0 : i32
        %dma_start3A_107 = arith.constant 0 : i32
        %dma_start3A_108 = tpu.memref_slice %arg13[%dma_start3A_106, %dma_start3A_107] : memref<10240x16xf32, #tpu.memory_space<vmem_shared>> -> memref<10240x16xf32, #tpu.memory_space<vmem_shared>>
        tpu.enqueue_indirect_dma source(%arg9 : memref<128x16xf32, #tpu.memory_space<vmem>>) target(%dma_start3A_108 : memref<10240x16xf32, #tpu.memory_space<vmem_shared>>) offsets(%dma_start3A_105 : memref<128xi32, #tpu.memory_space<vmem>>) semaphore(%run_scoped3A : memref<!tpu.dma_semaphore, #tpu.memory_space<semaphore_mem>>) {add = true}
        %dma_wait3A_109 = arith.constant 0 : i32
        %dma_wait3A_110 = tpu.memref_slice %arg8[%add3A_55, %dma_wait3A_109] : memref<80x128xi32, #tpu.memory_space<vmem>> -> memref<1x128xi32, #tpu.memory_space<vmem>>
        %dma_wait3A_111 = tpu.memref_squeeze %dma_wait3A_110 : memref<1x128xi32, #tpu.memory_space<vmem>> -> memref<128xi32, #tpu.memory_space<vmem>>
        %dma_wait3A_112 = arith.constant 0 : i32
        %dma_wait3A_113 = arith.constant 0 : i32
        %dma_wait3A_114 = tpu.memref_slice %arg13[%dma_wait3A_112, %dma_wait3A_113] : memref<10240x16xf32, #tpu.memory_space<vmem_shared>> -> memref<10240x16xf32, #tpu.memory_space<vmem_shared>>
        tpu.wait_indirect_dma semaphore(%run_scoped3A : memref<!tpu.dma_semaphore, #tpu.memory_space<semaphore_mem>>) src(%arg9 : memref<128x16xf32, #tpu.memory_space<vmem>>) dst(%dma_wait3A_114 : memref<10240x16xf32, #tpu.memory_space<vmem_shared>>)
        tpu.yield
      }) : () -> ()
      %lt3A = arith.constant 19 : i32
      %lt3A_56 = arith.cmpi slt, %scan3A_44, %lt3A : i32
      %convert_element_type3A = arith.extui %lt3A_56 : i1 to i32
      %cond3A = arith.constant 0 : i32
      %cond3A_57 = arith.cmpi ne, %convert_element_type3A, %cond3A : i32
      scf.if %cond3A_57 {
        %add3A_103 = arith.constant 4 : i32
        %add3A_104 = arith.addi %mul3A_46, %add3A_103 : i32
        %add3A_105 = arith.constant 0 : i32
        %add3A_106 = arith.addi %add3A_104, %add3A_105 : i32
        %dma_start3A_107 = arith.constant 0 : i32
        %dma_start3A_108 = tpu.memref_slice %arg7[%add3A_106, %dma_start3A_107] : memref<80x128xi32, #tpu.memory_space<vmem>> -> memref<1x128xi32, #tpu.memory_space<vmem>>
        %dma_start3A_109 = tpu.memref_squeeze %dma_start3A_108 : memref<1x128xi32, #tpu.memory_space<vmem>> -> memref<128xi32, #tpu.memory_space<vmem>>
        %dma_start3A_110 = arith.constant 0 : i32
        %dma_start3A_111 = arith.constant 0 : i32
        %dma_start3A_112 = tpu.memref_slice %arg2[%dma_start3A_110, %dma_start3A_111] : memref<10240x16xf32, #tpu.memory_space<hbm>> -> memref<10240x16xf32, #tpu.memory_space<hbm>>
        tpu.enqueue_indirect_dma source(%dma_start3A_112 : memref<10240x16xf32, #tpu.memory_space<hbm>>) target(%arg9 : memref<128x16xf32, #tpu.memory_space<vmem>>) offsets(%dma_start3A_109 : memref<128xi32, #tpu.memory_space<vmem>>) semaphore(%arg14 : memref<!tpu.dma_semaphore, #tpu.memory_space<semaphore_mem>>)
      } else {
      }
      %add3A_58 = arith.constant 1 : i32
      %add3A_59 = arith.addi %mul3A_46, %add3A_58 : i32
      %dma_wait3A_60 = arith.constant 0 : i32
      %dma_wait3A_61 = tpu.memref_slice %arg7[%add3A_59, %dma_wait3A_60] : memref<80x128xi32, #tpu.memory_space<vmem>> -> memref<1x128xi32, #tpu.memory_space<vmem>>
      %dma_wait3A_62 = tpu.memref_squeeze %dma_wait3A_61 : memref<1x128xi32, #tpu.memory_space<vmem>> -> memref<128xi32, #tpu.memory_space<vmem>>
      %dma_wait3A_63 = arith.constant 0 : i32
      %dma_wait3A_64 = arith.constant 0 : i32
      %dma_wait3A_65 = tpu.memref_slice %arg2[%dma_wait3A_63, %dma_wait3A_64] : memref<10240x16xf32, #tpu.memory_space<hbm>> -> memref<10240x16xf32, #tpu.memory_space<hbm>>
      tpu.wait_indirect_dma semaphore(%arg15 : memref<!tpu.dma_semaphore, #tpu.memory_space<semaphore_mem>>) src(%dma_wait3A_65 : memref<10240x16xf32, #tpu.memory_space<hbm>>) dst(%arg10 : memref<128x16xf32, #tpu.memory_space<vmem>>)
      %add3A_66 = arith.constant 1 : i32
      %add3A_67 = arith.addi %mul3A_46, %add3A_66 : i32
      "tpu.region"() ({
        %run_scoped3A = tpu.sem_alloc : memref<!tpu.dma_semaphore, #tpu.memory_space<semaphore_mem>>
        %dma_start3A_103 = arith.constant 0 : i32
        %dma_start3A_104 = tpu.memref_slice %arg8[%add3A_67, %dma_start3A_103] : memref<80x128xi32, #tpu.memory_space<vmem>> -> memref<1x128xi32, #tpu.memory_space<vmem>>
        %dma_start3A_105 = tpu.memref_squeeze %dma_start3A_104 : memref<1x128xi32, #tpu.memory_space<vmem>> -> memref<128xi32, #tpu.memory_space<vmem>>
        %dma_start3A_106 = arith.constant 0 : i32
        %dma_start3A_107 = arith.constant 0 : i32
        %dma_start3A_108 = tpu.memref_slice %arg13[%dma_start3A_106, %dma_start3A_107] : memref<10240x16xf32, #tpu.memory_space<vmem_shared>> -> memref<10240x16xf32, #tpu.memory_space<vmem_shared>>
        tpu.enqueue_indirect_dma source(%arg10 : memref<128x16xf32, #tpu.memory_space<vmem>>) target(%dma_start3A_108 : memref<10240x16xf32, #tpu.memory_space<vmem_shared>>) offsets(%dma_start3A_105 : memref<128xi32, #tpu.memory_space<vmem>>) semaphore(%run_scoped3A : memref<!tpu.dma_semaphore, #tpu.memory_space<semaphore_mem>>) {add = true}
        %dma_wait3A_109 = arith.constant 0 : i32
        %dma_wait3A_110 = tpu.memref_slice %arg8[%add3A_67, %dma_wait3A_109] : memref<80x128xi32, #tpu.memory_space<vmem>> -> memref<1x128xi32, #tpu.memory_space<vmem>>
        %dma_wait3A_111 = tpu.memref_squeeze %dma_wait3A_110 : memref<1x128xi32, #tpu.memory_space<vmem>> -> memref<128xi32, #tpu.memory_space<vmem>>
        %dma_wait3A_112 = arith.constant 0 : i32
        %dma_wait3A_113 = arith.constant 0 : i32
        %dma_wait3A_114 = tpu.memref_slice %arg13[%dma_wait3A_112, %dma_wait3A_113] : memref<10240x16xf32, #tpu.memory_space<vmem_shared>> -> memref<10240x16xf32, #tpu.memory_space<vmem_shared>>
        tpu.wait_indirect_dma semaphore(%run_scoped3A : memref<!tpu.dma_semaphore, #tpu.memory_space<semaphore_mem>>) src(%arg10 : memref<128x16xf32, #tpu.memory_space<vmem>>) dst(%dma_wait3A_114 : memref<10240x16xf32, #tpu.memory_space<vmem_shared>>)
        tpu.yield
      }) : () -> ()
      %lt3A_68 = arith.constant 19 : i32
      %lt3A_69 = arith.cmpi slt, %scan3A_44, %lt3A_68 : i32
      %convert_element_type3A_70 = arith.extui %lt3A_69 : i1 to i32
      %cond3A_71 = arith.constant 0 : i32
      %cond3A_72 = arith.cmpi ne, %convert_element_type3A_70, %cond3A_71 : i32
      scf.if %cond3A_72 {
        %add3A_103 = arith.constant 4 : i32
        %add3A_104 = arith.addi %mul3A_46, %add3A_103 : i32
        %add3A_105 = arith.constant 1 : i32
        %add3A_106 = arith.addi %add3A_104, %add3A_105 : i32
        %dma_start3A_107 = arith.constant 0 : i32
        %dma_start3A_108 = tpu.memref_slice %arg7[%add3A_106, %dma_start3A_107] : memref<80x128xi32, #tpu.memory_space<vmem>> -> memref<1x128xi32, #tpu.memory_space<vmem>>
        %dma_start3A_109 = tpu.memref_squeeze %dma_start3A_108 : memref<1x128xi32, #tpu.memory_space<vmem>> -> memref<128xi32, #tpu.memory_space<vmem>>
        %dma_start3A_110 = arith.constant 0 : i32
        %dma_start3A_111 = arith.constant 0 : i32
        %dma_start3A_112 = tpu.memref_slice %arg2[%dma_start3A_110, %dma_start3A_111] : memref<10240x16xf32, #tpu.memory_space<hbm>> -> memref<10240x16xf32, #tpu.memory_space<hbm>>
        tpu.enqueue_indirect_dma source(%dma_start3A_112 : memref<10240x16xf32, #tpu.memory_space<hbm>>) target(%arg10 : memref<128x16xf32, #tpu.memory_space<vmem>>) offsets(%dma_start3A_109 : memref<128xi32, #tpu.memory_space<vmem>>) semaphore(%arg15 : memref<!tpu.dma_semaphore, #tpu.memory_space<semaphore_mem>>)
      } else {
      }
      %add3A_73 = arith.constant 2 : i32
      %add3A_74 = arith.addi %mul3A_46, %add3A_73 : i32
      %dma_wait3A_75 = arith.constant 0 : i32
      %dma_wait3A_76 = tpu.memref_slice %arg7[%add3A_74, %dma_wait3A_75] : memref<80x128xi32, #tpu.memory_space<vmem>> -> memref<1x128xi32, #tpu.memory_space<vmem>>
      %dma_wait3A_77 = tpu.memref_squeeze %dma_wait3A_76 : memref<1x128xi32, #tpu.memory_space<vmem>> -> memref<128xi32, #tpu.memory_space<vmem>>
      %dma_wait3A_78 = arith.constant 0 : i32
      %dma_wait3A_79 = arith.constant 0 : i32
      %dma_wait3A_80 = tpu.memref_slice %arg2[%dma_wait3A_78, %dma_wait3A_79] : memref<10240x16xf32, #tpu.memory_space<hbm>> -> memref<10240x16xf32, #tpu.memory_space<hbm>>
      tpu.wait_indirect_dma semaphore(%arg16 : memref<!tpu.dma_semaphore, #tpu.memory_space<semaphore_mem>>) src(%dma_wait3A_80 : memref<10240x16xf32, #tpu.memory_space<hbm>>) dst(%arg11 : memref<128x16xf32, #tpu.memory_space<vmem>>)
      %add3A_81 = arith.constant 2 : i32
      %add3A_82 = arith.addi %mul3A_46, %add3A_81 : i32
      "tpu.region"() ({
        %run_scoped3A = tpu.sem_alloc : memref<!tpu.dma_semaphore, #tpu.memory_space<semaphore_mem>>
        %dma_start3A_103 = arith.constant 0 : i32
        %dma_start3A_104 = tpu.memref_slice %arg8[%add3A_82, %dma_start3A_103] : memref<80x128xi32, #tpu.memory_space<vmem>> -> memref<1x128xi32, #tpu.memory_space<vmem>>
        %dma_start3A_105 = tpu.memref_squeeze %dma_start3A_104 : memref<1x128xi32, #tpu.memory_space<vmem>> -> memref<128xi32, #tpu.memory_space<vmem>>
        %dma_start3A_106 = arith.constant 0 : i32
        %dma_start3A_107 = arith.constant 0 : i32
        %dma_start3A_108 = tpu.memref_slice %arg13[%dma_start3A_106, %dma_start3A_107] : memref<10240x16xf32, #tpu.memory_space<vmem_shared>> -> memref<10240x16xf32, #tpu.memory_space<vmem_shared>>
        tpu.enqueue_indirect_dma source(%arg11 : memref<128x16xf32, #tpu.memory_space<vmem>>) target(%dma_start3A_108 : memref<10240x16xf32, #tpu.memory_space<vmem_shared>>) offsets(%dma_start3A_105 : memref<128xi32, #tpu.memory_space<vmem>>) semaphore(%run_scoped3A : memref<!tpu.dma_semaphore, #tpu.memory_space<semaphore_mem>>) {add = true}
        %dma_wait3A_109 = arith.constant 0 : i32
        %dma_wait3A_110 = tpu.memref_slice %arg8[%add3A_82, %dma_wait3A_109] : memref<80x128xi32, #tpu.memory_space<vmem>> -> memref<1x128xi32, #tpu.memory_space<vmem>>
        %dma_wait3A_111 = tpu.memref_squeeze %dma_wait3A_110 : memref<1x128xi32, #tpu.memory_space<vmem>> -> memref<128xi32, #tpu.memory_space<vmem>>
        %dma_wait3A_112 = arith.constant 0 : i32
        %dma_wait3A_113 = arith.constant 0 : i32
        %dma_wait3A_114 = tpu.memref_slice %arg13[%dma_wait3A_112, %dma_wait3A_113] : memref<10240x16xf32, #tpu.memory_space<vmem_shared>> -> memref<10240x16xf32, #tpu.memory_space<vmem_shared>>
        tpu.wait_indirect_dma semaphore(%run_scoped3A : memref<!tpu.dma_semaphore, #tpu.memory_space<semaphore_mem>>) src(%arg11 : memref<128x16xf32, #tpu.memory_space<vmem>>) dst(%dma_wait3A_114 : memref<10240x16xf32, #tpu.memory_space<vmem_shared>>)
        tpu.yield
      }) : () -> ()
      %lt3A_83 = arith.constant 19 : i32
      %lt3A_84 = arith.cmpi slt, %scan3A_44, %lt3A_83 : i32
      %convert_element_type3A_85 = arith.extui %lt3A_84 : i1 to i32
      %cond3A_86 = arith.constant 0 : i32
      %cond3A_87 = arith.cmpi ne, %convert_element_type3A_85, %cond3A_86 : i32
      scf.if %cond3A_87 {
        %add3A_103 = arith.constant 4 : i32
        %add3A_104 = arith.addi %mul3A_46, %add3A_103 : i32
        %add3A_105 = arith.constant 2 : i32
        %add3A_106 = arith.addi %add3A_104, %add3A_105 : i32
        %dma_start3A_107 = arith.constant 0 : i32
        %dma_start3A_108 = tpu.memref_slice %arg7[%add3A_106, %dma_start3A_107] : memref<80x128xi32, #tpu.memory_space<vmem>> -> memref<1x128xi32, #tpu.memory_space<vmem>>
        %dma_start3A_109 = tpu.memref_squeeze %dma_start3A_108 : memref<1x128xi32, #tpu.memory_space<vmem>> -> memref<128xi32, #tpu.memory_space<vmem>>
        %dma_start3A_110 = arith.constant 0 : i32
        %dma_start3A_111 = arith.constant 0 : i32
        %dma_start3A_112 = tpu.memref_slice %arg2[%dma_start3A_110, %dma_start3A_111] : memref<10240x16xf32, #tpu.memory_space<hbm>> -> memref<10240x16xf32, #tpu.memory_space<hbm>>
        tpu.enqueue_indirect_dma source(%dma_start3A_112 : memref<10240x16xf32, #tpu.memory_space<hbm>>) target(%arg11 : memref<128x16xf32, #tpu.memory_space<vmem>>) offsets(%dma_start3A_109 : memref<128xi32, #tpu.memory_space<vmem>>) semaphore(%arg16 : memref<!tpu.dma_semaphore, #tpu.memory_space<semaphore_mem>>)
      } else {
      }
      %add3A_88 = arith.constant 3 : i32
      %add3A_89 = arith.addi %mul3A_46, %add3A_88 : i32
      %dma_wait3A_90 = arith.constant 0 : i32
      %dma_wait3A_91 = tpu.memref_slice %arg7[%add3A_89, %dma_wait3A_90] : memref<80x128xi32, #tpu.memory_space<vmem>> -> memref<1x128xi32, #tpu.memory_space<vmem>>
      %dma_wait3A_92 = tpu.memref_squeeze %dma_wait3A_91 : memref<1x128xi32, #tpu.memory_space<vmem>> -> memref<128xi32, #tpu.memory_space<vmem>>
      %dma_wait3A_93 = arith.constant 0 : i32
      %dma_wait3A_94 = arith.constant 0 : i32
      %dma_wait3A_95 = tpu.memref_slice %arg2[%dma_wait3A_93, %dma_wait3A_94] : memref<10240x16xf32, #tpu.memory_space<hbm>> -> memref<10240x16xf32, #tpu.memory_space<hbm>>
      tpu.wait_indirect_dma semaphore(%arg17 : memref<!tpu.dma_semaphore, #tpu.memory_space<semaphore_mem>>) src(%dma_wait3A_95 : memref<10240x16xf32, #tpu.memory_space<hbm>>) dst(%arg12 : memref<128x16xf32, #tpu.memory_space<vmem>>)
      %add3A_96 = arith.constant 3 : i32
      %add3A_97 = arith.addi %mul3A_46, %add3A_96 : i32
      "tpu.region"() ({
        %run_scoped3A = tpu.sem_alloc : memref<!tpu.dma_semaphore, #tpu.memory_space<semaphore_mem>>
        %dma_start3A_103 = arith.constant 0 : i32
        %dma_start3A_104 = tpu.memref_slice %arg8[%add3A_97, %dma_start3A_103] : memref<80x128xi32, #tpu.memory_space<vmem>> -> memref<1x128xi32, #tpu.memory_space<vmem>>
        %dma_start3A_105 = tpu.memref_squeeze %dma_start3A_104 : memref<1x128xi32, #tpu.memory_space<vmem>> -> memref<128xi32, #tpu.memory_space<vmem>>
        %dma_start3A_106 = arith.constant 0 : i32
        %dma_start3A_107 = arith.constant 0 : i32
        %dma_start3A_108 = tpu.memref_slice %arg13[%dma_start3A_106, %dma_start3A_107] : memref<10240x16xf32, #tpu.memory_space<vmem_shared>> -> memref<10240x16xf32, #tpu.memory_space<vmem_shared>>
        tpu.enqueue_indirect_dma source(%arg12 : memref<128x16xf32, #tpu.memory_space<vmem>>) target(%dma_start3A_108 : memref<10240x16xf32, #tpu.memory_space<vmem_shared>>) offsets(%dma_start3A_105 : memref<128xi32, #tpu.memory_space<vmem>>) semaphore(%run_scoped3A : memref<!tpu.dma_semaphore, #tpu.memory_space<semaphore_mem>>) {add = true}
        %dma_wait3A_109 = arith.constant 0 : i32
        %dma_wait3A_110 = tpu.memref_slice %arg8[%add3A_97, %dma_wait3A_109] : memref<80x128xi32, #tpu.memory_space<vmem>> -> memref<1x128xi32, #tpu.memory_space<vmem>>
        %dma_wait3A_111 = tpu.memref_squeeze %dma_wait3A_110 : memref<1x128xi32, #tpu.memory_space<vmem>> -> memref<128xi32, #tpu.memory_space<vmem>>
        %dma_wait3A_112 = arith.constant 0 : i32
        %dma_wait3A_113 = arith.constant 0 : i32
        %dma_wait3A_114 = tpu.memref_slice %arg13[%dma_wait3A_112, %dma_wait3A_113] : memref<10240x16xf32, #tpu.memory_space<vmem_shared>> -> memref<10240x16xf32, #tpu.memory_space<vmem_shared>>
        tpu.wait_indirect_dma semaphore(%run_scoped3A : memref<!tpu.dma_semaphore, #tpu.memory_space<semaphore_mem>>) src(%arg12 : memref<128x16xf32, #tpu.memory_space<vmem>>) dst(%dma_wait3A_114 : memref<10240x16xf32, #tpu.memory_space<vmem_shared>>)
        tpu.yield
      }) : () -> ()
      %lt3A_98 = arith.constant 19 : i32
      %lt3A_99 = arith.cmpi slt, %scan3A_44, %lt3A_98 : i32
      %convert_element_type3A_100 = arith.extui %lt3A_99 : i1 to i32
      %cond3A_101 = arith.constant 0 : i32
      %cond3A_102 = arith.cmpi ne, %convert_element_type3A_100, %cond3A_101 : i32
      scf.if %cond3A_102 {
        %add3A_103 = arith.constant 4 : i32
        %add3A_104 = arith.addi %mul3A_46, %add3A_103 : i32
        %add3A_105 = arith.constant 3 : i32
        %add3A_106 = arith.addi %add3A_104, %add3A_105 : i32
        %dma_start3A_107 = arith.constant 0 : i32
        %dma_start3A_108 = tpu.memref_slice %arg7[%add3A_106, %dma_start3A_107] : memref<80x128xi32, #tpu.memory_space<vmem>> -> memref<1x128xi32, #tpu.memory_space<vmem>>
        %dma_start3A_109 = tpu.memref_squeeze %dma_start3A_108 : memref<1x128xi32, #tpu.memory_space<vmem>> -> memref<128xi32, #tpu.memory_space<vmem>>
        %dma_start3A_110 = arith.constant 0 : i32
        %dma_start3A_111 = arith.constant 0 : i32
        %dma_start3A_112 = tpu.memref_slice %arg2[%dma_start3A_110, %dma_start3A_111] : memref<10240x16xf32, #tpu.memory_space<hbm>> -> memref<10240x16xf32, #tpu.memory_space<hbm>>
        tpu.enqueue_indirect_dma source(%dma_start3A_112 : memref<10240x16xf32, #tpu.memory_space<hbm>>) target(%arg12 : memref<128x16xf32, #tpu.memory_space<vmem>>) offsets(%dma_start3A_109 : memref<128xi32, #tpu.memory_space<vmem>>) semaphore(%arg17 : memref<!tpu.dma_semaphore, #tpu.memory_space<semaphore_mem>>)
      } else {
      }
    }
    %scan3A_38 = arith.constant 20 : i32
    %barrier3A_39 = arith.constant 0 : index
    tpu.barrier barrier_id(%barrier3A_39)
    %mul3A_40 = arith.constant 640 : i32
    %mul3A_41 = arith.muli %arg1, %mul3A_40 : i32
    %mul3A_42 = arith.constant 640 : i32
    %mul3A_43 = arith.muli %arg1, %mul3A_42 : i32
    "tpu.region"() ({
      %run_scoped3A = tpu.sem_alloc : memref<!tpu.dma_semaphore, #tpu.memory_space<semaphore_mem>>
      %dma_start3A_44 = arith.constant 0 : i32
      %dma_start3A_45 = tpu.memref_slice %arg6[%arg0, %mul3A_43, %dma_start3A_44] : memref<2x10240x16xf32, #tpu.memory_space<hbm>> -> memref<1x640x16xf32, #tpu.memory_space<hbm>>
      %dma_start3A_46 = tpu.memref_squeeze %dma_start3A_45 : memref<1x640x16xf32, #tpu.memory_space<hbm>> -> memref<640x16xf32, #tpu.memory_space<hbm>>
      %dma_start3A_47 = arith.constant 0 : i32
      %dma_start3A_48 = tpu.memref_slice %arg13[%mul3A_41, %dma_start3A_47] : memref<10240x16xf32, #tpu.memory_space<vmem_shared>> -> memref<640x16xf32, #tpu.memory_space<vmem_shared>>
      tpu.enqueue_dma source(%dma_start3A_48 : memref<640x16xf32, #tpu.memory_space<vmem_shared>>) target(%dma_start3A_46 : memref<640x16xf32, #tpu.memory_space<hbm>>) target_semaphore(%run_scoped3A : memref<!tpu.dma_semaphore, #tpu.memory_space<semaphore_mem>>)
      %dma_wait3A = arith.constant 0 : i32
      %dma_wait3A_49 = tpu.memref_slice %arg6[%arg0, %mul3A_43, %dma_wait3A] : memref<2x10240x16xf32, #tpu.memory_space<hbm>> -> memref<1x640x16xf32, #tpu.memory_space<hbm>>
      %dma_wait3A_50 = tpu.memref_squeeze %dma_wait3A_49 : memref<1x640x16xf32, #tpu.memory_space<hbm>> -> memref<640x16xf32, #tpu.memory_space<hbm>>
      %dma_wait3A_51 = arith.constant 0 : i32
      %dma_wait3A_52 = tpu.memref_slice %arg13[%mul3A_41, %dma_wait3A_51] : memref<10240x16xf32, #tpu.memory_space<vmem_shared>> -> memref<640x16xf32, #tpu.memory_space<vmem_shared>>
      tpu.wait_dma2 semaphore(%run_scoped3A : memref<!tpu.dma_semaphore, #tpu.memory_space<semaphore_mem>>) src(%dma_wait3A_52 : memref<640x16xf32, #tpu.memory_space<vmem_shared>>) dst(%dma_wait3A_50 : memref<640x16xf32, #tpu.memory_space<hbm>>)
      tpu.yield
    }) : () -> ()
    return
  }
}

module attributes {stable_mosaic.version = 14 : i64} {
  func.func @_tc_pre(%arg0: memref<2x10240x8xf32, #tpu.memory_space<vmem>>, %arg1: memref<10240x128xf32, #tpu.memory_space<vmem>>, %arg2: memref<128x64xf32, #tpu.memory_space<vmem>>, %arg3: memref<10240x64xf32, #tpu.memory_space<vmem>>, %arg4: memref<10240x1xf32, #tpu.memory_space<vmem>>) attributes {dimension_semantics = [], scalar_prefetch = 0 : i64, scratch_operands = 0 : i64, tpu.core_type = #tpu.core_type<tc>} {
    %get3A = arith.constant 0 : index
    %get3A_0 = arith.constant 0 : index
    %get3A_1 = arith.constant 0 : index
    %get3A_2 = vector.load %arg0[%get3A, %get3A_0, %get3A_1] : memref<2x10240x8xf32, #tpu.memory_space<vmem>>, vector<1x10240x1xf32>
    %get3A_3 = vector.shape_cast %get3A_2 : vector<1x10240x1xf32> to vector<10240x1xf32>
    %get3A_4 = arith.constant 1 : index
    %get3A_5 = arith.constant 0 : index
    %get3A_6 = arith.constant 0 : index
    %get3A_7 = vector.load %arg0[%get3A_4, %get3A_5, %get3A_6] : memref<2x10240x8xf32, #tpu.memory_space<vmem>>, vector<1x10240x1xf32>
    %get3A_8 = vector.shape_cast %get3A_7 : vector<1x10240x1xf32> to vector<10240x1xf32>
    %add3A = arith.addf %get3A_3, %get3A_8 : vector<10240x1xf32>
    %add3A_9 = arith.constant 1.000000e+00 : f32
    %add3A_10 = vector.broadcast %add3A_9 : f32 to vector<10240x1xf32>
    %add3A_11 = arith.addf %add3A, %add3A_10 : vector<10240x1xf32>
    %sqrt3A = math.sqrt %add3A_11 : vector<10240x1xf32>
    %div3A = arith.constant 1.000000e+00 : f32
    %div3A_12 = vector.broadcast %div3A : f32 to vector<10240x1xf32>
    %div3A_13 = arith.divf %div3A_12, %sqrt3A : vector<10240x1xf32>
    %swap3A = arith.constant 0 : index
    %swap3A_14 = arith.constant 0 : index
    %swap3A_15 = vector.load %arg4[%swap3A, %swap3A_14] : memref<10240x1xf32, #tpu.memory_space<vmem>>, vector<10240x1xf32>
    tpu.vector_store %arg4[%swap3A, %swap3A_14], %div3A_13 {strides = array<i32>} : memref<10240x1xf32, #tpu.memory_space<vmem>>, vector<10240x1xf32>,
    %get3A_16 = arith.constant 0 : index
    %get3A_17 = arith.constant 0 : index
    %get3A_18 = vector.load %arg1[%get3A_16, %get3A_17] : memref<10240x128xf32, #tpu.memory_space<vmem>>, vector<10240x128xf32>
    %get3A_19 = arith.constant 0 : index
    %get3A_20 = arith.constant 0 : index
    %get3A_21 = vector.load %arg2[%get3A_19, %get3A_20] : memref<128x64xf32, #tpu.memory_space<vmem>>, vector<128x64xf32>
    %dot_general3A = arith.constant dense<0.000000e+00> : vector<10240x64xf32>
    %dot_general3A_22 = tpu.matmul %get3A_18, %get3A_21, %dot_general3A {dimension_numbers = #tpu.dot_dimension_numbers<[1], [0], [0], [1], [0, 0, 1, 1], [], []>, transpose_lhs_hint = false} : vector<10240x128xf32>, vector<128x64xf32>, vector<10240x64xf32> -> vector<10240x64xf32>
    %mul3A = vector.broadcast %div3A_13 : vector<10240x1xf32> to vector<10240x64xf32>
    %mul3A_23 = arith.mulf %dot_general3A_22, %mul3A : vector<10240x64xf32>
    %swap3A_24 = arith.constant 0 : index
    %swap3A_25 = arith.constant 0 : index
    %swap3A_26 = vector.load %arg3[%swap3A_24, %swap3A_25] : memref<10240x64xf32, #tpu.memory_space<vmem>>, vector<10240x64xf32>
    tpu.vector_store %arg3[%swap3A_24, %swap3A_25], %mul3A_23 {strides = array<i32>} : memref<10240x64xf32, #tpu.memory_space<vmem>>, vector<10240x64xf32>,
    return
  }
}

module attributes {stable_mosaic.version = 14 : i64} {
  func.func @_tc_mid(%arg0: memref<2x10240x64xf32, #tpu.memory_space<vmem>>, %arg1: memref<10240x64xf32, #tpu.memory_space<vmem>>, %arg2: memref<10240x1xf32, #tpu.memory_space<vmem>>, %arg3: memref<1x64xf32, #tpu.memory_space<vmem>>, %arg4: memref<64x64xf32, #tpu.memory_space<vmem>>, %arg5: memref<10240x64xf32, #tpu.memory_space<vmem>>) attributes {dimension_semantics = [], scalar_prefetch = 0 : i64, scratch_operands = 0 : i64, tpu.core_type = #tpu.core_type<tc>} {
    %get3A = arith.constant 0 : index
    %get3A_0 = arith.constant 0 : index
    %get3A_1 = vector.load %arg2[%get3A, %get3A_0] : memref<10240x1xf32, #tpu.memory_space<vmem>>, vector<10240x1xf32>
    %get3A_2 = arith.constant 0 : index
    %get3A_3 = arith.constant 0 : index
    %get3A_4 = arith.constant 0 : index
    %get3A_5 = vector.load %arg0[%get3A_2, %get3A_3, %get3A_4] : memref<2x10240x64xf32, #tpu.memory_space<vmem>>, vector<1x10240x64xf32>
    %get3A_6 = vector.shape_cast %get3A_5 : vector<1x10240x64xf32> to vector<10240x64xf32>
    %get3A_7 = arith.constant 1 : index
    %get3A_8 = arith.constant 0 : index
    %get3A_9 = arith.constant 0 : index
    %get3A_10 = vector.load %arg0[%get3A_7, %get3A_8, %get3A_9] : memref<2x10240x64xf32, #tpu.memory_space<vmem>>, vector<1x10240x64xf32>
    %get3A_11 = vector.shape_cast %get3A_10 : vector<1x10240x64xf32> to vector<10240x64xf32>
    %add3A = arith.addf %get3A_6, %get3A_11 : vector<10240x64xf32>
    %get3A_12 = arith.constant 0 : index
    %get3A_13 = arith.constant 0 : index
    %get3A_14 = vector.load %arg1[%get3A_12, %get3A_13] : memref<10240x64xf32, #tpu.memory_space<vmem>>, vector<10240x64xf32>
    %add3A_15 = arith.addf %add3A, %get3A_14 : vector<10240x64xf32>
    %mul3A = vector.broadcast %get3A_1 : vector<10240x1xf32> to vector<10240x64xf32>
    %mul3A_16 = arith.mulf %add3A_15, %mul3A : vector<10240x64xf32>
    %get3A_17 = arith.constant 0 : index
    %get3A_18 = arith.constant 0 : index
    %get3A_19 = vector.load %arg3[%get3A_17, %get3A_18] : memref<1x64xf32, #tpu.memory_space<vmem>>, vector<1x64xf32>
    %add3A_20 = vector.broadcast %get3A_19 : vector<1x64xf32> to vector<10240x64xf32>
    %add3A_21 = arith.addf %mul3A_16, %add3A_20 : vector<10240x64xf32>
    %max3A = arith.constant 0.000000e+00 : f32
    %max3A_22 = vector.broadcast %max3A : f32 to vector<10240x64xf32>
    %max3A_23 = arith.maximumf %add3A_21, %max3A_22 : vector<10240x64xf32>
    %get3A_24 = arith.constant 0 : index
    %get3A_25 = arith.constant 0 : index
    %get3A_26 = vector.load %arg4[%get3A_24, %get3A_25] : memref<64x64xf32, #tpu.memory_space<vmem>>, vector<64x64xf32>
    %dot_general3A = arith.constant dense<0.000000e+00> : vector<10240x64xf32>
    %dot_general3A_27 = tpu.matmul %max3A_23, %get3A_26, %dot_general3A {dimension_numbers = #tpu.dot_dimension_numbers<[1], [0], [0], [1], [0, 0, 1, 1], [], []>, transpose_lhs_hint = false} : vector<10240x64xf32>, vector<64x64xf32>, vector<10240x64xf32> -> vector<10240x64xf32>
    %mul3A_28 = vector.broadcast %get3A_1 : vector<10240x1xf32> to vector<10240x64xf32>
    %mul3A_29 = arith.mulf %dot_general3A_27, %mul3A_28 : vector<10240x64xf32>
    %swap3A = arith.constant 0 : index
    %swap3A_30 = arith.constant 0 : index
    %swap3A_31 = vector.load %arg5[%swap3A, %swap3A_30] : memref<10240x64xf32, #tpu.memory_space<vmem>>, vector<10240x64xf32>
    tpu.vector_store %arg5[%swap3A, %swap3A_30], %mul3A_29 {strides = array<i32>} : memref<10240x64xf32, #tpu.memory_space<vmem>>, vector<10240x64xf32>,
    return
  }
}

module attributes {stable_mosaic.version = 14 : i64} {
  func.func @_tc_mid(%arg0: memref<2x10240x64xf32, #tpu.memory_space<vmem>>, %arg1: memref<10240x64xf32, #tpu.memory_space<vmem>>, %arg2: memref<10240x1xf32, #tpu.memory_space<vmem>>, %arg3: memref<1x64xf32, #tpu.memory_space<vmem>>, %arg4: memref<64x16xf32, #tpu.memory_space<vmem>>, %arg5: memref<10240x16xf32, #tpu.memory_space<vmem>>) attributes {dimension_semantics = [], scalar_prefetch = 0 : i64, scratch_operands = 0 : i64, tpu.core_type = #tpu.core_type<tc>} {
    %get3A = arith.constant 0 : index
    %get3A_0 = arith.constant 0 : index
    %get3A_1 = vector.load %arg2[%get3A, %get3A_0] : memref<10240x1xf32, #tpu.memory_space<vmem>>, vector<10240x1xf32>
    %get3A_2 = arith.constant 0 : index
    %get3A_3 = arith.constant 0 : index
    %get3A_4 = arith.constant 0 : index
    %get3A_5 = vector.load %arg0[%get3A_2, %get3A_3, %get3A_4] : memref<2x10240x64xf32, #tpu.memory_space<vmem>>, vector<1x10240x64xf32>
    %get3A_6 = vector.shape_cast %get3A_5 : vector<1x10240x64xf32> to vector<10240x64xf32>
    %get3A_7 = arith.constant 1 : index
    %get3A_8 = arith.constant 0 : index
    %get3A_9 = arith.constant 0 : index
    %get3A_10 = vector.load %arg0[%get3A_7, %get3A_8, %get3A_9] : memref<2x10240x64xf32, #tpu.memory_space<vmem>>, vector<1x10240x64xf32>
    %get3A_11 = vector.shape_cast %get3A_10 : vector<1x10240x64xf32> to vector<10240x64xf32>
    %add3A = arith.addf %get3A_6, %get3A_11 : vector<10240x64xf32>
    %get3A_12 = arith.constant 0 : index
    %get3A_13 = arith.constant 0 : index
    %get3A_14 = vector.load %arg1[%get3A_12, %get3A_13] : memref<10240x64xf32, #tpu.memory_space<vmem>>, vector<10240x64xf32>
    %add3A_15 = arith.addf %add3A, %get3A_14 : vector<10240x64xf32>
    %mul3A = vector.broadcast %get3A_1 : vector<10240x1xf32> to vector<10240x64xf32>
    %mul3A_16 = arith.mulf %add3A_15, %mul3A : vector<10240x64xf32>
    %get3A_17 = arith.constant 0 : index
    %get3A_18 = arith.constant 0 : index
    %get3A_19 = vector.load %arg3[%get3A_17, %get3A_18] : memref<1x64xf32, #tpu.memory_space<vmem>>, vector<1x64xf32>
    %add3A_20 = vector.broadcast %get3A_19 : vector<1x64xf32> to vector<10240x64xf32>
    %add3A_21 = arith.addf %mul3A_16, %add3A_20 : vector<10240x64xf32>
    %max3A = arith.constant 0.000000e+00 : f32
    %max3A_22 = vector.broadcast %max3A : f32 to vector<10240x64xf32>
    %max3A_23 = arith.maximumf %add3A_21, %max3A_22 : vector<10240x64xf32>
    %get3A_24 = arith.constant 0 : index
    %get3A_25 = arith.constant 0 : index
    %get3A_26 = vector.load %arg4[%get3A_24, %get3A_25] : memref<64x16xf32, #tpu.memory_space<vmem>>, vector<64x16xf32>
    %dot_general3A = arith.constant dense<0.000000e+00> : vector<10240x16xf32>
    %dot_general3A_27 = tpu.matmul %max3A_23, %get3A_26, %dot_general3A {dimension_numbers = #tpu.dot_dimension_numbers<[1], [0], [0], [1], [0, 0, 1, 1], [], []>, transpose_lhs_hint = false} : vector<10240x64xf32>, vector<64x16xf32>, vector<10240x16xf32> -> vector<10240x16xf32>
    %mul3A_28 = vector.broadcast %get3A_1 : vector<10240x1xf32> to vector<10240x16xf32>
    %mul3A_29 = arith.mulf %dot_general3A_27, %mul3A_28 : vector<10240x16xf32>
    %swap3A = arith.constant 0 : index
    %swap3A_30 = arith.constant 0 : index
    %swap3A_31 = vector.load %arg5[%swap3A, %swap3A_30] : memref<10240x16xf32, #tpu.memory_space<vmem>>, vector<10240x16xf32>
    tpu.vector_store %arg5[%swap3A, %swap3A_30], %mul3A_29 {strides = array<i32>} : memref<10240x16xf32, #tpu.memory_space<vmem>>, vector<10240x16xf32>,
    return
  }
}

module attributes {stable_mosaic.version = 14 : i64} {
  func.func @_tc_fin(%arg0: memref<2x10240x16xf32, #tpu.memory_space<vmem>>, %arg1: memref<10240x16xf32, #tpu.memory_space<vmem>>, %arg2: memref<10240x1xf32, #tpu.memory_space<vmem>>, %arg3: memref<1x16xf32, #tpu.memory_space<vmem>>, %arg4: memref<10240x1xi32, #tpu.memory_space<vmem>>, %arg5: memref<16x16xf32, #tpu.memory_space<vmem>>, %arg6: memref<1x16xf32, #tpu.memory_space<vmem>>, %arg7: memref<1x16xf32, #tpu.memory_space<vmem>>, %arg8: memref<1x16xf32, #tpu.memory_space<vmem>>, %arg9: memref<16x2xf32, #tpu.memory_space<vmem>>, %arg10: memref<1x2xf32, #tpu.memory_space<vmem>>, %arg11: memref<64x2xf32, #tpu.memory_space<vmem>>) attributes {dimension_semantics = [], scalar_prefetch = 0 : i64, scratch_operands = 0 : i64, tpu.core_type = #tpu.core_type<tc>} {
    %get3A = arith.constant 0 : index
    %get3A_0 = arith.constant 0 : index
    %get3A_1 = arith.constant 0 : index
    %get3A_2 = vector.load %arg0[%get3A, %get3A_0, %get3A_1] : memref<2x10240x16xf32, #tpu.memory_space<vmem>>, vector<1x10240x16xf32>
    %get3A_3 = vector.shape_cast %get3A_2 : vector<1x10240x16xf32> to vector<10240x16xf32>
    %get3A_4 = arith.constant 1 : index
    %get3A_5 = arith.constant 0 : index
    %get3A_6 = arith.constant 0 : index
    %get3A_7 = vector.load %arg0[%get3A_4, %get3A_5, %get3A_6] : memref<2x10240x16xf32, #tpu.memory_space<vmem>>, vector<1x10240x16xf32>
    %get3A_8 = vector.shape_cast %get3A_7 : vector<1x10240x16xf32> to vector<10240x16xf32>
    %add3A = arith.addf %get3A_3, %get3A_8 : vector<10240x16xf32>
    %get3A_9 = arith.constant 0 : index
    %get3A_10 = arith.constant 0 : index
    %get3A_11 = vector.load %arg1[%get3A_9, %get3A_10] : memref<10240x16xf32, #tpu.memory_space<vmem>>, vector<10240x16xf32>
    %add3A_12 = arith.addf %add3A, %get3A_11 : vector<10240x16xf32>
    %get3A_13 = arith.constant 0 : index
    %get3A_14 = arith.constant 0 : index
    %get3A_15 = vector.load %arg2[%get3A_13, %get3A_14] : memref<10240x1xf32, #tpu.memory_space<vmem>>, vector<10240x1xf32>
    %mul3A = vector.broadcast %get3A_15 : vector<10240x1xf32> to vector<10240x16xf32>
    %mul3A_16 = arith.mulf %add3A_12, %mul3A : vector<10240x16xf32>
    %get3A_17 = arith.constant 0 : index
    %get3A_18 = arith.constant 0 : index
    %get3A_19 = vector.load %arg3[%get3A_17, %get3A_18] : memref<1x16xf32, #tpu.memory_space<vmem>>, vector<1x16xf32>
    %add3A_20 = vector.broadcast %get3A_19 : vector<1x16xf32> to vector<10240x16xf32>
    %add3A_21 = arith.addf %mul3A_16, %add3A_20 : vector<10240x16xf32>
    %iota3A = tpu.iota {dimensions = array<i32: 1>} : vector<10240x64xi32>
    %get3A_22 = arith.constant 0 : index
    %get3A_23 = arith.constant 0 : index
    %get3A_24 = vector.load %arg4[%get3A_22, %get3A_23] : memref<10240x1xi32, #tpu.memory_space<vmem>>, vector<10240x1xi32>
    %eq3A = vector.broadcast %get3A_24 : vector<10240x1xi32> to vector<10240x64xi32>
    %eq3A_25 = arith.cmpi eq, %eq3A, %iota3A : vector<10240x64xi32>
    %convert_element_type3A = arith.extui %eq3A_25 : vector<10240x64xi1> to vector<10240x64xi32>
    %convert_element_type3A_26 = arith.sitofp %convert_element_type3A : vector<10240x64xi32> to vector<10240x64xf32>
    %dot_general3A = arith.constant dense<0.000000e+00> : vector<64x16xf32>
    %dot_general3A_27 = tpu.matmul %convert_element_type3A_26, %add3A_21, %dot_general3A {dimension_numbers = #tpu.dot_dimension_numbers<[0], [0], [1], [1], [0, 1, 1, 1], [], []>, precision = #tpu.contract_precision<fp32>, transpose_lhs_hint = false} : vector<10240x64xf32>, vector<10240x16xf32>, vector<64x16xf32> -> vector<64x16xf32>
    %broadcast_in_dim3A = arith.constant 1.000000e+00 : f32
    %broadcast_in_dim3A_28 = vector.broadcast %broadcast_in_dim3A : f32 to vector<10240x1xf32>
    %dot_general3A_29 = arith.constant dense<0.000000e+00> : vector<64x1xf32>
    %dot_general3A_30 = tpu.matmul %convert_element_type3A_26, %broadcast_in_dim3A_28, %dot_general3A_29 {dimension_numbers = #tpu.dot_dimension_numbers<[0], [0], [1], [1], [0, 1, 1, 1], [], []>, precision = #tpu.contract_precision<fp32>, transpose_lhs_hint = false} : vector<10240x64xf32>, vector<10240x1xf32>, vector<64x1xf32> -> vector<64x1xf32>
    %max3A = arith.constant 1.000000e+00 : f32
    %max3A_31 = vector.broadcast %max3A : f32 to vector<64x1xf32>
    %max3A_32 = arith.maximumf %dot_general3A_30, %max3A_31 : vector<64x1xf32>
    %div3A = vector.broadcast %max3A_32 : vector<64x1xf32> to vector<64x16xf32>
    %div3A_33 = arith.divf %dot_general3A_27, %div3A : vector<64x16xf32>
    %get3A_34 = arith.constant 0 : index
    %get3A_35 = arith.constant 0 : index
    %get3A_36 = vector.load %arg5[%get3A_34, %get3A_35] : memref<16x16xf32, #tpu.memory_space<vmem>>, vector<16x16xf32>
    %dot_general3A_37 = arith.constant dense<0.000000e+00> : vector<64x16xf32>
    %dot_general3A_38 = tpu.matmul %div3A_33, %get3A_36, %dot_general3A_37 {dimension_numbers = #tpu.dot_dimension_numbers<[1], [0], [0], [1], [0, 0, 1, 1], [], []>, transpose_lhs_hint = false} : vector<64x16xf32>, vector<16x16xf32>, vector<64x16xf32> -> vector<64x16xf32>
    %get3A_39 = arith.constant 0 : index
    %get3A_40 = arith.constant 0 : index
    %get3A_41 = vector.load %arg6[%get3A_39, %get3A_40] : memref<1x16xf32, #tpu.memory_space<vmem>>, vector<1x16xf32>
    %add3A_42 = vector.broadcast %get3A_41 : vector<1x16xf32> to vector<64x16xf32>
    %add3A_43 = arith.addf %dot_general3A_38, %add3A_42 : vector<64x16xf32>
    %reduce_sum3A = arith.constant dense<0.000000e+00> : vector<16xf32>
    %reduce_sum3A_44 = vector.multi_reduction <add>, %add3A_43, %reduce_sum3A [0] : vector<64x16xf32> to vector<16xf32>
    %broadcast_in_dim3A_45 = vector.shape_cast %reduce_sum3A_44 : vector<16xf32> to vector<1x16xf32>
    %div3A_46 = arith.constant 6.400000e+01 : f32
    %div3A_47 = vector.broadcast %div3A_46 : f32 to vector<1x16xf32>
    %div3A_48 = arith.divf %broadcast_in_dim3A_45, %div3A_47 : vector<1x16xf32>
    %sub3A = vector.broadcast %div3A_48 : vector<1x16xf32> to vector<64x16xf32>
    %sub3A_49 = arith.subf %add3A_43, %sub3A : vector<64x16xf32>
    %sub3A_50 = vector.broadcast %div3A_48 : vector<1x16xf32> to vector<64x16xf32>
    %sub3A_51 = arith.subf %add3A_43, %sub3A_50 : vector<64x16xf32>
    %mul3A_52 = arith.mulf %sub3A_49, %sub3A_51 : vector<64x16xf32>
    %reduce_sum3A_53 = arith.constant dense<0.000000e+00> : vector<16xf32>
    %reduce_sum3A_54 = vector.multi_reduction <add>, %mul3A_52, %reduce_sum3A_53 [0] : vector<64x16xf32> to vector<16xf32>
    %broadcast_in_dim3A_55 = vector.shape_cast %reduce_sum3A_54 : vector<16xf32> to vector<1x16xf32>
    %div3A_56 = arith.constant 6.400000e+01 : f32
    %div3A_57 = vector.broadcast %div3A_56 : f32 to vector<1x16xf32>
    %div3A_58 = arith.divf %broadcast_in_dim3A_55, %div3A_57 : vector<1x16xf32>
    %sub3A_59 = vector.broadcast %div3A_48 : vector<1x16xf32> to vector<64x16xf32>
    %sub3A_60 = arith.subf %add3A_43, %sub3A_59 : vector<64x16xf32>
    %add3A_61 = arith.constant 9.99999974E-6 : f32
    %add3A_62 = vector.broadcast %add3A_61 : f32 to vector<1x16xf32>
    %add3A_63 = arith.addf %div3A_58, %add3A_62 : vector<1x16xf32>
    %sqrt3A = math.sqrt %add3A_63 : vector<1x16xf32>
    %div3A_64 = vector.broadcast %sqrt3A : vector<1x16xf32> to vector<64x16xf32>
    %div3A_65 = arith.divf %sub3A_60, %div3A_64 : vector<64x16xf32>
    %get3A_66 = arith.constant 0 : index
    %get3A_67 = arith.constant 0 : index
    %get3A_68 = vector.load %arg7[%get3A_66, %get3A_67] : memref<1x16xf32, #tpu.memory_space<vmem>>, vector<1x16xf32>
    %mul3A_69 = vector.broadcast %get3A_68 : vector<1x16xf32> to vector<64x16xf32>
    %mul3A_70 = arith.mulf %div3A_65, %mul3A_69 : vector<64x16xf32>
    %get3A_71 = arith.constant 0 : index
    %get3A_72 = arith.constant 0 : index
    %get3A_73 = vector.load %arg8[%get3A_71, %get3A_72] : memref<1x16xf32, #tpu.memory_space<vmem>>, vector<1x16xf32>
    %add3A_74 = vector.broadcast %get3A_73 : vector<1x16xf32> to vector<64x16xf32>
    %add3A_75 = arith.addf %mul3A_70, %add3A_74 : vector<64x16xf32>
    %max3A_76 = arith.constant 0.000000e+00 : f32
    %max3A_77 = vector.broadcast %max3A_76 : f32 to vector<64x16xf32>
    %max3A_78 = arith.maximumf %add3A_75, %max3A_77 : vector<64x16xf32>
    %get3A_79 = arith.constant 0 : index
    %get3A_80 = arith.constant 0 : index
    %get3A_81 = vector.load %arg9[%get3A_79, %get3A_80] : memref<16x2xf32, #tpu.memory_space<vmem>>, vector<16x2xf32>
    %dot_general3A_82 = arith.constant dense<0.000000e+00> : vector<64x2xf32>
    %dot_general3A_83 = tpu.matmul %max3A_78, %get3A_81, %dot_general3A_82 {dimension_numbers = #tpu.dot_dimension_numbers<[1], [0], [0], [1], [0, 0, 1, 1], [], []>, transpose_lhs_hint = false} : vector<64x16xf32>, vector<16x2xf32>, vector<64x2xf32> -> vector<64x2xf32>
    %get3A_84 = arith.constant 0 : index
    %get3A_85 = arith.constant 0 : index
    %get3A_86 = vector.load %arg10[%get3A_84, %get3A_85] : memref<1x2xf32, #tpu.memory_space<vmem>>, vector<1x2xf32>
    %add3A_87 = vector.broadcast %get3A_86 : vector<1x2xf32> to vector<64x2xf32>
    %add3A_88 = arith.addf %dot_general3A_83, %add3A_87 : vector<64x2xf32>
    %swap3A = arith.constant 0 : index
    %swap3A_89 = arith.constant 0 : index
    %swap3A_90 = vector.load %arg11[%swap3A, %swap3A_89] : memref<64x2xf32, #tpu.memory_space<vmem>>, vector<64x2xf32>
    tpu.vector_store %arg11[%swap3A, %swap3A_89], %add3A_88 {strides = array<i32>} : memref<64x2xf32, #tpu.memory_space<vmem>>, vector<64x2xf32>,
    return
  }
}

</mosaic_0001>

<sc_bundles>
// kernel: kernel.10.cloned.1.call-start
scs
__scs_entry_jumppad:
0x0: {  	(pc) =	sbr.rel $0x88, $3  }
0x1: {  	(tag) =	ssettag $0x0;
	lr =	simm.s32 $0x1  }
0x2: {  	[smem:$0x3F92] =	sst lr;
	_ =	strace $0xD0000000  }
0x3: {  	_ = 	snop  }
0x4: {  	_ = 	snop  }
0x5: {  	_ = 	snop  }
0x6: {  	_ = 	snop  }
0x7: {  	_ = 	snop  }
__scs_overlays_trampoline_lowered:
0x8: {  	[smem:$0x3FA1] =	sst s0  }
0x9: {  	[smem:$0x3FA2] =	sst s1  }
0xa: {  	[smem:$0x3FA3] =	sst s2  }
0xb: {  	[smem:$0x3FA4] =	sst s3  }
0xc: {  	[smem:$0x3FA5] =	sst s4  }
0xd: {  	[smem:$0x3FA6] =	sst s5  }
0xe: {  	[smem:$0x3FA7] =	sst s6  }
0xf: {  	[smem:$0x3FA8] =	sst s7  }
0x10: {  	[smem:$0x3FA9] =	sst s8  }
0x11: {  	[smem:$0x3FAA] =	sst s9;
	s0 =	simm.s32 @!p0 $0x0  }
0x12: {  	s1 =	sld [smem:$0x3F90];
	s0 =	simm.s32 @p0 $0x1  }
0x13: {  	[smem:$0x3FAB] =	sst s0;
	s0 =	simm.s32 @!p1 $0x0  }
0x14: {  	s2 =	sld [smem:$0x3F8F];
	s0 =	simm.s32 @p1 $0x1  }
0x15: {  	[smem:$0x3FAC] =	sst s0;
	s0 =	simm.s32 @!p2 $0x0  }
0x16: {  	s3 =	sld [smem:$0x3FDB];
	s0 =	simm.s32 @p2 $0x1  }
0x17: {  	s4 =	simm.s32 $0x1BF5;
	[smem:$0x3FAE] =	sst s0  }
0x18: {  	s0 =	sld [smem:$0x3F91];
	_ =	swait.ge [sflag:s4], $0x0  }
0x19: {  	s7 =	sld [smem:$0x3F92]  }
0x1a: {  	s8 =	sadd.s32 $0xFFFFE003, lr  }
0x1b: {  	s9 =	sadd.s32 $0xFFFFFEF7, lr;
	s5 =	simm.s32 $0xFFFFFFFF;
	p2 =	slt.u32 s8, $0xFFFFF086  }
0x1c: {  	p1 =	slt.u32 s9, $0xF7A;
	s5 =	simm.s32 @!p2 $0x0  }
0x1d: {  	s5 =	simm.s32 @p1 $0x1;
	p0 =	seq.s32 s7, s2  }
0x1e: {  	s7 =	smul.u32 @!p0 $0xF7A, s2;
	p2 =	seq.s32 @!p0 s5, $0x0  }
0x1f: {  	s9 =	smul.u32 $0xF7A, s1;
	s8 =	simm.s32 @!p0 $0x1BF5;
	p2 =	por !p2, p0  }
0x20: {  	[sflag:s8] =	ssyncset.s32 @!p0 $0xFFFFF086;
	s6 =	sadd.s32 @!p0 s3, s7;
	s7 =	simm.s32 @!p0 $0x108  }
0x21: {  	s3 =	sadd.s32 s3, s9;
	s6 =	sadd.s32 @!p0 $0x88, s6;
	s7 =	simm.s32 @p2 $0x1082  }
0x22: {  	[simem:s7], [sflag:s8] =	dma.local @!p0 [hbm:s6], $0xF7A  }
0x23: {  	s9 =	sor.u32 $0xD0000000, s2;
	s6 =	simm.s32 $0x108;
	_ =	swait.ge @!p0 [sflag:s8], $0x0  }
0x24: {  	s3 =	sadd.s32 $0x88, s3;
	s6 =	simm.s32 @!p1 $0x1082;
	[sflag:s4] =	ssyncset.s32 $0xFFFFF086  }
0x25: {  	[simem:s6], [sflag:s4] =	dma.local [hbm:s3], $0xF7A  }
0x26: {  	[smem:$0x3F92] =	sst s1;
	(tag) =	ssettag s2;
	_ =	strace s9  }
0x27: {  	s1 =	sld [smem:$0x3FA2]  }
0x28: {  	s2 =	sld [smem:$0x3FA3]  }
0x29: {  	s4 =	sld [smem:$0x3FA5]  }
0x2a: {  	p0 =	seq.s32 s5, $0x0;
	s5 =	sld [smem:$0x3FA6]  }
0x2b: {  	s6 =	sld [smem:$0x3FA7]  }
0x2c: {  	s7 =	sld [smem:$0x3FA8]  }
0x2d: {  	s3 =	simm.s32 $0x108;
	s8 =	sld [smem:$0x3FA9]  }
0x2e: {  	s3 =	simm.s32 @!p0 $0x1082;
	s9 =	sld [smem:$0x3FAA]  }
0x2f: {  	lr =	sadd.s32 s0, s3;
	s0 =	sld [smem:$0x3FA1]  }
0x30: {  	s3 =	sld [smem:$0x3FA4]  }
0x31: {  	[smem:$0x3FAD] =	sst s10  }
0x32: {  	s10 =	sld [smem:$0x3FAB];
	_ =	sdelay $0x3  }
0x33: {  	p0 =	seq.s32 s10, $0x1;
	s10 =	sld [smem:$0x3FAD];
	_ =	sdelay $0x3  }
0x34: {  	[smem:$0x3FAD] =	sst s10  }
0x35: {  	s10 =	sld [smem:$0x3FAC];
	_ =	sdelay $0x3  }
0x36: {  	p1 =	seq.s32 s10, $0x1;
	s10 =	sld [smem:$0x3FAD];
	_ =	sdelay $0x3  }
0x37: {  	[smem:$0x3FAD] =	sst s10  }
0x38: {  	s10 =	sld [smem:$0x3FAE]  }
0x39: {  	_ = 	snop;
	(pc) =	sbr.ind lr, $3  }
0x3a: {  	_ = 	snop  }
0x3b: {  	_ = 	snop  }
0x3c: {  	p2 =	seq.s32 s10, $0x1;
	s10 =	sld [smem:$0x3FAD]  }
0x3d: {  	_ =	shalt  }
0x3e: {  	_ =	shalt  }
0x3f: {  	_ =	shalt  }
0x40: {  	_ =	shalt  }
0x41: {  	_ =	shalt  }
0x42: {  	_ =	shalt  }
0x43: {  	_ =	shalt  }
0x44: {  	_ =	shalt  }
0x45: {  	_ =	shalt  }
0x46: {  	_ =	shalt  }
0x47: {  	_ =	shalt  }
0x48: {  	_ =	shalt  }
0x49: {  	_ =	shalt  }
0x4a: {  	_ =	shalt  }
0x4b: {  	_ =	shalt  }
0x4c: {  	_ =	shalt  }
0x4d: {  	_ =	shalt  }
0x4e: {  	_ =	shalt  }
0x4f: {  	_ =	shalt  }
0x50: {  	_ =	shalt  }
0x51: {  	_ =	shalt  }
0x52: {  	_ =	shalt  }
0x53: {  	_ =	shalt  }
0x54: {  	_ =	shalt  }
0x55: {  	_ =	shalt  }
0x56: {  	_ =	shalt  }
0x57: {  	_ =	shalt  }
0x58: {  	_ =	shalt  }
0x59: {  	_ =	shalt  }
0x5a: {  	_ =	shalt  }
0x5b: {  	_ =	shalt  }
0x5c: {  	_ =	shalt  }
0x5d: {  	_ =	shalt  }
0x5e: {  	_ =	shalt  }
0x5f: {  	_ =	shalt  }
0x60: {  	_ =	shalt  }
0x61: {  	_ =	shalt  }
0x62: {  	_ =	shalt  }
0x63: {  	_ =	shalt  }
0x64: {  	_ =	shalt  }
0x65: {  	_ =	shalt  }
0x66: {  	_ =	shalt  }
0x67: {  	_ =	shalt  }
0x68: {  	_ =	shalt  }
0x69: {  	_ =	shalt  }
0x6a: {  	_ =	shalt  }
0x6b: {  	_ =	shalt  }
0x6c: {  	_ =	shalt  }
0x6d: {  	_ =	shalt  }
0x6e: {  	_ =	shalt  }
0x6f: {  	_ =	shalt  }
0x70: {  	_ =	shalt  }
0x71: {  	_ =	shalt  }
0x72: {  	_ =	shalt  }
0x73: {  	_ =	shalt  }
0x74: {  	_ =	shalt  }
0x75: {  	_ =	shalt  }
0x76: {  	_ =	shalt  }
0x77: {  	_ =	shalt  }
0x78: {  	_ =	shalt  }
0x79: {  	_ =	shalt  }
0x7a: {  	_ =	shalt  }
0x7b: {  	_ =	shalt  }
0x7c: {  	_ =	shalt  }
0x7d: {  	_ =	shalt  }
0x7e: {  	_ =	shalt  }
0x7f: {  	_ =	shalt  }
0x80: {  	_ =	shalt  }
0x81: {  	_ =	shalt  }
0x82: {  	_ =	shalt  }
0x83: {  	_ =	shalt  }
0x84: {  	_ =	shalt  }
0x85: {  	_ =	shalt  }
0x86: {  	_ =	shalt  }
0x87: {  	_ =	shalt  }
.Lfunc_end0:
.L_simem_size_0:
called_computation_lowered:
.L_overlay_start_0:
0x88: {  	s2 =	sld [smem:$0x3FD9]  }
0x89: {  	s3 =	sld [smem:$0x3FFE];
	_ =	sdelay $0x1  }
0x8a: {  	s1 =	srdreg.scid  }
0x8b: {  	s0 =	sand.u32 $0x1, s1  }
0x8c: {  	s16 =	sshll.u32 s0, $0xA;
	s2 =	sadd.s32 s3, s2  }
0x8d: {  	s2 =	sadd.s32 s2, s16  }
0x8e: {  	[smem:$0x3FB9] =	sst s2  }
0x8f: {  	_ = 	snop  }
0x90: {  	(tm) =	ssettm $0x1  }
0x91: {  	s17 =	sld [smem:$0x3FFB];
	_ =	sdelay $0x3  }
0x92: {  	_ =	strace s17  }
0x93: {  	s2 =	sld [smem:$0x3FFC];
	_ =	sdelay $0x3  }
0x94: {  	_ =	strace s2  }
0x95: {  	s2 =	sld [smem:$0x3FFD];
	_ =	sdelay $0x3  }
0x96: {  	_ =	strace s2  }
0x97: {  	_ =	strace $0x8FFFFFFF  }
0x98: {  	s18 =	sld [smem:$0x3FDB];
	_ =	sdelay $0x1  }
0x99: {  	s19 =	simm.s32 $_scs_section_size  }
0x9a: {  	s4 =	simm.s32 $_size__tile_overlayer_lowered;
	s5 =	simm.s32 $_tile_overlayer_lowered  }
0x9b: {  	s22 =	simm.s32 $0x1BFF;
	s21 =	sshll.u32 s5, $0x1;
	s2 =	sadd.s32 s19, s18  }
0x9c: {  	s6 =	simm.s32 $0x0;
	s20 =	sshll.u32 s4, $0x1;
	s4 =	sadd.s32 s21, s2  }
0x9d: {  	[timem:s6], [sflag:s22] =	dma.local [hbm:s4], s20  }
0x9e: {  	_ =	swait.ge [sflag:s22], s20  }
0x9f: {  	s3 =	ssub.s32 $0x0, s20;
	[sflag:s22] =	ssyncset.done $0x0  }
0xa0: {  	[sflag:s22] =	ssyncadd.s32 s3;
	_ =	sdelay $0x1  }
0xa1: {  	s23 =	simm.s32 $0x1B8B  }
0xa2: {  	_ =	swait.ge [sflag:s23], $0x1  }
0xa3: {  	[sflag:s23] =	ssyncset.done $0x0  }
0xa4: {  	s25 =	simm.s32 $0x1B8E;
	s24 =	sld [smem:$0x3FFE];
	[sflag:s23] =	ssyncadd.s32 $0xFFFFFFFF  }
0xa5: {  	s26 =	simm.s32 $execute0_lowered;
	[smem:$0x3FD2] =	sst s25  }
0xa6: {  	s4 =	sshll.u32 s26, $0x1;
	_ =	strace $0x80000046;
	[dreg:$0x1] =	wrdreg $0xFFFFFFFF  }
0xa7: {  	s28 =	simm.s32 $_size_execute0_lowered;
	s2 =	sadd.s32 s2, s4;
	[dreg:$0x0] =	wrdreg $0x0  }
0xa8: {  	s4 =	sshll.u32 s28, $0x1;
	[dreg:$0x2] =	wrdreg s2  }
0xa9: {  	[dreg:$0x3] =	wrdreg s4  }
0xaa: {  	[dreg:$0x4] =	wrdreg $0xC0  }
0xab: {  	_ =	task [dreg:s6], $0x5FFFF  }
0xac: {  	[dreg:$0x1] =	wrdreg $0xFFFFFFFF  }
0xad: {  	[dreg:$0x0] =	wrdreg $0x60  }
0xae: {  	[dreg:$0x2] =	wrdreg s24  }
0xaf: {  	[dreg:$0x3] =	wrdreg $0x2C000  }
0xb0: {  	[dreg:$0x4] =	wrdreg $0x9  }
0xb1: {  	_ =	task.clear_ibuf [dreg:s6], $0x5FFFF;
	_ =	strace $0x90000046  }
0xb2: {  	s29 =	simm.s32 $0x9;
	_ =	strace $0x80000048  }
0xb3: {  	_ =	swait.ge [sflag:s29], $0x1  }
0xb4: {  	[sflag:s29] =	ssyncadd.s32 $0xFFFFFFFF  }
0xb5: {  	_ =	strace $0x90000048  }
0xb6: {  	_ =	sfence  }
0xb7: {  	s30 =	sld [smem:$0x0];
	_ =	sdelay $0x2  }
0xb8: {  	s31 =	sshll.u32 s1, $0xD;
	s1 =	sshrl.u32 s1, $0x2  }
0xb9: {  	s3 =	sand.u32 $0x4000, s31;
	s1 =	sadd.s32 s1, s30  }
0xba: {  	s0 =	sor.u32 s3, s0;
	s1 =	sshll.u32 s1, $0x11  }
0xbb: {  	s0 =	sor.u32 s1, s0  }
0xbc: {  	s0 =	sadd.s32 $0x8F2B, s0  }
0xbd: {  	[sflag:s0] =	ssyncadd.remote.s32 $0x1  }
0xbe: {  	_ =	sfence.sel $0xFFFF  }
0xbf: {  	[dreg:$0x0] =	wrdreg $0xFFFFFFFF;
	(pc) =	sbr.abs _section_cstart, $3  }
0xc0: {  	[dreg:$0x1] =	wrdreg $0xFFFFFFFF  }
0xc1: {  	_ =	task.clear_ibuf [dreg:s6], $0x2FFFF;
	_ =	strace $0x9FFFFFFF  }
0xc2: {  	(tm) =	ssettm $0x7FFFFFFF  }
0xc3: {  	_ =	shalt  }
tec
execute0_lowered:
.L_overlay_start_1:
0x0: {  	(tag) =	ssettag $0x1  }
0x1: {  	s6 =	rddreg [dreg:$0x0]  }
0x2: {  	s0 =	srdreg.scid;
	s2 =	rddreg [dreg:$0x1];
	s3 =	simm.s32 $0x0  }
0x3: {  	s12 =	simm.s32 $0x2800;
	s5 =	sand.u32 $0x1, s0;
	s0 =	stileid.u32  }
0x4: {  	s13 =	simm.s32 $0x80;
	s14 =	simm.s32 $0x0;
	s7 =	smul.u32 $0x1400, s0  }
0x5: {  	[smem:$0x7FF] =	sst s3;
	s1 =	sshll.u32 s5, $0x4;
	s8 =	smul.u32 $0x14000, s5  }
0x6: {  	s10 =	ssub.s32 $0x2, s5;
	s5 =	sadd.s32 $0xCC00, s6;
	s1 =	sor.u32 s0, s1  }
0x7: {  	s31 =	sshll.u32 s0, $0x6;
	s30 =	sshrl.u32 s10, $0x1;
	s4 =	smul.u32 $0x500, s1  }
0x8: {  	s1 =	rddreg [dreg:$0x2];
	_ =	strace $0x80000047;
	s8 =	sadd.s32 s7, s8  }
0x9: {  	s10 =	ssub.s32 s10, s30;
	s11 =	sadd.s32 s7, s2;
	s8 =	sshrl.u32 s8, $0x3  }
0xa: {  	s9 =	sadd.s32 s4, s6;
	s4 =	sadd.s32 $0xD000, s6;
	s8 =	sadd.s32 s8, s6  }
0xb: {  	s6 =	sor.u32 $0x1C01, s31;
	s7 =	sadd.s32 $0x2C00, s9;
	s8 =	sadd.s32 $0xD200, s8  }
0xc: {  	s9 =	smax.u32 s10, $0x1;
	s10 =	sshrl.u32 s11, $0x3;
	s11 =	simm.s32 $0x1  }
.LBB2_1:
0xd: {  	[spmem:s10], [sflag:s6] =	dma.local [hbm:s5], $0x280  }
0xe: {  	_ =	swait.ge [sflag:s11], $0x280  }
0xf: {  	[sflag:s11] =	ssyncset.done $0x0  }
0x10: {  	[sflag:s11] =	ssyncadd.s32 $0xFFFFFD80  }
0x11: {  	[tilespmem:s12], [sflag:$0x1] =	stream.linear.gather [hbm4b:s4+s3], $0x400, $0x38;
	[tilespmem:$0x4000] =	vst v63  }
0x12: {  	_ =	swait.ge [sflag:s11], $0x400  }
0x13: {  	[sflag:s11] =	ssyncset.done $0x0  }
0x14: {  	[sflag:s11] =	ssyncadd.s32 $0xFFFFFC00  }
0x15: {  	[tilespmem:s3], [sflag:$0x1] =	stream.linear.gather [hbm4b:s7+s3], $0x2800, $0x38;
	[tilespmem:$0x4000] =	vst v63  }
0x16: {  	_ =	swait.ge [sflag:s11], $0x2800  }
0x17: {  	[sflag:s11] =	ssyncset.done $0x0  }
0x18: {  	[sflag:s11] =	ssyncadd.s32 $0xFFFFD800  }
0x19: {  	s15 =	simm.s32 $0x0;
	[bflag:$0x0] =	sbarrier.arrive $0xFFFF  }
0x1a: {  	[spmem:s2] =	stream.indirect.scatter.add.f32 [tilespmem:s12], [sflag:$0x1], $0x8, s15, s13, $0xb8;
	[tilespmem:$0x4000] =	vst v63  }
0x1b: {  	_ =	swait.ge [sflag:s11], $0x400  }
0x1c: {  	s15 =	simm.s32 $0x200;
	[sflag:s11] =	ssyncset.done $0x0  }
.LBB2_2:
0x1d: {  	s16 =	sshra.s32 s15, $0x2;
	[sflag:s11] =	ssyncadd.s32 $0xFFFFFC00;
	p0 =	sne.s32 s15, $0x9E00  }
0x1e: {  	[spmem:s2] =	stream.indirect.scatter.add.f32 [tilespmem:s12], [sflag:$0x1], $0x8, s16, s13, $0xb8;
	[tilespmem:$0x4000] =	vst v63  }
.Ltmp0:
0x1f: {  	_ = 	snop;
	(pc) =	sbr.rel @p0 .LBB2_2-.Ltmp0, $4  }
0x20: {  	_ = 	snop  }
0x21: {  	s15 =	sadd.s32 $0x200, s15  }
0x22: {  	_ =	swait.ge [sflag:s11], $0x400  }
0x23: {  	[sflag:s11] =	ssyncset.done $0x0  }
0x24: {  	s14 =	sadd.s32 $0x1, s14  }
0x25: {  	[sflag:s11] =	ssyncadd.s32 $0xFFFFFC00;
	p0 =	sne.s32 s14, s9  }
.Ltmp1:
0x26: {  	[bflag:$0x0] =	sbarrier.arrive $0xFFFF;
	(pc) =	sbr.rel @p0 .LBB2_1-.Ltmp1, $4  }
0x27: {  	[hbm:s8], [sflag:s6] =	dma.local [spmem:s10], $0x280  }
0x28: {  	_ =	swait.ge [sflag:s11], $0x280  }
0x29: {  	[sflag:s11] =	ssyncset.done $0x0  }
0x2a: {  	[sflag:s11] =	ssyncadd.s32 $0xFFFFFD80  }
0x2b: {  	_ =	sfence.sel $0x180000  }
0x2c: {  	[bflag:$0x0] =	sbarrier.arrive $0xFFFF  }
0x2d: {  	p0 =	sne.s32 s0, $0x0;
	_ =	strace $0x90000047  }
0x2e: {  	s0 =	sadd.s32 @!p0 $0x100000, s1;
	[bflag:$0x2] =	sbarrier.arrive $0xFFFF  }
0x2f: {  	[sflag:s0] =	ssyncadd.tile.s32 @!p0 $0x1;
	_ =	shalt  }
.Lfunc_end2:
_tile_overlayer_lowered:
.L_overlay_start_2:
0x30: {  	(tag) =	ssettag $0x2  }
0x31: {  	s0 =	rddreg [dreg:$0x0];
	s2 =	stileid.u32  }
0x32: {  	s1 =	rddreg [dreg:$0x1];
	p0 =	sne.s32 s2, $0x0  }
0x33: {  	s3 =	rddreg [dreg:$0x2];
	[bflag:$0x3] =	sbarrier.arrive $0xFFFF;
	s2 =	simm.s32 @!p0 $0x1C01  }
0x34: {  	[timem:s3], [sflag:s2] =	dma.local @!p0 [hbm:s0], s1  }
0x35: {  	s0 =	simm.s32 @!p0 $0x1  }
0x36: {  	_ =	swait.ge @!p0 [sflag:s0], s1  }
0x37: {  	s1 =	ssub.s32 @!p0 $0x0, s1;
	[sflag:s0] =	ssyncset.done @!p0 $0x0  }
0x38: {  	[sflag:s0] =	ssyncadd.s32 @!p0 s1  }
0x39: {  	[bflag:$0x3] =	sbarrier.arrive $0xFFFF  }
0x3a: {  	_ =	shalt  }

// kernel: kernel.13.cloned.1.call-start
scs
__scs_entry_jumppad:
0x0: {  	(pc) =	sbr.rel $0x88, $3  }
0x1: {  	(tag) =	ssettag $0x0;
	lr =	simm.s32 $0x1  }
0x2: {  	[smem:$0x3F92] =	sst lr;
	_ =	strace $0xD0000000  }
0x3: {  	_ = 	snop  }
0x4: {  	_ = 	snop  }
0x5: {  	_ = 	snop  }
0x6: {  	_ = 	snop  }
0x7: {  	_ = 	snop  }
__scs_overlays_trampoline_lowered:
0x8: {  	[smem:$0x3FA1] =	sst s0  }
0x9: {  	[smem:$0x3FA2] =	sst s1  }
0xa: {  	[smem:$0x3FA3] =	sst s2  }
0xb: {  	[smem:$0x3FA4] =	sst s3  }
0xc: {  	[smem:$0x3FA5] =	sst s4  }
0xd: {  	[smem:$0x3FA6] =	sst s5  }
0xe: {  	[smem:$0x3FA7] =	sst s6  }
0xf: {  	[smem:$0x3FA8] =	sst s7  }
0x10: {  	[smem:$0x3FA9] =	sst s8  }
0x11: {  	[smem:$0x3FAA] =	sst s9;
	s0 =	simm.s32 @!p0 $0x0  }
0x12: {  	s1 =	sld [smem:$0x3F90];
	s0 =	simm.s32 @p0 $0x1  }
0x13: {  	[smem:$0x3FAB] =	sst s0;
	s0 =	simm.s32 @!p1 $0x0  }
0x14: {  	s2 =	sld [smem:$0x3F8F];
	s0 =	simm.s32 @p1 $0x1  }
0x15: {  	[smem:$0x3FAC] =	sst s0;
	s0 =	simm.s32 @!p2 $0x0  }
0x16: {  	s3 =	sld [smem:$0x3FDB];
	s0 =	simm.s32 @p2 $0x1  }
0x17: {  	s4 =	simm.s32 $0x1BF5;
	[smem:$0x3FAE] =	sst s0  }
0x18: {  	s0 =	sld [smem:$0x3F91];
	_ =	swait.ge [sflag:s4], $0x0  }
0x19: {  	s7 =	sld [smem:$0x3F92]  }
0x1a: {  	s8 =	sadd.s32 $0xFFFFE003, lr  }
0x1b: {  	s9 =	sadd.s32 $0xFFFFFEF7, lr;
	s5 =	simm.s32 $0xFFFFFFFF;
	p2 =	slt.u32 s8, $0xFFFFF086  }
0x1c: {  	p1 =	slt.u32 s9, $0xF7A;
	s5 =	simm.s32 @!p2 $0x0  }
0x1d: {  	s5 =	simm.s32 @p1 $0x1;
	p0 =	seq.s32 s7, s2  }
0x1e: {  	s7 =	smul.u32 @!p0 $0xF7A, s2;
	p2 =	seq.s32 @!p0 s5, $0x0  }
0x1f: {  	s9 =	smul.u32 $0xF7A, s1;
	s8 =	simm.s32 @!p0 $0x1BF5;
	p2 =	por !p2, p0  }
0x20: {  	[sflag:s8] =	ssyncset.s32 @!p0 $0xFFFFF086;
	s6 =	sadd.s32 @!p0 s3, s7;
	s7 =	simm.s32 @!p0 $0x108  }
0x21: {  	s3 =	sadd.s32 s3, s9;
	s6 =	sadd.s32 @!p0 $0x88, s6;
	s7 =	simm.s32 @p2 $0x1082  }
0x22: {  	[simem:s7], [sflag:s8] =	dma.local @!p0 [hbm:s6], $0xF7A  }
0x23: {  	s9 =	sor.u32 $0xD0000000, s2;
	s6 =	simm.s32 $0x108;
	_ =	swait.ge @!p0 [sflag:s8], $0x0  }
0x24: {  	s3 =	sadd.s32 $0x88, s3;
	s6 =	simm.s32 @!p1 $0x1082;
	[sflag:s4] =	ssyncset.s32 $0xFFFFF086  }
0x25: {  	[simem:s6], [sflag:s4] =	dma.local [hbm:s3], $0xF7A  }
0x26: {  	[smem:$0x3F92] =	sst s1;
	(tag) =	ssettag s2;
	_ =	strace s9  }
0x27: {  	s1 =	sld [smem:$0x3FA2]  }
0x28: {  	s2 =	sld [smem:$0x3FA3]  }
0x29: {  	s4 =	sld [smem:$0x3FA5]  }
0x2a: {  	p0 =	seq.s32 s5, $0x0;
	s5 =	sld [smem:$0x3FA6]  }
0x2b: {  	s6 =	sld [smem:$0x3FA7]  }
0x2c: {  	s7 =	sld [smem:$0x3FA8]  }
0x2d: {  	s3 =	simm.s32 $0x108;
	s8 =	sld [smem:$0x3FA9]  }
0x2e: {  	s3 =	simm.s32 @!p0 $0x1082;
	s9 =	sld [smem:$0x3FAA]  }
0x2f: {  	lr =	sadd.s32 s0, s3;
	s0 =	sld [smem:$0x3FA1]  }
0x30: {  	s3 =	sld [smem:$0x3FA4]  }
0x31: {  	[smem:$0x3FAD] =	sst s10  }
0x32: {  	s10 =	sld [smem:$0x3FAB];
	_ =	sdelay $0x3  }
0x33: {  	p0 =	seq.s32 s10, $0x1;
	s10 =	sld [smem:$0x3FAD];
	_ =	sdelay $0x3  }
0x34: {  	[smem:$0x3FAD] =	sst s10  }
0x35: {  	s10 =	sld [smem:$0x3FAC];
	_ =	sdelay $0x3  }
0x36: {  	p1 =	seq.s32 s10, $0x1;
	s10 =	sld [smem:$0x3FAD];
	_ =	sdelay $0x3  }
0x37: {  	[smem:$0x3FAD] =	sst s10  }
0x38: {  	s10 =	sld [smem:$0x3FAE]  }
0x39: {  	_ = 	snop;
	(pc) =	sbr.ind lr, $3  }
0x3a: {  	_ = 	snop  }
0x3b: {  	_ = 	snop  }
0x3c: {  	p2 =	seq.s32 s10, $0x1;
	s10 =	sld [smem:$0x3FAD]  }
0x3d: {  	_ =	shalt  }
0x3e: {  	_ =	shalt  }
0x3f: {  	_ =	shalt  }
0x40: {  	_ =	shalt  }
0x41: {  	_ =	shalt  }
0x42: {  	_ =	shalt  }
0x43: {  	_ =	shalt  }
0x44: {  	_ =	shalt  }
0x45: {  	_ =	shalt  }
0x46: {  	_ =	shalt  }
0x47: {  	_ =	shalt  }
0x48: {  	_ =	shalt  }
0x49: {  	_ =	shalt  }
0x4a: {  	_ =	shalt  }
0x4b: {  	_ =	shalt  }
0x4c: {  	_ =	shalt  }
0x4d: {  	_ =	shalt  }
0x4e: {  	_ =	shalt  }
0x4f: {  	_ =	shalt  }
0x50: {  	_ =	shalt  }
0x51: {  	_ =	shalt  }
0x52: {  	_ =	shalt  }
0x53: {  	_ =	shalt  }
0x54: {  	_ =	shalt  }
0x55: {  	_ =	shalt  }
0x56: {  	_ =	shalt  }
0x57: {  	_ =	shalt  }
0x58: {  	_ =	shalt  }
0x59: {  	_ =	shalt  }
0x5a: {  	_ =	shalt  }
0x5b: {  	_ =	shalt  }
0x5c: {  	_ =	shalt  }
0x5d: {  	_ =	shalt  }
0x5e: {  	_ =	shalt  }
0x5f: {  	_ =	shalt  }
0x60: {  	_ =	shalt  }
0x61: {  	_ =	shalt  }
0x62: {  	_ =	shalt  }
0x63: {  	_ =	shalt  }
0x64: {  	_ =	shalt  }
0x65: {  	_ =	shalt  }
0x66: {  	_ =	shalt  }
0x67: {  	_ =	shalt  }
0x68: {  	_ =	shalt  }
0x69: {  	_ =	shalt  }
0x6a: {  	_ =	shalt  }
0x6b: {  	_ =	shalt  }
0x6c: {  	_ =	shalt  }
0x6d: {  	_ =	shalt  }
0x6e: {  	_ =	shalt  }
0x6f: {  	_ =	shalt  }
0x70: {  	_ =	shalt  }
0x71: {  	_ =	shalt  }
0x72: {  	_ =	shalt  }
0x73: {  	_ =	shalt  }
0x74: {  	_ =	shalt  }
0x75: {  	_ =	shalt  }
0x76: {  	_ =	shalt  }
0x77: {  	_ =	shalt  }
0x78: {  	_ =	shalt  }
0x79: {  	_ =	shalt  }
0x7a: {  	_ =	shalt  }
0x7b: {  	_ =	shalt  }
0x7c: {  	_ =	shalt  }
0x7d: {  	_ =	shalt  }
0x7e: {  	_ =	shalt  }
0x7f: {  	_ =	shalt  }
0x80: {  	_ =	shalt  }
0x81: {  	_ =	shalt  }
0x82: {  	_ =	shalt  }
0x83: {  	_ =	shalt  }
0x84: {  	_ =	shalt  }
0x85: {  	_ =	shalt  }
0x86: {  	_ =	shalt  }
0x87: {  	_ =	shalt  }
.Lfunc_end0:
.L_simem_size_0:
called_computation.1_lowered:
.L_overlay_start_0:
0x88: {  	s2 =	sld [smem:$0x3FD9]  }
0x89: {  	s3 =	sld [smem:$0x3FFE];
	_ =	sdelay $0x1  }
0x8a: {  	s1 =	srdreg.scid  }
0x8b: {  	s0 =	sand.u32 $0x1, s1  }
0x8c: {  	s16 =	sshll.u32 s0, $0xA;
	s2 =	sadd.s32 s3, s2  }
0x8d: {  	s2 =	sadd.s32 s2, s16  }
0x8e: {  	[smem:$0x3FB9] =	sst s2  }
0x8f: {  	_ = 	snop  }
0x90: {  	(tm) =	ssettm $0x1  }
0x91: {  	s17 =	sld [smem:$0x3FFB];
	_ =	sdelay $0x3  }
0x92: {  	_ =	strace s17  }
0x93: {  	s2 =	sld [smem:$0x3FFC];
	_ =	sdelay $0x3  }
0x94: {  	_ =	strace s2  }
0x95: {  	s2 =	sld [smem:$0x3FFD];
	_ =	sdelay $0x3  }
0x96: {  	_ =	strace s2  }
0x97: {  	_ =	strace $0x8FFFFFFF  }
0x98: {  	s18 =	sld [smem:$0x3FDB];
	_ =	sdelay $0x1  }
0x99: {  	s19 =	simm.s32 $_scs_section_size  }
0x9a: {  	s4 =	simm.s32 $_size__tile_overlayer_lowered;
	s5 =	simm.s32 $_tile_overlayer_lowered  }
0x9b: {  	s22 =	simm.s32 $0x1BFF;
	s21 =	sshll.u32 s5, $0x1;
	s2 =	sadd.s32 s19, s18  }
0x9c: {  	s6 =	simm.s32 $0x0;
	s20 =	sshll.u32 s4, $0x1;
	s4 =	sadd.s32 s21, s2  }
0x9d: {  	[timem:s6], [sflag:s22] =	dma.local [hbm:s4], s20  }
0x9e: {  	_ =	swait.ge [sflag:s22], s20  }
0x9f: {  	s3 =	ssub.s32 $0x0, s20;
	[sflag:s22] =	ssyncset.done $0x0  }
0xa0: {  	[sflag:s22] =	ssyncadd.s32 s3;
	_ =	sdelay $0x1  }
0xa1: {  	s23 =	simm.s32 $0x1B8B  }
0xa2: {  	_ =	swait.ge [sflag:s23], $0x1  }
0xa3: {  	[sflag:s23] =	ssyncset.done $0x0  }
0xa4: {  	s25 =	simm.s32 $0x1B8E;
	s24 =	sld [smem:$0x3FFE];
	[sflag:s23] =	ssyncadd.s32 $0xFFFFFFFF  }
0xa5: {  	s26 =	simm.s32 $execute0_lowered;
	[smem:$0x3FD2] =	sst s25  }
0xa6: {  	s4 =	sshll.u32 s26, $0x1;
	_ =	strace $0x80000049;
	[dreg:$0x1] =	wrdreg $0xFFFFFFFF  }
0xa7: {  	s28 =	simm.s32 $_size_execute0_lowered;
	s2 =	sadd.s32 s2, s4;
	[dreg:$0x0] =	wrdreg $0x0  }
0xa8: {  	s4 =	sshll.u32 s28, $0x1;
	[dreg:$0x2] =	wrdreg s2  }
0xa9: {  	[dreg:$0x3] =	wrdreg s4  }
0xaa: {  	[dreg:$0x4] =	wrdreg $0xC0  }
0xab: {  	_ =	task [dreg:s6], $0x5FFFF  }
0xac: {  	[dreg:$0x1] =	wrdreg $0xFFFFFFFF  }
0xad: {  	[dreg:$0x0] =	wrdreg $0x60  }
0xae: {  	[dreg:$0x2] =	wrdreg s24  }
0xaf: {  	[dreg:$0x3] =	wrdreg $0xD0000  }
0xb0: {  	[dreg:$0x4] =	wrdreg $0x9  }
0xb1: {  	_ =	task.clear_ibuf [dreg:s6], $0x5FFFF;
	_ =	strace $0x90000049  }
0xb2: {  	s29 =	simm.s32 $0x9;
	_ =	strace $0x8000004B  }
0xb3: {  	_ =	swait.ge [sflag:s29], $0x1  }
0xb4: {  	[sflag:s29] =	ssyncadd.s32 $0xFFFFFFFF  }
0xb5: {  	_ =	strace $0x9000004B  }
0xb6: {  	_ =	sfence  }
0xb7: {  	s30 =	sld [smem:$0x0];
	_ =	sdelay $0x2  }
0xb8: {  	s31 =	sshll.u32 s1, $0xD;
	s1 =	sshrl.u32 s1, $0x2  }
0xb9: {  	s3 =	sand.u32 $0x4000, s31;
	s1 =	sadd.s32 s1, s30  }
0xba: {  	s0 =	sor.u32 s3, s0;
	s1 =	sshll.u32 s1, $0x11  }
0xbb: {  	s0 =	sor.u32 s1, s0  }
0xbc: {  	s0 =	sadd.s32 $0x8F2B, s0  }
0xbd: {  	[sflag:s0] =	ssyncadd.remote.s32 $0x1  }
0xbe: {  	_ =	sfence.sel $0xFFFF  }
0xbf: {  	[dreg:$0x0] =	wrdreg $0xFFFFFFFF;
	(pc) =	sbr.abs _section_cstart, $3  }
0xc0: {  	[dreg:$0x1] =	wrdreg $0xFFFFFFFF  }
0xc1: {  	_ =	task.clear_ibuf [dreg:s6], $0x2FFFF;
	_ =	strace $0x9FFFFFFF  }
0xc2: {  	(tm) =	ssettm $0x7FFFFFFF  }
0xc3: {  	_ =	shalt  }
tec
execute0_lowered:
.L_overlay_start_1:
0x0: {  	(tag) =	ssettag $0x1  }
0x1: {  	s0 =	rddreg [dreg:$0x0]  }
0x2: {  	s3 =	srdreg.scid;
	s2 =	rddreg [dreg:$0x1]  }
0x3: {  	s1 =	stileid.u32;
	s12 =	simm.s32 $0x5;
	s13 =	simm.s32 $0x2800  }
0x4: {  	s14 =	simm.s32 $0x80;
	s15 =	simm.s32 $0x5000;
	s16 =	simm.s32 $0x7000  }
0x5: {  	s17 =	simm.s32 $0x100;
	s18 =	simm.s32 $0x9000;
	s19 =	simm.s32 $0x180  }
0x6: {  	s20 =	simm.s32 $0xB000;
	s21 =	simm.s32 $0x1;
	s22 =	simm.s32 $0x2  }
0x7: {  	s23 =	simm.s32 $0x3;
	s24 =	simm.s32 $0x4;
	s25 =	simm.s32 $0x4E00  }
0x8: {  	s28 =	simm.s32 $0x4F00;
	s29 =	simm.s32 $0x4F80;
	s30 =	simm.s32 $0x0  }
0x9: {  	s5 =	sand.u32 $0x1, s3;
	s6 =	smul.u32 $0xA000, s1;
	s3 =	simm.s32 $0x0  }
0xa: {  	s31 =	sshll.u32 s1, $0x6;
	s4 =	sshll.u32 s5, $0x4;
	s7 =	smul.u32 $0xA0000, s5  }
0xb: {  	[smem:$0x7FF] =	sst s3;
	s9 =	ssub.s32 $0x2, s5;
	s5 =	sadd.s32 $0xCC00, s0  }
0xc: {  	s4 =	sor.u32 s1, s4;
	_ =	strace $0x8000004A;
	s26 =	sshrl.u32 s9, $0x1  }
0xd: {  	s11 =	sadd.s32 s6, s2;
	s8 =	smul.u32 $0x500, s4;
	s4 =	sadd.s32 $0x1C200, s0  }
0xe: {  	s7 =	sadd.s32 s6, s7;
	s10 =	ssub.s32 s9, s26;
	s6 =	sor.u32 $0x1C05, s31  }
0xf: {  	s11 =	sshrl.u32 s11, $0x3;
	s26 =	simm.s32 $0x4E80;
	s7 =	sshrl.u32 s7, $0x3  }
0x10: {  	s10 =	smax.u32 s10, $0x1;
	s8 =	sadd.s32 s8, s0;
	s0 =	sadd.s32 s7, s0  }
0x11: {  	s7 =	sadd.s32 $0x12200, s8;
	s8 =	sadd.s32 $0x2C00, s8;
	s9 =	sadd.s32 $0x30200, s0  }
.LBB2_1:
0x12: {  	[spmem:s11], [sflag:s6] =	dma.local [hbm:s5], $0x1400  }
0x13: {  	_ =	swait.ge [sflag:s12], $0x1400  }
0x14: {  	[sflag:s12] =	ssyncset.done $0x0  }
0x15: {  	[sflag:s12] =	ssyncadd.s32 $0xFFFFEC00  }
0x16: {  	[tilespmem:s3], [sflag:$0x5] =	stream.linear.gather [hbm4b:s7+s3], $0x2800, $0x38;
	[tilespmem:$0x17000] =	vst v63  }
0x17: {  	_ =	swait.ge [sflag:s12], $0x2800  }
0x18: {  	[sflag:s12] =	ssyncset.done $0x0  }
0x19: {  	[sflag:s12] =	ssyncadd.s32 $0xFFFFD800  }
0x1a: {  	[tilespmem:s13], [sflag:$0x5] =	stream.linear.gather [hbm4b:s8+s3], $0x2800, $0x38;
	[tilespmem:$0x17000] =	vst v63  }
0x1b: {  	_ =	swait.ge [sflag:s12], $0x2800  }
0x1c: {  	[sflag:s12] =	ssyncset.done $0x0  }
0x1d: {  	[sflag:s12] =	ssyncadd.s32 $0xFFFFD800  }
0x1e: {  	[bflag:$0x0] =	sbarrier.arrive $0xFFFF  }
0x1f: {  	[tilespmem:s15], [sflag:$0x1] =	stream.indirect.gather [hbm4b:s4+s14], $0x40, s3, s14, $0xb8;
	[tilespmem:$0x17000] =	vst v63  }
0x20: {  	_ = 	snop  }
0x21: {  	[tilespmem:s16], [sflag:$0x2] =	stream.indirect.gather [hbm4b:s4+s14], $0x40, s14, s14, $0xb8;
	[tilespmem:$0x17000] =	vst v63  }
0x22: {  	_ = 	snop  }
0x23: {  	[tilespmem:s18], [sflag:$0x3] =	stream.indirect.gather [hbm4b:s4+s14], $0x40, s17, s14, $0xb8;
	[tilespmem:$0x17000] =	vst v63  }
0x24: {  	_ = 	snop  }
0x25: {  	[tilespmem:s20], [sflag:$0x4] =	stream.indirect.gather [hbm4b:s4+s14], $0x40, s19, s14, $0xb8;
	[tilespmem:$0x17000] =	vst v63  }
0x26: {  	_ =	swait.ge [sflag:s21], $0x2000  }
0x27: {  	[sflag:s21] =	ssyncset.done $0x0  }
0x28: {  	s0 =	simm.s32 $0x2800;
	[sflag:s21] =	ssyncadd.s32 $0xFFFFE000  }
0x29: {  	[spmem:s2] =	stream.indirect.scatter.add.f32 [tilespmem:s15], [sflag:$0x5], $0x40, s0, s14, $0xb8;
	[tilespmem:$0x17000] =	vst v63  }
0x2a: {  	_ =	swait.ge [sflag:s12], $0x2000  }
0x2b: {  	[sflag:s12] =	ssyncset.done $0x0  }
0x2c: {  	s1 =	simm.s32 $0x200;
	[sflag:s12] =	ssyncadd.s32 $0xFFFFE000  }
0x2d: {  	[tilespmem:s15], [sflag:$0x1] =	stream.indirect.gather [hbm4b:s4+s14], $0x40, s1, s14, $0xb8;
	[tilespmem:$0x17000] =	vst v63  }
0x2e: {  	_ =	swait.ge [sflag:s22], $0x2000  }
0x2f: {  	[sflag:s22] =	ssyncset.done $0x0  }
0x30: {  	s1 =	simm.s32 $0x2880;
	[sflag:s22] =	ssyncadd.s32 $0xFFFFE000  }
0x31: {  	[spmem:s2] =	stream.indirect.scatter.add.f32 [tilespmem:s16], [sflag:$0x5], $0x40, s1, s14, $0xb8;
	[tilespmem:$0x17000] =	vst v63  }
0x32: {  	_ =	swait.ge [sflag:s12], $0x2000  }
0x33: {  	[sflag:s12] =	ssyncset.done $0x0  }
0x34: {  	s1 =	simm.s32 $0x280;
	[sflag:s12] =	ssyncadd.s32 $0xFFFFE000  }
0x35: {  	[tilespmem:s16], [sflag:$0x2] =	stream.indirect.gather [hbm4b:s4+s14], $0x40, s1, s14, $0xb8;
	[tilespmem:$0x17000] =	vst v63  }
0x36: {  	_ =	swait.ge [sflag:s23], $0x2000  }
0x37: {  	[sflag:s23] =	ssyncset.done $0x0  }
0x38: {  	s1 =	simm.s32 $0x2900;
	[sflag:s23] =	ssyncadd.s32 $0xFFFFE000  }
0x39: {  	[spmem:s2] =	stream.indirect.scatter.add.f32 [tilespmem:s18], [sflag:$0x5], $0x40, s1, s14, $0xb8;
	[tilespmem:$0x17000] =	vst v63  }
0x3a: {  	_ =	swait.ge [sflag:s12], $0x2000  }
0x3b: {  	[sflag:s12] =	ssyncset.done $0x0  }
0x3c: {  	s1 =	simm.s32 $0x300;
	[sflag:s12] =	ssyncadd.s32 $0xFFFFE000  }
0x3d: {  	[tilespmem:s18], [sflag:$0x3] =	stream.indirect.gather [hbm4b:s4+s14], $0x40, s1, s14, $0xb8;
	[tilespmem:$0x17000] =	vst v63  }
0x3e: {  	_ =	swait.ge [sflag:s24], $0x2000  }
0x3f: {  	[sflag:s24] =	ssyncset.done $0x0  }
0x40: {  	s1 =	simm.s32 $0x2980;
	[sflag:s24] =	ssyncadd.s32 $0xFFFFE000  }
0x41: {  	[spmem:s2] =	stream.indirect.scatter.add.f32 [tilespmem:s20], [sflag:$0x5], $0x40, s1, s14, $0xb8;
	[tilespmem:$0x17000] =	vst v63  }
0x42: {  	_ =	swait.ge [sflag:s12], $0x2000  }
0x43: {  	[sflag:s12] =	ssyncset.done $0x0  }
0x44: {  	s31 =	simm.s32 $0x800;
	s0 =	simm.s32 $0x380;
	[sflag:s12] =	ssyncadd.s32 $0xFFFFE000  }
.LBB2_2:
0x45: {  	[tilespmem:s20], [sflag:$0x4] =	stream.indirect.gather [hbm4b:s4+s14], $0x40, s0, s14, $0xb8;
	[tilespmem:$0x17000] =	vst v63  }
0x46: {  	s0 =	smov.u32 s31  }
0x47: {  	p0 =	sne.s32 s31, $0x9000;
	s31 =	sadd.s32 $0x800, s31;
	_ =	swait.ge [sflag:s21], $0x2000  }
0x48: {  	s0 =	sshra.s32 s0, $0x2;
	[sflag:s21] =	ssyncset.done $0x0  }
0x49: {  	s1 =	sadd.s32 $0x2800, s0;
	[sflag:s21] =	ssyncadd.s32 $0xFFFFE000  }
0x4a: {  	[spmem:s2] =	stream.indirect.scatter.add.f32 [tilespmem:s15], [sflag:$0x5], $0x40, s1, s14, $0xb8;
	[tilespmem:$0x17000] =	vst v63  }
0x4b: {  	_ =	swait.ge [sflag:s12], $0x2000  }
0x4c: {  	[sflag:s12] =	ssyncset.done $0x0  }
0x4d: {  	s1 =	sadd.s32 $0x200, s0;
	[sflag:s12] =	ssyncadd.s32 $0xFFFFE000  }
0x4e: {  	[tilespmem:s15], [sflag:$0x1] =	stream.indirect.gather [hbm4b:s4+s14], $0x40, s1, s14, $0xb8;
	[tilespmem:$0x17000] =	vst v63  }
0x4f: {  	_ =	swait.ge [sflag:s22], $0x2000  }
0x50: {  	[sflag:s22] =	ssyncset.done $0x0  }
0x51: {  	s1 =	sadd.s32 $0x2880, s0;
	[sflag:s22] =	ssyncadd.s32 $0xFFFFE000  }
0x52: {  	[spmem:s2] =	stream.indirect.scatter.add.f32 [tilespmem:s16], [sflag:$0x5], $0x40, s1, s14, $0xb8;
	[tilespmem:$0x17000] =	vst v63  }
0x53: {  	_ =	swait.ge [sflag:s12], $0x2000  }
0x54: {  	[sflag:s12] =	ssyncset.done $0x0  }
0x55: {  	s1 =	sadd.s32 $0x280, s0;
	[sflag:s12] =	ssyncadd.s32 $0xFFFFE000  }
0x56: {  	[tilespmem:s16], [sflag:$0x2] =	stream.indirect.gather [hbm4b:s4+s14], $0x40, s1, s14, $0xb8;
	[tilespmem:$0x17000] =	vst v63  }
0x57: {  	_ =	swait.ge [sflag:s23], $0x2000  }
0x58: {  	[sflag:s23] =	ssyncset.done $0x0  }
0x59: {  	s1 =	sadd.s32 $0x2900, s0;
	[sflag:s23] =	ssyncadd.s32 $0xFFFFE000  }
0x5a: {  	[spmem:s2] =	stream.indirect.scatter.add.f32 [tilespmem:s18], [sflag:$0x5], $0x40, s1, s14, $0xb8;
	[tilespmem:$0x17000] =	vst v63  }
0x5b: {  	_ =	swait.ge [sflag:s12], $0x2000  }
0x5c: {  	[sflag:s12] =	ssyncset.done $0x0  }
0x5d: {  	s1 =	sadd.s32 $0x300, s0;
	[sflag:s12] =	ssyncadd.s32 $0xFFFFE000  }
0x5e: {  	[tilespmem:s18], [sflag:$0x3] =	stream.indirect.gather [hbm4b:s4+s14], $0x40, s1, s14, $0xb8;
	[tilespmem:$0x17000] =	vst v63  }
0x5f: {  	_ =	swait.ge [sflag:s24], $0x2000  }
0x60: {  	[sflag:s24] =	ssyncset.done $0x0  }
.Ltmp0:
0x61: {  	s1 =	sadd.s32 $0x2980, s0;
	[sflag:s24] =	ssyncadd.s32 $0xFFFFE000;
	(pc) =	sbr.rel @p0 .LBB2_2-.Ltmp0, $4  }
0x62: {  	[spmem:s2] =	stream.indirect.scatter.add.f32 [tilespmem:s20], [sflag:$0x5], $0x40, s1, s14, $0xb8;
	[tilespmem:$0x17000] =	vst v63  }
0x63: {  	_ =	swait.ge [sflag:s12], $0x2000  }
0x64: {  	[sflag:s12] =	ssyncset.done $0x0  }
0x65: {  	s0 =	sadd.s32 $0x380, s0;
	[sflag:s12] =	ssyncadd.s32 $0xFFFFE000  }
0x66: {  	[tilespmem:s20], [sflag:$0x4] =	stream.indirect.gather [hbm4b:s4+s14], $0x40, s0, s14, $0xb8;
	[tilespmem:$0x17000] =	vst v63  }
0x67: {  	_ =	swait.ge [sflag:s21], $0x2000  }
0x68: {  	[sflag:s21] =	ssyncset.done $0x0  }
0x69: {  	[sflag:s21] =	ssyncadd.s32 $0xFFFFE000  }
0x6a: {  	[spmem:s2] =	stream.indirect.scatter.add.f32 [tilespmem:s15], [sflag:$0x5], $0x40, s25, s14, $0xb8;
	[tilespmem:$0x17000] =	vst v63  }
0x6b: {  	_ =	swait.ge [sflag:s12], $0x2000  }
0x6c: {  	[sflag:s12] =	ssyncset.done $0x0  }
0x6d: {  	[sflag:s12] =	ssyncadd.s32 $0xFFFFE000  }
0x6e: {  	_ =	swait.ge [sflag:s22], $0x2000  }
0x6f: {  	[sflag:s22] =	ssyncset.done $0x0  }
0x70: {  	[sflag:s22] =	ssyncadd.s32 $0xFFFFE000  }
0x71: {  	[spmem:s2] =	stream.indirect.scatter.add.f32 [tilespmem:s16], [sflag:$0x5], $0x40, s26, s14, $0xb8;
	[tilespmem:$0x17000] =	vst v63  }
0x72: {  	_ =	swait.ge [sflag:s12], $0x2000  }
0x73: {  	[sflag:s12] =	ssyncset.done $0x0  }
0x74: {  	[sflag:s12] =	ssyncadd.s32 $0xFFFFE000  }
0x75: {  	_ =	swait.ge [sflag:s23], $0x2000  }
0x76: {  	[sflag:s23] =	ssyncset.done $0x0  }
0x77: {  	[sflag:s23] =	ssyncadd.s32 $0xFFFFE000  }
0x78: {  	[spmem:s2] =	stream.indirect.scatter.add.f32 [tilespmem:s18], [sflag:$0x5], $0x40, s28, s14, $0xb8;
	[tilespmem:$0x17000] =	vst v63  }
0x79: {  	_ =	swait.ge [sflag:s12], $0x2000  }
0x7a: {  	[sflag:s12] =	ssyncset.done $0x0  }
0x7b: {  	[sflag:s12] =	ssyncadd.s32 $0xFFFFE000  }
0x7c: {  	_ =	swait.ge [sflag:s24], $0x2000  }
0x7d: {  	[sflag:s24] =	ssyncset.done $0x0  }
0x7e: {  	[sflag:s24] =	ssyncadd.s32 $0xFFFFE000  }
0x7f: {  	[spmem:s2] =	stream.indirect.scatter.add.f32 [tilespmem:s20], [sflag:$0x5], $0x40, s29, s14, $0xb8;
	[tilespmem:$0x17000] =	vst v63  }
0x80: {  	_ =	swait.ge [sflag:s12], $0x2000  }
0x81: {  	s30 =	sadd.s32 $0x1, s30;
	[sflag:s12] =	ssyncset.done $0x0  }
0x82: {  	p0 =	sne.s32 s30, s10;
	[sflag:s12] =	ssyncadd.s32 $0xFFFFE000  }
.Ltmp1:
0x83: {  	[bflag:$0x0] =	sbarrier.arrive $0xFFFF;
	(pc) =	sbr.rel @p0 .LBB2_1-.Ltmp1, $4  }
0x84: {  	[hbm:s9], [sflag:s6] =	dma.local [spmem:s11], $0x1400  }
0x85: {  	_ =	swait.ge [sflag:s12], $0x1400  }
0x86: {  	[sflag:s12] =	ssyncset.done $0x0  }
0x87: {  	[sflag:s12] =	ssyncadd.s32 $0xFFFFEC00  }
0x88: {  	_ =	sfence.sel $0x180000  }
0x89: {  	[bflag:$0x0] =	sbarrier.arrive $0xFFFF  }
0x8a: {  	_ =	strace $0x9000004A  }
0x8b: {  	s0 =	stileid.u32;
	[bflag:$0x2] =	sbarrier.arrive $0xFFFF  }
0x8c: {  	p0 =	sne.s32 s0, $0x0;
	s0 =	rddreg [dreg:$0x2]  }
0x8d: {  	s0 =	sadd.s32 @!p0 $0x100000, s0  }
0x8e: {  	[sflag:s0] =	ssyncadd.tile.s32 @!p0 $0x1;
	_ =	shalt  }
.Lfunc_end2:
_tile_overlayer_lowered:
.L_overlay_start_2:
0x8f: {  	(tag) =	ssettag $0x2  }
0x90: {  	s0 =	rddreg [dreg:$0x0];
	s2 =	stileid.u32  }
0x91: {  	s1 =	rddreg [dreg:$0x1];
	p0 =	sne.s32 s2, $0x0  }
0x92: {  	s3 =	rddreg [dreg:$0x2];
	[bflag:$0x3] =	sbarrier.arrive $0xFFFF;
	s2 =	simm.s32 @!p0 $0x1C05  }
0x93: {  	[timem:s3], [sflag:s2] =	dma.local @!p0 [hbm:s0], s1  }
0x94: {  	s0 =	simm.s32 @!p0 $0x5  }
0x95: {  	_ =	swait.ge @!p0 [sflag:s0], s1  }
0x96: {  	s1 =	ssub.s32 @!p0 $0x0, s1;
	[sflag:s0] =	ssyncset.done @!p0 $0x0  }
0x97: {  	[sflag:s0] =	ssyncadd.s32 @!p0 s1  }
0x98: {  	[bflag:$0x3] =	sbarrier.arrive $0xFFFF  }
0x99: {  	_ =	shalt  }

// kernel: kernel.16.cloned.1.call-start
scs
__scs_entry_jumppad:
0x0: {  	(pc) =	sbr.rel $0x88, $3  }
0x1: {  	(tag) =	ssettag $0x0;
	lr =	simm.s32 $0x1  }
0x2: {  	[smem:$0x3F92] =	sst lr;
	_ =	strace $0xD0000000  }
0x3: {  	_ = 	snop  }
0x4: {  	_ = 	snop  }
0x5: {  	_ = 	snop  }
0x6: {  	_ = 	snop  }
0x7: {  	_ = 	snop  }
__scs_overlays_trampoline_lowered:
0x8: {  	[smem:$0x3FA1] =	sst s0  }
0x9: {  	[smem:$0x3FA2] =	sst s1  }
0xa: {  	[smem:$0x3FA3] =	sst s2  }
0xb: {  	[smem:$0x3FA4] =	sst s3  }
0xc: {  	[smem:$0x3FA5] =	sst s4  }
0xd: {  	[smem:$0x3FA6] =	sst s5  }
0xe: {  	[smem:$0x3FA7] =	sst s6  }
0xf: {  	[smem:$0x3FA8] =	sst s7  }
0x10: {  	[smem:$0x3FA9] =	sst s8  }
0x11: {  	[smem:$0x3FAA] =	sst s9;
	s0 =	simm.s32 @!p0 $0x0  }
0x12: {  	s1 =	sld [smem:$0x3F90];
	s0 =	simm.s32 @p0 $0x1  }
0x13: {  	[smem:$0x3FAB] =	sst s0;
	s0 =	simm.s32 @!p1 $0x0  }
0x14: {  	s2 =	sld [smem:$0x3F8F];
	s0 =	simm.s32 @p1 $0x1  }
0x15: {  	[smem:$0x3FAC] =	sst s0;
	s0 =	simm.s32 @!p2 $0x0  }
0x16: {  	s3 =	sld [smem:$0x3FDB];
	s0 =	simm.s32 @p2 $0x1  }
0x17: {  	s4 =	simm.s32 $0x1BF5;
	[smem:$0x3FAE] =	sst s0  }
0x18: {  	s0 =	sld [smem:$0x3F91];
	_ =	swait.ge [sflag:s4], $0x0  }
0x19: {  	s7 =	sld [smem:$0x3F92]  }
0x1a: {  	s8 =	sadd.s32 $0xFFFFE003, lr  }
0x1b: {  	s9 =	sadd.s32 $0xFFFFFEF7, lr;
	s5 =	simm.s32 $0xFFFFFFFF;
	p2 =	slt.u32 s8, $0xFFFFF086  }
0x1c: {  	p1 =	slt.u32 s9, $0xF7A;
	s5 =	simm.s32 @!p2 $0x0  }
0x1d: {  	s5 =	simm.s32 @p1 $0x1;
	p0 =	seq.s32 s7, s2  }
0x1e: {  	s7 =	smul.u32 @!p0 $0xF7A, s2;
	p2 =	seq.s32 @!p0 s5, $0x0  }
0x1f: {  	s9 =	smul.u32 $0xF7A, s1;
	s8 =	simm.s32 @!p0 $0x1BF5;
	p2 =	por !p2, p0  }
0x20: {  	[sflag:s8] =	ssyncset.s32 @!p0 $0xFFFFF086;
	s6 =	sadd.s32 @!p0 s3, s7;
	s7 =	simm.s32 @!p0 $0x108  }
0x21: {  	s3 =	sadd.s32 s3, s9;
	s6 =	sadd.s32 @!p0 $0x88, s6;
	s7 =	simm.s32 @p2 $0x1082  }
0x22: {  	[simem:s7], [sflag:s8] =	dma.local @!p0 [hbm:s6], $0xF7A  }
0x23: {  	s9 =	sor.u32 $0xD0000000, s2;
	s6 =	simm.s32 $0x108;
	_ =	swait.ge @!p0 [sflag:s8], $0x0  }
0x24: {  	s3 =	sadd.s32 $0x88, s3;
	s6 =	simm.s32 @!p1 $0x1082;
	[sflag:s4] =	ssyncset.s32 $0xFFFFF086  }
0x25: {  	[simem:s6], [sflag:s4] =	dma.local [hbm:s3], $0xF7A  }
0x26: {  	[smem:$0x3F92] =	sst s1;
	(tag) =	ssettag s2;
	_ =	strace s9  }
0x27: {  	s1 =	sld [smem:$0x3FA2]  }
0x28: {  	s2 =	sld [smem:$0x3FA3]  }
0x29: {  	s4 =	sld [smem:$0x3FA5]  }
0x2a: {  	p0 =	seq.s32 s5, $0x0;
	s5 =	sld [smem:$0x3FA6]  }
0x2b: {  	s6 =	sld [smem:$0x3FA7]  }
0x2c: {  	s7 =	sld [smem:$0x3FA8]  }
0x2d: {  	s3 =	simm.s32 $0x108;
	s8 =	sld [smem:$0x3FA9]  }
0x2e: {  	s3 =	simm.s32 @!p0 $0x1082;
	s9 =	sld [smem:$0x3FAA]  }
0x2f: {  	lr =	sadd.s32 s0, s3;
	s0 =	sld [smem:$0x3FA1]  }
0x30: {  	s3 =	sld [smem:$0x3FA4]  }
0x31: {  	[smem:$0x3FAD] =	sst s10  }
0x32: {  	s10 =	sld [smem:$0x3FAB];
	_ =	sdelay $0x3  }
0x33: {  	p0 =	seq.s32 s10, $0x1;
	s10 =	sld [smem:$0x3FAD];
	_ =	sdelay $0x3  }
0x34: {  	[smem:$0x3FAD] =	sst s10  }
0x35: {  	s10 =	sld [smem:$0x3FAC];
	_ =	sdelay $0x3  }
0x36: {  	p1 =	seq.s32 s10, $0x1;
	s10 =	sld [smem:$0x3FAD];
	_ =	sdelay $0x3  }
0x37: {  	[smem:$0x3FAD] =	sst s10  }
0x38: {  	s10 =	sld [smem:$0x3FAE]  }
0x39: {  	_ = 	snop;
	(pc) =	sbr.ind lr, $3  }
0x3a: {  	_ = 	snop  }
0x3b: {  	_ = 	snop  }
0x3c: {  	p2 =	seq.s32 s10, $0x1;
	s10 =	sld [smem:$0x3FAD]  }
0x3d: {  	_ =	shalt  }
0x3e: {  	_ =	shalt  }
0x3f: {  	_ =	shalt  }
0x40: {  	_ =	shalt  }
0x41: {  	_ =	shalt  }
0x42: {  	_ =	shalt  }
0x43: {  	_ =	shalt  }
0x44: {  	_ =	shalt  }
0x45: {  	_ =	shalt  }
0x46: {  	_ =	shalt  }
0x47: {  	_ =	shalt  }
0x48: {  	_ =	shalt  }
0x49: {  	_ =	shalt  }
0x4a: {  	_ =	shalt  }
0x4b: {  	_ =	shalt  }
0x4c: {  	_ =	shalt  }
0x4d: {  	_ =	shalt  }
0x4e: {  	_ =	shalt  }
0x4f: {  	_ =	shalt  }
0x50: {  	_ =	shalt  }
0x51: {  	_ =	shalt  }
0x52: {  	_ =	shalt  }
0x53: {  	_ =	shalt  }
0x54: {  	_ =	shalt  }
0x55: {  	_ =	shalt  }
0x56: {  	_ =	shalt  }
0x57: {  	_ =	shalt  }
0x58: {  	_ =	shalt  }
0x59: {  	_ =	shalt  }
0x5a: {  	_ =	shalt  }
0x5b: {  	_ =	shalt  }
0x5c: {  	_ =	shalt  }
0x5d: {  	_ =	shalt  }
0x5e: {  	_ =	shalt  }
0x5f: {  	_ =	shalt  }
0x60: {  	_ =	shalt  }
0x61: {  	_ =	shalt  }
0x62: {  	_ =	shalt  }
0x63: {  	_ =	shalt  }
0x64: {  	_ =	shalt  }
0x65: {  	_ =	shalt  }
0x66: {  	_ =	shalt  }
0x67: {  	_ =	shalt  }
0x68: {  	_ =	shalt  }
0x69: {  	_ =	shalt  }
0x6a: {  	_ =	shalt  }
0x6b: {  	_ =	shalt  }
0x6c: {  	_ =	shalt  }
0x6d: {  	_ =	shalt  }
0x6e: {  	_ =	shalt  }
0x6f: {  	_ =	shalt  }
0x70: {  	_ =	shalt  }
0x71: {  	_ =	shalt  }
0x72: {  	_ =	shalt  }
0x73: {  	_ =	shalt  }
0x74: {  	_ =	shalt  }
0x75: {  	_ =	shalt  }
0x76: {  	_ =	shalt  }
0x77: {  	_ =	shalt  }
0x78: {  	_ =	shalt  }
0x79: {  	_ =	shalt  }
0x7a: {  	_ =	shalt  }
0x7b: {  	_ =	shalt  }
0x7c: {  	_ =	shalt  }
0x7d: {  	_ =	shalt  }
0x7e: {  	_ =	shalt  }
0x7f: {  	_ =	shalt  }
0x80: {  	_ =	shalt  }
0x81: {  	_ =	shalt  }
0x82: {  	_ =	shalt  }
0x83: {  	_ =	shalt  }
0x84: {  	_ =	shalt  }
0x85: {  	_ =	shalt  }
0x86: {  	_ =	shalt  }
0x87: {  	_ =	shalt  }
.Lfunc_end0:
.L_simem_size_0:
called_computation.2_lowered:
.L_overlay_start_0:
0x88: {  	s2 =	sld [smem:$0x3FD9]  }
0x89: {  	s3 =	sld [smem:$0x3FFE];
	_ =	sdelay $0x1  }
0x8a: {  	s1 =	srdreg.scid  }
0x8b: {  	s0 =	sand.u32 $0x1, s1  }
0x8c: {  	s16 =	sshll.u32 s0, $0xA;
	s2 =	sadd.s32 s3, s2  }
0x8d: {  	s2 =	sadd.s32 s2, s16  }
0x8e: {  	[smem:$0x3FB9] =	sst s2  }
0x8f: {  	_ = 	snop  }
0x90: {  	(tm) =	ssettm $0x1  }
0x91: {  	s17 =	sld [smem:$0x3FFB];
	_ =	sdelay $0x3  }
0x92: {  	_ =	strace s17  }
0x93: {  	s2 =	sld [smem:$0x3FFC];
	_ =	sdelay $0x3  }
0x94: {  	_ =	strace s2  }
0x95: {  	s2 =	sld [smem:$0x3FFD];
	_ =	sdelay $0x3  }
0x96: {  	_ =	strace s2  }
0x97: {  	_ =	strace $0x8FFFFFFF  }
0x98: {  	s18 =	sld [smem:$0x3FDB];
	_ =	sdelay $0x1  }
0x99: {  	s19 =	simm.s32 $_scs_section_size  }
0x9a: {  	s4 =	simm.s32 $_size__tile_overlayer_lowered;
	s5 =	simm.s32 $_tile_overlayer_lowered  }
0x9b: {  	s22 =	simm.s32 $0x1BFF;
	s21 =	sshll.u32 s5, $0x1;
	s2 =	sadd.s32 s19, s18  }
0x9c: {  	s6 =	simm.s32 $0x0;
	s20 =	sshll.u32 s4, $0x1;
	s4 =	sadd.s32 s21, s2  }
0x9d: {  	[timem:s6], [sflag:s22] =	dma.local [hbm:s4], s20  }
0x9e: {  	_ =	swait.ge [sflag:s22], s20  }
0x9f: {  	s3 =	ssub.s32 $0x0, s20;
	[sflag:s22] =	ssyncset.done $0x0  }
0xa0: {  	[sflag:s22] =	ssyncadd.s32 s3;
	_ =	sdelay $0x1  }
0xa1: {  	s23 =	simm.s32 $0x1B8B  }
0xa2: {  	_ =	swait.ge [sflag:s23], $0x1  }
0xa3: {  	[sflag:s23] =	ssyncset.done $0x0  }
0xa4: {  	s25 =	simm.s32 $0x1B8E;
	s24 =	sld [smem:$0x3FFE];
	[sflag:s23] =	ssyncadd.s32 $0xFFFFFFFF  }
0xa5: {  	s26 =	simm.s32 $execute0_lowered;
	[smem:$0x3FD2] =	sst s25  }
0xa6: {  	s4 =	sshll.u32 s26, $0x1;
	_ =	strace $0x8000004C;
	[dreg:$0x1] =	wrdreg $0xFFFFFFFF  }
0xa7: {  	s28 =	simm.s32 $_size_execute0_lowered;
	s2 =	sadd.s32 s2, s4;
	[dreg:$0x0] =	wrdreg $0x0  }
0xa8: {  	s4 =	sshll.u32 s28, $0x1;
	[dreg:$0x2] =	wrdreg s2  }
0xa9: {  	[dreg:$0x3] =	wrdreg s4  }
0xaa: {  	[dreg:$0x4] =	wrdreg $0xC0  }
0xab: {  	_ =	task [dreg:s6], $0x5FFFF  }
0xac: {  	[dreg:$0x1] =	wrdreg $0xFFFFFFFF  }
0xad: {  	[dreg:$0x0] =	wrdreg $0x60  }
0xae: {  	[dreg:$0x2] =	wrdreg s24  }
0xaf: {  	[dreg:$0x3] =	wrdreg $0xD0000  }
0xb0: {  	[dreg:$0x4] =	wrdreg $0x9  }
0xb1: {  	_ =	task.clear_ibuf [dreg:s6], $0x5FFFF;
	_ =	strace $0x9000004C  }
0xb2: {  	s29 =	simm.s32 $0x9;
	_ =	strace $0x8000004E  }
0xb3: {  	_ =	swait.ge [sflag:s29], $0x1  }
0xb4: {  	[sflag:s29] =	ssyncadd.s32 $0xFFFFFFFF  }
0xb5: {  	_ =	strace $0x9000004E  }
0xb6: {  	_ =	sfence  }
0xb7: {  	s30 =	sld [smem:$0x0];
	_ =	sdelay $0x2  }
0xb8: {  	s31 =	sshll.u32 s1, $0xD;
	s1 =	sshrl.u32 s1, $0x2  }
0xb9: {  	s3 =	sand.u32 $0x4000, s31;
	s1 =	sadd.s32 s1, s30  }
0xba: {  	s0 =	sor.u32 s3, s0;
	s1 =	sshll.u32 s1, $0x11  }
0xbb: {  	s0 =	sor.u32 s1, s0  }
0xbc: {  	s0 =	sadd.s32 $0x8F2B, s0  }
0xbd: {  	[sflag:s0] =	ssyncadd.remote.s32 $0x1  }
0xbe: {  	_ =	sfence.sel $0xFFFF  }
0xbf: {  	[dreg:$0x0] =	wrdreg $0xFFFFFFFF;
	(pc) =	sbr.abs _section_cstart, $3  }
0xc0: {  	[dreg:$0x1] =	wrdreg $0xFFFFFFFF  }
0xc1: {  	_ =	task.clear_ibuf [dreg:s6], $0x2FFFF;
	_ =	strace $0x9FFFFFFF  }
0xc2: {  	(tm) =	ssettm $0x7FFFFFFF  }
0xc3: {  	_ =	shalt  }
tec
execute0_lowered:
.L_overlay_start_1:
0x0: {  	(tag) =	ssettag $0x1  }
0x1: {  	s0 =	rddreg [dreg:$0x0]  }
0x2: {  	s3 =	srdreg.scid;
	s2 =	rddreg [dreg:$0x1]  }
0x3: {  	s1 =	stileid.u32;
	s12 =	simm.s32 $0x5;
	s13 =	simm.s32 $0x2800  }
0x4: {  	s14 =	simm.s32 $0x80;
	s15 =	simm.s32 $0x5000;
	s16 =	simm.s32 $0x7000  }
0x5: {  	s17 =	simm.s32 $0x100;
	s18 =	simm.s32 $0x9000;
	s19 =	simm.s32 $0x180  }
0x6: {  	s20 =	simm.s32 $0xB000;
	s21 =	simm.s32 $0x1;
	s22 =	simm.s32 $0x2  }
0x7: {  	s23 =	simm.s32 $0x3;
	s24 =	simm.s32 $0x4;
	s25 =	simm.s32 $0x4E00  }
0x8: {  	s28 =	simm.s32 $0x4F00;
	s29 =	simm.s32 $0x4F80;
	s30 =	simm.s32 $0x0  }
0x9: {  	s5 =	sand.u32 $0x1, s3;
	s6 =	smul.u32 $0xA000, s1;
	s3 =	simm.s32 $0x0  }
0xa: {  	s31 =	sshll.u32 s1, $0x6;
	s4 =	sshll.u32 s5, $0x4;
	s7 =	smul.u32 $0xA0000, s5  }
0xb: {  	[smem:$0x7FF] =	sst s3;
	s9 =	ssub.s32 $0x2, s5;
	s5 =	sadd.s32 $0xCC00, s0  }
0xc: {  	s4 =	sor.u32 s1, s4;
	_ =	strace $0x8000004D;
	s26 =	sshrl.u32 s9, $0x1  }
0xd: {  	s11 =	sadd.s32 s6, s2;
	s8 =	smul.u32 $0x500, s4;
	s4 =	sadd.s32 $0x1C200, s0  }
0xe: {  	s7 =	sadd.s32 s6, s7;
	s10 =	ssub.s32 s9, s26;
	s6 =	sor.u32 $0x1C05, s31  }
0xf: {  	s11 =	sshrl.u32 s11, $0x3;
	s26 =	simm.s32 $0x4E80;
	s7 =	sshrl.u32 s7, $0x3  }
0x10: {  	s10 =	smax.u32 s10, $0x1;
	s8 =	sadd.s32 s8, s0;
	s0 =	sadd.s32 s7, s0  }
0x11: {  	s7 =	sadd.s32 $0x12200, s8;
	s8 =	sadd.s32 $0x2C00, s8;
	s9 =	sadd.s32 $0x30200, s0  }
.LBB2_1:
0x12: {  	[spmem:s11], [sflag:s6] =	dma.local [hbm:s5], $0x1400  }
0x13: {  	_ =	swait.ge [sflag:s12], $0x1400  }
0x14: {  	[sflag:s12] =	ssyncset.done $0x0  }
0x15: {  	[sflag:s12] =	ssyncadd.s32 $0xFFFFEC00  }
0x16: {  	[tilespmem:s3], [sflag:$0x5] =	stream.linear.gather [hbm4b:s7+s3], $0x2800, $0x38;
	[tilespmem:$0x17000] =	vst v63  }
0x17: {  	_ =	swait.ge [sflag:s12], $0x2800  }
0x18: {  	[sflag:s12] =	ssyncset.done $0x0  }
0x19: {  	[sflag:s12] =	ssyncadd.s32 $0xFFFFD800  }
0x1a: {  	[tilespmem:s13], [sflag:$0x5] =	stream.linear.gather [hbm4b:s8+s3], $0x2800, $0x38;
	[tilespmem:$0x17000] =	vst v63  }
0x1b: {  	_ =	swait.ge [sflag:s12], $0x2800  }
0x1c: {  	[sflag:s12] =	ssyncset.done $0x0  }
0x1d: {  	[sflag:s12] =	ssyncadd.s32 $0xFFFFD800  }
0x1e: {  	[bflag:$0x0] =	sbarrier.arrive $0xFFFF  }
0x1f: {  	[tilespmem:s15], [sflag:$0x1] =	stream.indirect.gather [hbm4b:s4+s14], $0x40, s3, s14, $0xb8;
	[tilespmem:$0x17000] =	vst v63  }
0x20: {  	_ = 	snop  }
0x21: {  	[tilespmem:s16], [sflag:$0x2] =	stream.indirect.gather [hbm4b:s4+s14], $0x40, s14, s14, $0xb8;
	[tilespmem:$0x17000] =	vst v63  }
0x22: {  	_ = 	snop  }
0x23: {  	[tilespmem:s18], [sflag:$0x3] =	stream.indirect.gather [hbm4b:s4+s14], $0x40, s17, s14, $0xb8;
	[tilespmem:$0x17000] =	vst v63  }
0x24: {  	_ = 	snop  }
0x25: {  	[tilespmem:s20], [sflag:$0x4] =	stream.indirect.gather [hbm4b:s4+s14], $0x40, s19, s14, $0xb8;
	[tilespmem:$0x17000] =	vst v63  }
0x26: {  	_ =	swait.ge [sflag:s21], $0x2000  }
0x27: {  	[sflag:s21] =	ssyncset.done $0x0  }
0x28: {  	s0 =	simm.s32 $0x2800;
	[sflag:s21] =	ssyncadd.s32 $0xFFFFE000  }
0x29: {  	[spmem:s2] =	stream.indirect.scatter.add.f32 [tilespmem:s15], [sflag:$0x5], $0x40, s0, s14, $0xb8;
	[tilespmem:$0x17000] =	vst v63  }
0x2a: {  	_ =	swait.ge [sflag:s12], $0x2000  }
0x2b: {  	[sflag:s12] =	ssyncset.done $0x0  }
0x2c: {  	s1 =	simm.s32 $0x200;
	[sflag:s12] =	ssyncadd.s32 $0xFFFFE000  }
0x2d: {  	[tilespmem:s15], [sflag:$0x1] =	stream.indirect.gather [hbm4b:s4+s14], $0x40, s1, s14, $0xb8;
	[tilespmem:$0x17000] =	vst v63  }
0x2e: {  	_ =	swait.ge [sflag:s22], $0x2000  }
0x2f: {  	[sflag:s22] =	ssyncset.done $0x0  }
0x30: {  	s1 =	simm.s32 $0x2880;
	[sflag:s22] =	ssyncadd.s32 $0xFFFFE000  }
0x31: {  	[spmem:s2] =	stream.indirect.scatter.add.f32 [tilespmem:s16], [sflag:$0x5], $0x40, s1, s14, $0xb8;
	[tilespmem:$0x17000] =	vst v63  }
0x32: {  	_ =	swait.ge [sflag:s12], $0x2000  }
0x33: {  	[sflag:s12] =	ssyncset.done $0x0  }
0x34: {  	s1 =	simm.s32 $0x280;
	[sflag:s12] =	ssyncadd.s32 $0xFFFFE000  }
0x35: {  	[tilespmem:s16], [sflag:$0x2] =	stream.indirect.gather [hbm4b:s4+s14], $0x40, s1, s14, $0xb8;
	[tilespmem:$0x17000] =	vst v63  }
0x36: {  	_ =	swait.ge [sflag:s23], $0x2000  }
0x37: {  	[sflag:s23] =	ssyncset.done $0x0  }
0x38: {  	s1 =	simm.s32 $0x2900;
	[sflag:s23] =	ssyncadd.s32 $0xFFFFE000  }
0x39: {  	[spmem:s2] =	stream.indirect.scatter.add.f32 [tilespmem:s18], [sflag:$0x5], $0x40, s1, s14, $0xb8;
	[tilespmem:$0x17000] =	vst v63  }
0x3a: {  	_ =	swait.ge [sflag:s12], $0x2000  }
0x3b: {  	[sflag:s12] =	ssyncset.done $0x0  }
0x3c: {  	s1 =	simm.s32 $0x300;
	[sflag:s12] =	ssyncadd.s32 $0xFFFFE000  }
0x3d: {  	[tilespmem:s18], [sflag:$0x3] =	stream.indirect.gather [hbm4b:s4+s14], $0x40, s1, s14, $0xb8;
	[tilespmem:$0x17000] =	vst v63  }
0x3e: {  	_ =	swait.ge [sflag:s24], $0x2000  }
0x3f: {  	[sflag:s24] =	ssyncset.done $0x0  }
0x40: {  	s1 =	simm.s32 $0x2980;
	[sflag:s24] =	ssyncadd.s32 $0xFFFFE000  }
0x41: {  	[spmem:s2] =	stream.indirect.scatter.add.f32 [tilespmem:s20], [sflag:$0x5], $0x40, s1, s14, $0xb8;
	[tilespmem:$0x17000] =	vst v63  }
0x42: {  	_ =	swait.ge [sflag:s12], $0x2000  }
0x43: {  	[sflag:s12] =	ssyncset.done $0x0  }
0x44: {  	s31 =	simm.s32 $0x800;
	s0 =	simm.s32 $0x380;
	[sflag:s12] =	ssyncadd.s32 $0xFFFFE000  }
.LBB2_2:
0x45: {  	[tilespmem:s20], [sflag:$0x4] =	stream.indirect.gather [hbm4b:s4+s14], $0x40, s0, s14, $0xb8;
	[tilespmem:$0x17000] =	vst v63  }
0x46: {  	s0 =	smov.u32 s31  }
0x47: {  	p0 =	sne.s32 s31, $0x9000;
	s31 =	sadd.s32 $0x800, s31;
	_ =	swait.ge [sflag:s21], $0x2000  }
0x48: {  	s0 =	sshra.s32 s0, $0x2;
	[sflag:s21] =	ssyncset.done $0x0  }
0x49: {  	s1 =	sadd.s32 $0x2800, s0;
	[sflag:s21] =	ssyncadd.s32 $0xFFFFE000  }
0x4a: {  	[spmem:s2] =	stream.indirect.scatter.add.f32 [tilespmem:s15], [sflag:$0x5], $0x40, s1, s14, $0xb8;
	[tilespmem:$0x17000] =	vst v63  }
0x4b: {  	_ =	swait.ge [sflag:s12], $0x2000  }
0x4c: {  	[sflag:s12] =	ssyncset.done $0x0  }
0x4d: {  	s1 =	sadd.s32 $0x200, s0;
	[sflag:s12] =	ssyncadd.s32 $0xFFFFE000  }
0x4e: {  	[tilespmem:s15], [sflag:$0x1] =	stream.indirect.gather [hbm4b:s4+s14], $0x40, s1, s14, $0xb8;
	[tilespmem:$0x17000] =	vst v63  }
0x4f: {  	_ =	swait.ge [sflag:s22], $0x2000  }
0x50: {  	[sflag:s22] =	ssyncset.done $0x0  }
0x51: {  	s1 =	sadd.s32 $0x2880, s0;
	[sflag:s22] =	ssyncadd.s32 $0xFFFFE000  }
0x52: {  	[spmem:s2] =	stream.indirect.scatter.add.f32 [tilespmem:s16], [sflag:$0x5], $0x40, s1, s14, $0xb8;
	[tilespmem:$0x17000] =	vst v63  }
0x53: {  	_ =	swait.ge [sflag:s12], $0x2000  }
0x54: {  	[sflag:s12] =	ssyncset.done $0x0  }
0x55: {  	s1 =	sadd.s32 $0x280, s0;
	[sflag:s12] =	ssyncadd.s32 $0xFFFFE000  }
0x56: {  	[tilespmem:s16], [sflag:$0x2] =	stream.indirect.gather [hbm4b:s4+s14], $0x40, s1, s14, $0xb8;
	[tilespmem:$0x17000] =	vst v63  }
0x57: {  	_ =	swait.ge [sflag:s23], $0x2000  }
0x58: {  	[sflag:s23] =	ssyncset.done $0x0  }
0x59: {  	s1 =	sadd.s32 $0x2900, s0;
	[sflag:s23] =	ssyncadd.s32 $0xFFFFE000  }
0x5a: {  	[spmem:s2] =	stream.indirect.scatter.add.f32 [tilespmem:s18], [sflag:$0x5], $0x40, s1, s14, $0xb8;
	[tilespmem:$0x17000] =	vst v63  }
0x5b: {  	_ =	swait.ge [sflag:s12], $0x2000  }
0x5c: {  	[sflag:s12] =	ssyncset.done $0x0  }
0x5d: {  	s1 =	sadd.s32 $0x300, s0;
	[sflag:s12] =	ssyncadd.s32 $0xFFFFE000  }
0x5e: {  	[tilespmem:s18], [sflag:$0x3] =	stream.indirect.gather [hbm4b:s4+s14], $0x40, s1, s14, $0xb8;
	[tilespmem:$0x17000] =	vst v63  }
0x5f: {  	_ =	swait.ge [sflag:s24], $0x2000  }
0x60: {  	[sflag:s24] =	ssyncset.done $0x0  }
.Ltmp0:
0x61: {  	s1 =	sadd.s32 $0x2980, s0;
	[sflag:s24] =	ssyncadd.s32 $0xFFFFE000;
	(pc) =	sbr.rel @p0 .LBB2_2-.Ltmp0, $4  }
0x62: {  	[spmem:s2] =	stream.indirect.scatter.add.f32 [tilespmem:s20], [sflag:$0x5], $0x40, s1, s14, $0xb8;
	[tilespmem:$0x17000] =	vst v63  }
0x63: {  	_ =	swait.ge [sflag:s12], $0x2000  }
0x64: {  	[sflag:s12] =	ssyncset.done $0x0  }
0x65: {  	s0 =	sadd.s32 $0x380, s0;
	[sflag:s12] =	ssyncadd.s32 $0xFFFFE000  }
0x66: {  	[tilespmem:s20], [sflag:$0x4] =	stream.indirect.gather [hbm4b:s4+s14], $0x40, s0, s14, $0xb8;
	[tilespmem:$0x17000] =	vst v63  }
0x67: {  	_ =	swait.ge [sflag:s21], $0x2000  }
0x68: {  	[sflag:s21] =	ssyncset.done $0x0  }
0x69: {  	[sflag:s21] =	ssyncadd.s32 $0xFFFFE000  }
0x6a: {  	[spmem:s2] =	stream.indirect.scatter.add.f32 [tilespmem:s15], [sflag:$0x5], $0x40, s25, s14, $0xb8;
	[tilespmem:$0x17000] =	vst v63  }
0x6b: {  	_ =	swait.ge [sflag:s12], $0x2000  }
0x6c: {  	[sflag:s12] =	ssyncset.done $0x0  }
0x6d: {  	[sflag:s12] =	ssyncadd.s32 $0xFFFFE000  }
0x6e: {  	_ =	swait.ge [sflag:s22], $0x2000  }
0x6f: {  	[sflag:s22] =	ssyncset.done $0x0  }
0x70: {  	[sflag:s22] =	ssyncadd.s32 $0xFFFFE000  }
0x71: {  	[spmem:s2] =	stream.indirect.scatter.add.f32 [tilespmem:s16], [sflag:$0x5], $0x40, s26, s14, $0xb8;
	[tilespmem:$0x17000] =	vst v63  }
0x72: {  	_ =	swait.ge [sflag:s12], $0x2000  }
0x73: {  	[sflag:s12] =	ssyncset.done $0x0  }
0x74: {  	[sflag:s12] =	ssyncadd.s32 $0xFFFFE000  }
0x75: {  	_ =	swait.ge [sflag:s23], $0x2000  }
0x76: {  	[sflag:s23] =	ssyncset.done $0x0  }
0x77: {  	[sflag:s23] =	ssyncadd.s32 $0xFFFFE000  }
0x78: {  	[spmem:s2] =	stream.indirect.scatter.add.f32 [tilespmem:s18], [sflag:$0x5], $0x40, s28, s14, $0xb8;
	[tilespmem:$0x17000] =	vst v63  }
0x79: {  	_ =	swait.ge [sflag:s12], $0x2000  }
0x7a: {  	[sflag:s12] =	ssyncset.done $0x0  }
0x7b: {  	[sflag:s12] =	ssyncadd.s32 $0xFFFFE000  }
0x7c: {  	_ =	swait.ge [sflag:s24], $0x2000  }
0x7d: {  	[sflag:s24] =	ssyncset.done $0x0  }
0x7e: {  	[sflag:s24] =	ssyncadd.s32 $0xFFFFE000  }
0x7f: {  	[spmem:s2] =	stream.indirect.scatter.add.f32 [tilespmem:s20], [sflag:$0x5], $0x40, s29, s14, $0xb8;
	[tilespmem:$0x17000] =	vst v63  }
0x80: {  	_ =	swait.ge [sflag:s12], $0x2000  }
0x81: {  	s30 =	sadd.s32 $0x1, s30;
	[sflag:s12] =	ssyncset.done $0x0  }
0x82: {  	p0 =	sne.s32 s30, s10;
	[sflag:s12] =	ssyncadd.s32 $0xFFFFE000  }
.Ltmp1:
0x83: {  	[bflag:$0x0] =	sbarrier.arrive $0xFFFF;
	(pc) =	sbr.rel @p0 .LBB2_1-.Ltmp1, $4  }
0x84: {  	[hbm:s9], [sflag:s6] =	dma.local [spmem:s11], $0x1400  }
0x85: {  	_ =	swait.ge [sflag:s12], $0x1400  }
0x86: {  	[sflag:s12] =	ssyncset.done $0x0  }
0x87: {  	[sflag:s12] =	ssyncadd.s32 $0xFFFFEC00  }
0x88: {  	_ =	sfence.sel $0x180000  }
0x89: {  	[bflag:$0x0] =	sbarrier.arrive $0xFFFF  }
0x8a: {  	_ =	strace $0x9000004D  }
0x8b: {  	s0 =	stileid.u32;
	[bflag:$0x2] =	sbarrier.arrive $0xFFFF  }
0x8c: {  	p0 =	sne.s32 s0, $0x0;
	s0 =	rddreg [dreg:$0x2]  }
0x8d: {  	s0 =	sadd.s32 @!p0 $0x100000, s0  }
0x8e: {  	[sflag:s0] =	ssyncadd.tile.s32 @!p0 $0x1;
	_ =	shalt  }
.Lfunc_end2:
_tile_overlayer_lowered:
.L_overlay_start_2:
0x8f: {  	(tag) =	ssettag $0x2  }
0x90: {  	s0 =	rddreg [dreg:$0x0];
	s2 =	stileid.u32  }
0x91: {  	s1 =	rddreg [dreg:$0x1];
	p0 =	sne.s32 s2, $0x0  }
0x92: {  	s3 =	rddreg [dreg:$0x2];
	[bflag:$0x3] =	sbarrier.arrive $0xFFFF;
	s2 =	simm.s32 @!p0 $0x1C05  }
0x93: {  	[timem:s3], [sflag:s2] =	dma.local @!p0 [hbm:s0], s1  }
0x94: {  	s0 =	simm.s32 @!p0 $0x5  }
0x95: {  	_ =	swait.ge @!p0 [sflag:s0], s1  }
0x96: {  	s1 =	ssub.s32 @!p0 $0x0, s1;
	[sflag:s0] =	ssyncset.done @!p0 $0x0  }
0x97: {  	[sflag:s0] =	ssyncadd.s32 @!p0 s1  }
0x98: {  	[bflag:$0x3] =	sbarrier.arrive $0xFFFF  }
0x99: {  	_ =	shalt  }

// kernel: kernel.19.cloned.1.call-start
scs
__scs_entry_jumppad:
0x0: {  	(pc) =	sbr.rel $0x88, $3  }
0x1: {  	(tag) =	ssettag $0x0;
	lr =	simm.s32 $0x1  }
0x2: {  	[smem:$0x3F92] =	sst lr;
	_ =	strace $0xD0000000  }
0x3: {  	_ = 	snop  }
0x4: {  	_ = 	snop  }
0x5: {  	_ = 	snop  }
0x6: {  	_ = 	snop  }
0x7: {  	_ = 	snop  }
__scs_overlays_trampoline_lowered:
0x8: {  	[smem:$0x3FA1] =	sst s0  }
0x9: {  	[smem:$0x3FA2] =	sst s1  }
0xa: {  	[smem:$0x3FA3] =	sst s2  }
0xb: {  	[smem:$0x3FA4] =	sst s3  }
0xc: {  	[smem:$0x3FA5] =	sst s4  }
0xd: {  	[smem:$0x3FA6] =	sst s5  }
0xe: {  	[smem:$0x3FA7] =	sst s6  }
0xf: {  	[smem:$0x3FA8] =	sst s7  }
0x10: {  	[smem:$0x3FA9] =	sst s8  }
0x11: {  	[smem:$0x3FAA] =	sst s9;
	s0 =	simm.s32 @!p0 $0x0  }
0x12: {  	s1 =	sld [smem:$0x3F90];
	s0 =	simm.s32 @p0 $0x1  }
0x13: {  	[smem:$0x3FAB] =	sst s0;
	s0 =	simm.s32 @!p1 $0x0  }
0x14: {  	s2 =	sld [smem:$0x3F8F];
	s0 =	simm.s32 @p1 $0x1  }
0x15: {  	[smem:$0x3FAC] =	sst s0;
	s0 =	simm.s32 @!p2 $0x0  }
0x16: {  	s3 =	sld [smem:$0x3FDB];
	s0 =	simm.s32 @p2 $0x1  }
0x17: {  	s4 =	simm.s32 $0x1BF5;
	[smem:$0x3FAE] =	sst s0  }
0x18: {  	s0 =	sld [smem:$0x3F91];
	_ =	swait.ge [sflag:s4], $0x0  }
0x19: {  	s7 =	sld [smem:$0x3F92]  }
0x1a: {  	s8 =	sadd.s32 $0xFFFFE003, lr  }
0x1b: {  	s9 =	sadd.s32 $0xFFFFFEF7, lr;
	s5 =	simm.s32 $0xFFFFFFFF;
	p2 =	slt.u32 s8, $0xFFFFF086  }
0x1c: {  	p1 =	slt.u32 s9, $0xF7A;
	s5 =	simm.s32 @!p2 $0x0  }
0x1d: {  	s5 =	simm.s32 @p1 $0x1;
	p0 =	seq.s32 s7, s2  }
0x1e: {  	s7 =	smul.u32 @!p0 $0xF7A, s2;
	p2 =	seq.s32 @!p0 s5, $0x0  }
0x1f: {  	s9 =	smul.u32 $0xF7A, s1;
	s8 =	simm.s32 @!p0 $0x1BF5;
	p2 =	por !p2, p0  }
0x20: {  	[sflag:s8] =	ssyncset.s32 @!p0 $0xFFFFF086;
	s6 =	sadd.s32 @!p0 s3, s7;
	s7 =	simm.s32 @!p0 $0x108  }
0x21: {  	s3 =	sadd.s32 s3, s9;
	s6 =	sadd.s32 @!p0 $0x88, s6;
	s7 =	simm.s32 @p2 $0x1082  }
0x22: {  	[simem:s7], [sflag:s8] =	dma.local @!p0 [hbm:s6], $0xF7A  }
0x23: {  	s9 =	sor.u32 $0xD0000000, s2;
	s6 =	simm.s32 $0x108;
	_ =	swait.ge @!p0 [sflag:s8], $0x0  }
0x24: {  	s3 =	sadd.s32 $0x88, s3;
	s6 =	simm.s32 @!p1 $0x1082;
	[sflag:s4] =	ssyncset.s32 $0xFFFFF086  }
0x25: {  	[simem:s6], [sflag:s4] =	dma.local [hbm:s3], $0xF7A  }
0x26: {  	[smem:$0x3F92] =	sst s1;
	(tag) =	ssettag s2;
	_ =	strace s9  }
0x27: {  	s1 =	sld [smem:$0x3FA2]  }
0x28: {  	s2 =	sld [smem:$0x3FA3]  }
0x29: {  	s4 =	sld [smem:$0x3FA5]  }
0x2a: {  	p0 =	seq.s32 s5, $0x0;
	s5 =	sld [smem:$0x3FA6]  }
0x2b: {  	s6 =	sld [smem:$0x3FA7]  }
0x2c: {  	s7 =	sld [smem:$0x3FA8]  }
0x2d: {  	s3 =	simm.s32 $0x108;
	s8 =	sld [smem:$0x3FA9]  }
0x2e: {  	s3 =	simm.s32 @!p0 $0x1082;
	s9 =	sld [smem:$0x3FAA]  }
0x2f: {  	lr =	sadd.s32 s0, s3;
	s0 =	sld [smem:$0x3FA1]  }
0x30: {  	s3 =	sld [smem:$0x3FA4]  }
0x31: {  	[smem:$0x3FAD] =	sst s10  }
0x32: {  	s10 =	sld [smem:$0x3FAB];
	_ =	sdelay $0x3  }
0x33: {  	p0 =	seq.s32 s10, $0x1;
	s10 =	sld [smem:$0x3FAD];
	_ =	sdelay $0x3  }
0x34: {  	[smem:$0x3FAD] =	sst s10  }
0x35: {  	s10 =	sld [smem:$0x3FAC];
	_ =	sdelay $0x3  }
0x36: {  	p1 =	seq.s32 s10, $0x1;
	s10 =	sld [smem:$0x3FAD];
	_ =	sdelay $0x3  }
0x37: {  	[smem:$0x3FAD] =	sst s10  }
0x38: {  	s10 =	sld [smem:$0x3FAE]  }
0x39: {  	_ = 	snop;
	(pc) =	sbr.ind lr, $3  }
0x3a: {  	_ = 	snop  }
0x3b: {  	_ = 	snop  }
0x3c: {  	p2 =	seq.s32 s10, $0x1;
	s10 =	sld [smem:$0x3FAD]  }
0x3d: {  	_ =	shalt  }
0x3e: {  	_ =	shalt  }
0x3f: {  	_ =	shalt  }
0x40: {  	_ =	shalt  }
0x41: {  	_ =	shalt  }
0x42: {  	_ =	shalt  }
0x43: {  	_ =	shalt  }
0x44: {  	_ =	shalt  }
0x45: {  	_ =	shalt  }
0x46: {  	_ =	shalt  }
0x47: {  	_ =	shalt  }
0x48: {  	_ =	shalt  }
0x49: {  	_ =	shalt  }
0x4a: {  	_ =	shalt  }
0x4b: {  	_ =	shalt  }
0x4c: {  	_ =	shalt  }
0x4d: {  	_ =	shalt  }
0x4e: {  	_ =	shalt  }
0x4f: {  	_ =	shalt  }
0x50: {  	_ =	shalt  }
0x51: {  	_ =	shalt  }
0x52: {  	_ =	shalt  }
0x53: {  	_ =	shalt  }
0x54: {  	_ =	shalt  }
0x55: {  	_ =	shalt  }
0x56: {  	_ =	shalt  }
0x57: {  	_ =	shalt  }
0x58: {  	_ =	shalt  }
0x59: {  	_ =	shalt  }
0x5a: {  	_ =	shalt  }
0x5b: {  	_ =	shalt  }
0x5c: {  	_ =	shalt  }
0x5d: {  	_ =	shalt  }
0x5e: {  	_ =	shalt  }
0x5f: {  	_ =	shalt  }
0x60: {  	_ =	shalt  }
0x61: {  	_ =	shalt  }
0x62: {  	_ =	shalt  }
0x63: {  	_ =	shalt  }
0x64: {  	_ =	shalt  }
0x65: {  	_ =	shalt  }
0x66: {  	_ =	shalt  }
0x67: {  	_ =	shalt  }
0x68: {  	_ =	shalt  }
0x69: {  	_ =	shalt  }
0x6a: {  	_ =	shalt  }
0x6b: {  	_ =	shalt  }
0x6c: {  	_ =	shalt  }
0x6d: {  	_ =	shalt  }
0x6e: {  	_ =	shalt  }
0x6f: {  	_ =	shalt  }
0x70: {  	_ =	shalt  }
0x71: {  	_ =	shalt  }
0x72: {  	_ =	shalt  }
0x73: {  	_ =	shalt  }
0x74: {  	_ =	shalt  }
0x75: {  	_ =	shalt  }
0x76: {  	_ =	shalt  }
0x77: {  	_ =	shalt  }
0x78: {  	_ =	shalt  }
0x79: {  	_ =	shalt  }
0x7a: {  	_ =	shalt  }
0x7b: {  	_ =	shalt  }
0x7c: {  	_ =	shalt  }
0x7d: {  	_ =	shalt  }
0x7e: {  	_ =	shalt  }
0x7f: {  	_ =	shalt  }
0x80: {  	_ =	shalt  }
0x81: {  	_ =	shalt  }
0x82: {  	_ =	shalt  }
0x83: {  	_ =	shalt  }
0x84: {  	_ =	shalt  }
0x85: {  	_ =	shalt  }
0x86: {  	_ =	shalt  }
0x87: {  	_ =	shalt  }
.Lfunc_end0:
.L_simem_size_0:
called_computation.3_lowered:
.L_overlay_start_0:
0x88: {  	s2 =	sld [smem:$0x3FD9]  }
0x89: {  	s3 =	sld [smem:$0x3FFE];
	_ =	sdelay $0x1  }
0x8a: {  	s1 =	srdreg.scid  }
0x8b: {  	s0 =	sand.u32 $0x1, s1  }
0x8c: {  	s16 =	sshll.u32 s0, $0xA;
	s2 =	sadd.s32 s3, s2  }
0x8d: {  	s2 =	sadd.s32 s2, s16  }
0x8e: {  	[smem:$0x3FB9] =	sst s2  }
0x8f: {  	_ = 	snop  }
0x90: {  	(tm) =	ssettm $0x1  }
0x91: {  	s17 =	sld [smem:$0x3FFB];
	_ =	sdelay $0x3  }
0x92: {  	_ =	strace s17  }
0x93: {  	s2 =	sld [smem:$0x3FFC];
	_ =	sdelay $0x3  }
0x94: {  	_ =	strace s2  }
0x95: {  	s2 =	sld [smem:$0x3FFD];
	_ =	sdelay $0x3  }
0x96: {  	_ =	strace s2  }
0x97: {  	_ =	strace $0x8FFFFFFF  }
0x98: {  	s18 =	sld [smem:$0x3FDB];
	_ =	sdelay $0x1  }
0x99: {  	s19 =	simm.s32 $_scs_section_size  }
0x9a: {  	s4 =	simm.s32 $_size__tile_overlayer_lowered;
	s5 =	simm.s32 $_tile_overlayer_lowered  }
0x9b: {  	s22 =	simm.s32 $0x1BFF;
	s21 =	sshll.u32 s5, $0x1;
	s2 =	sadd.s32 s19, s18  }
0x9c: {  	s6 =	simm.s32 $0x0;
	s20 =	sshll.u32 s4, $0x1;
	s4 =	sadd.s32 s21, s2  }
0x9d: {  	[timem:s6], [sflag:s22] =	dma.local [hbm:s4], s20  }
0x9e: {  	_ =	swait.ge [sflag:s22], s20  }
0x9f: {  	s3 =	ssub.s32 $0x0, s20;
	[sflag:s22] =	ssyncset.done $0x0  }
0xa0: {  	[sflag:s22] =	ssyncadd.s32 s3;
	_ =	sdelay $0x1  }
0xa1: {  	s23 =	simm.s32 $0x1B8B  }
0xa2: {  	_ =	swait.ge [sflag:s23], $0x1  }
0xa3: {  	[sflag:s23] =	ssyncset.done $0x0  }
0xa4: {  	s25 =	simm.s32 $0x1B8E;
	s24 =	sld [smem:$0x3FFE];
	[sflag:s23] =	ssyncadd.s32 $0xFFFFFFFF  }
0xa5: {  	s26 =	simm.s32 $execute0_lowered;
	[smem:$0x3FD2] =	sst s25  }
0xa6: {  	s4 =	sshll.u32 s26, $0x1;
	_ =	strace $0x8000004F;
	[dreg:$0x1] =	wrdreg $0xFFFFFFFF  }
0xa7: {  	s28 =	simm.s32 $_size_execute0_lowered;
	s2 =	sadd.s32 s2, s4;
	[dreg:$0x0] =	wrdreg $0x0  }
0xa8: {  	s4 =	sshll.u32 s28, $0x1;
	[dreg:$0x2] =	wrdreg s2  }
0xa9: {  	[dreg:$0x3] =	wrdreg s4  }
0xaa: {  	[dreg:$0x4] =	wrdreg $0xC0  }
0xab: {  	_ =	task [dreg:s6], $0x5FFFF  }
0xac: {  	[dreg:$0x1] =	wrdreg $0xFFFFFFFF  }
0xad: {  	[dreg:$0x0] =	wrdreg $0x60  }
0xae: {  	[dreg:$0x2] =	wrdreg s24  }
0xaf: {  	[dreg:$0x3] =	wrdreg $0x70000  }
0xb0: {  	[dreg:$0x4] =	wrdreg $0x9  }
0xb1: {  	_ =	task.clear_ibuf [dreg:s6], $0x5FFFF;
	_ =	strace $0x9000004F  }
0xb2: {  	s29 =	simm.s32 $0x9;
	_ =	strace $0x80000051  }
0xb3: {  	_ =	swait.ge [sflag:s29], $0x1  }
0xb4: {  	[sflag:s29] =	ssyncadd.s32 $0xFFFFFFFF  }
0xb5: {  	_ =	strace $0x90000051  }
0xb6: {  	_ =	sfence  }
0xb7: {  	s30 =	sld [smem:$0x0];
	_ =	sdelay $0x2  }
0xb8: {  	s31 =	sshll.u32 s1, $0xD;
	s1 =	sshrl.u32 s1, $0x2  }
0xb9: {  	s3 =	sand.u32 $0x4000, s31;
	s1 =	sadd.s32 s1, s30  }
0xba: {  	s0 =	sor.u32 s3, s0;
	s1 =	sshll.u32 s1, $0x11  }
0xbb: {  	s0 =	sor.u32 s1, s0  }
0xbc: {  	s0 =	sadd.s32 $0x8F2B, s0  }
0xbd: {  	[sflag:s0] =	ssyncadd.remote.s32 $0x1  }
0xbe: {  	_ =	sfence.sel $0xFFFF  }
0xbf: {  	[dreg:$0x0] =	wrdreg $0xFFFFFFFF;
	(pc) =	sbr.abs _section_cstart, $3  }
0xc0: {  	[dreg:$0x1] =	wrdreg $0xFFFFFFFF  }
0xc1: {  	_ =	task.clear_ibuf [dreg:s6], $0x2FFFF;
	_ =	strace $0x9FFFFFFF  }
0xc2: {  	(tm) =	ssettm $0x7FFFFFFF  }
0xc3: {  	_ =	shalt  }
tec
execute0_lowered:
.L_overlay_start_1:
0x0: {  	(tag) =	ssettag $0x1  }
0x1: {  	s0 =	rddreg [dreg:$0x0]  }
0x2: {  	s3 =	srdreg.scid;
	s2 =	rddreg [dreg:$0x1]  }
0x3: {  	s1 =	stileid.u32;
	s12 =	simm.s32 $0x5;
	s13 =	simm.s32 $0x2800  }
0x4: {  	s14 =	simm.s32 $0x80;
	s15 =	simm.s32 $0x5000;
	s16 =	simm.s32 $0x5800  }
0x5: {  	s17 =	simm.s32 $0x100;
	s18 =	simm.s32 $0x6000;
	s19 =	simm.s32 $0x180  }
0x6: {  	s20 =	simm.s32 $0x6800;
	s21 =	simm.s32 $0x1;
	s22 =	simm.s32 $0x2  }
0x7: {  	s23 =	simm.s32 $0x3;
	s24 =	simm.s32 $0x4;
	s25 =	simm.s32 $0x4E00  }
0x8: {  	s28 =	simm.s32 $0x4F00;
	s29 =	simm.s32 $0x4F80;
	s30 =	simm.s32 $0x0  }
0x9: {  	s5 =	sand.u32 $0x1, s3;
	s6 =	smul.u32 $0x2800, s1;
	s3 =	simm.s32 $0x0  }
0xa: {  	s31 =	sshll.u32 s1, $0x6;
	s4 =	sshll.u32 s5, $0x4;
	s7 =	smul.u32 $0x28000, s5  }
0xb: {  	[smem:$0x7FF] =	sst s3;
	s9 =	ssub.s32 $0x2, s5;
	s5 =	sadd.s32 $0x11C00, s0  }
0xc: {  	s4 =	sor.u32 s1, s4;
	_ =	strace $0x80000050;
	s26 =	sshrl.u32 s9, $0x1  }
0xd: {  	s11 =	sadd.s32 s6, s2;
	s8 =	smul.u32 $0x500, s4;
	s4 =	sadd.s32 $0xCC00, s0  }
0xe: {  	s7 =	sadd.s32 s6, s7;
	s10 =	ssub.s32 s9, s26;
	s6 =	sor.u32 $0x1C05, s31  }
0xf: {  	s11 =	sshrl.u32 s11, $0x3;
	s26 =	simm.s32 $0x4E80;
	s7 =	sshrl.u32 s7, $0x3  }
0x10: {  	s10 =	smax.u32 s10, $0x1;
	s8 =	sadd.s32 s8, s0;
	s0 =	sadd.s32 s7, s0  }
0x11: {  	s7 =	sadd.s32 $0x12200, s8;
	s8 =	sadd.s32 $0x2C00, s8;
	s9 =	sadd.s32 $0x1C200, s0  }
.LBB2_1:
0x12: {  	[spmem:s11], [sflag:s6] =	dma.local [hbm:s5], $0x500  }
0x13: {  	_ =	swait.ge [sflag:s12], $0x500  }
0x14: {  	[sflag:s12] =	ssyncset.done $0x0  }
0x15: {  	[sflag:s12] =	ssyncadd.s32 $0xFFFFFB00  }
0x16: {  	[tilespmem:s3], [sflag:$0x5] =	stream.linear.gather [hbm4b:s7+s3], $0x2800, $0x38;
	[tilespmem:$0x9800] =	vst v63  }
0x17: {  	_ =	swait.ge [sflag:s12], $0x2800  }
0x18: {  	[sflag:s12] =	ssyncset.done $0x0  }
0x19: {  	[sflag:s12] =	ssyncadd.s32 $0xFFFFD800  }
0x1a: {  	[tilespmem:s13], [sflag:$0x5] =	stream.linear.gather [hbm4b:s8+s3], $0x2800, $0x38;
	[tilespmem:$0x9800] =	vst v63  }
0x1b: {  	_ =	swait.ge [sflag:s12], $0x2800  }
0x1c: {  	[sflag:s12] =	ssyncset.done $0x0  }
0x1d: {  	[sflag:s12] =	ssyncadd.s32 $0xFFFFD800  }
0x1e: {  	[bflag:$0x0] =	sbarrier.arrive $0xFFFF  }
0x1f: {  	[tilespmem:s15], [sflag:$0x1] =	stream.indirect.gather [hbm4b:s4+s14], $0x10, s3, s14, $0xb8;
	[tilespmem:$0x9800] =	vst v63  }
0x20: {  	_ = 	snop  }
0x21: {  	[tilespmem:s16], [sflag:$0x2] =	stream.indirect.gather [hbm4b:s4+s14], $0x10, s14, s14, $0xb8;
	[tilespmem:$0x9800] =	vst v63  }
0x22: {  	_ = 	snop  }
0x23: {  	[tilespmem:s18], [sflag:$0x3] =	stream.indirect.gather [hbm4b:s4+s14], $0x10, s17, s14, $0xb8;
	[tilespmem:$0x9800] =	vst v63  }
0x24: {  	_ = 	snop  }
0x25: {  	[tilespmem:s20], [sflag:$0x4] =	stream.indirect.gather [hbm4b:s4+s14], $0x10, s19, s14, $0xb8;
	[tilespmem:$0x9800] =	vst v63  }
0x26: {  	_ =	swait.ge [sflag:s21], $0x800  }
0x27: {  	[sflag:s21] =	ssyncset.done $0x0  }
0x28: {  	s0 =	simm.s32 $0x2800;
	[sflag:s21] =	ssyncadd.s32 $0xFFFFF800  }
0x29: {  	[spmem:s2] =	stream.indirect.scatter.add.f32 [tilespmem:s15], [sflag:$0x5], $0x10, s0, s14, $0xb8;
	[tilespmem:$0x9800] =	vst v63  }
0x2a: {  	_ =	swait.ge [sflag:s12], $0x800  }
0x2b: {  	[sflag:s12] =	ssyncset.done $0x0  }
0x2c: {  	s1 =	simm.s32 $0x200;
	[sflag:s12] =	ssyncadd.s32 $0xFFFFF800  }
0x2d: {  	[tilespmem:s15], [sflag:$0x1] =	stream.indirect.gather [hbm4b:s4+s14], $0x10, s1, s14, $0xb8;
	[tilespmem:$0x9800] =	vst v63  }
0x2e: {  	_ =	swait.ge [sflag:s22], $0x800  }
0x2f: {  	[sflag:s22] =	ssyncset.done $0x0  }
0x30: {  	s1 =	simm.s32 $0x2880;
	[sflag:s22] =	ssyncadd.s32 $0xFFFFF800  }
0x31: {  	[spmem:s2] =	stream.indirect.scatter.add.f32 [tilespmem:s16], [sflag:$0x5], $0x10, s1, s14, $0xb8;
	[tilespmem:$0x9800] =	vst v63  }
0x32: {  	_ =	swait.ge [sflag:s12], $0x800  }
0x33: {  	[sflag:s12] =	ssyncset.done $0x0  }
0x34: {  	s1 =	simm.s32 $0x280;
	[sflag:s12] =	ssyncadd.s32 $0xFFFFF800  }
0x35: {  	[tilespmem:s16], [sflag:$0x2] =	stream.indirect.gather [hbm4b:s4+s14], $0x10, s1, s14, $0xb8;
	[tilespmem:$0x9800] =	vst v63  }
0x36: {  	_ =	swait.ge [sflag:s23], $0x800  }
0x37: {  	[sflag:s23] =	ssyncset.done $0x0  }
0x38: {  	s1 =	simm.s32 $0x2900;
	[sflag:s23] =	ssyncadd.s32 $0xFFFFF800  }
0x39: {  	[spmem:s2] =	stream.indirect.scatter.add.f32 [tilespmem:s18], [sflag:$0x5], $0x10, s1, s14, $0xb8;
	[tilespmem:$0x9800] =	vst v63  }
0x3a: {  	_ =	swait.ge [sflag:s12], $0x800  }
0x3b: {  	[sflag:s12] =	ssyncset.done $0x0  }
0x3c: {  	s1 =	simm.s32 $0x300;
	[sflag:s12] =	ssyncadd.s32 $0xFFFFF800  }
0x3d: {  	[tilespmem:s18], [sflag:$0x3] =	stream.indirect.gather [hbm4b:s4+s14], $0x10, s1, s14, $0xb8;
	[tilespmem:$0x9800] =	vst v63  }
0x3e: {  	_ =	swait.ge [sflag:s24], $0x800  }
0x3f: {  	[sflag:s24] =	ssyncset.done $0x0  }
0x40: {  	s1 =	simm.s32 $0x2980;
	[sflag:s24] =	ssyncadd.s32 $0xFFFFF800  }
0x41: {  	[spmem:s2] =	stream.indirect.scatter.add.f32 [tilespmem:s20], [sflag:$0x5], $0x10, s1, s14, $0xb8;
	[tilespmem:$0x9800] =	vst v63  }
0x42: {  	_ =	swait.ge [sflag:s12], $0x800  }
0x43: {  	[sflag:s12] =	ssyncset.done $0x0  }
0x44: {  	s31 =	simm.s32 $0x800;
	s0 =	simm.s32 $0x380;
	[sflag:s12] =	ssyncadd.s32 $0xFFFFF800  }
.LBB2_2:
0x45: {  	[tilespmem:s20], [sflag:$0x4] =	stream.indirect.gather [hbm4b:s4+s14], $0x10, s0, s14, $0xb8;
	[tilespmem:$0x9800] =	vst v63  }
0x46: {  	s0 =	smov.u32 s31  }
0x47: {  	p0 =	sne.s32 s31, $0x9000;
	s31 =	sadd.s32 $0x800, s31;
	_ =	swait.ge [sflag:s21], $0x800  }
0x48: {  	s0 =	sshra.s32 s0, $0x2;
	[sflag:s21] =	ssyncset.done $0x0  }
0x49: {  	s1 =	sadd.s32 $0x2800, s0;
	[sflag:s21] =	ssyncadd.s32 $0xFFFFF800  }
0x4a: {  	[spmem:s2] =	stream.indirect.scatter.add.f32 [tilespmem:s15], [sflag:$0x5], $0x10, s1, s14, $0xb8;
	[tilespmem:$0x9800] =	vst v63  }
0x4b: {  	_ =	swait.ge [sflag:s12], $0x800  }
0x4c: {  	[sflag:s12] =	ssyncset.done $0x0  }
0x4d: {  	s1 =	sadd.s32 $0x200, s0;
	[sflag:s12] =	ssyncadd.s32 $0xFFFFF800  }
0x4e: {  	[tilespmem:s15], [sflag:$0x1] =	stream.indirect.gather [hbm4b:s4+s14], $0x10, s1, s14, $0xb8;
	[tilespmem:$0x9800] =	vst v63  }
0x4f: {  	_ =	swait.ge [sflag:s22], $0x800  }
0x50: {  	[sflag:s22] =	ssyncset.done $0x0  }
0x51: {  	s1 =	sadd.s32 $0x2880, s0;
	[sflag:s22] =	ssyncadd.s32 $0xFFFFF800  }
0x52: {  	[spmem:s2] =	stream.indirect.scatter.add.f32 [tilespmem:s16], [sflag:$0x5], $0x10, s1, s14, $0xb8;
	[tilespmem:$0x9800] =	vst v63  }
0x53: {  	_ =	swait.ge [sflag:s12], $0x800  }
0x54: {  	[sflag:s12] =	ssyncset.done $0x0  }
0x55: {  	s1 =	sadd.s32 $0x280, s0;
	[sflag:s12] =	ssyncadd.s32 $0xFFFFF800  }
0x56: {  	[tilespmem:s16], [sflag:$0x2] =	stream.indirect.gather [hbm4b:s4+s14], $0x10, s1, s14, $0xb8;
	[tilespmem:$0x9800] =	vst v63  }
0x57: {  	_ =	swait.ge [sflag:s23], $0x800  }
0x58: {  	[sflag:s23] =	ssyncset.done $0x0  }
0x59: {  	s1 =	sadd.s32 $0x2900, s0;
	[sflag:s23] =	ssyncadd.s32 $0xFFFFF800  }
0x5a: {  	[spmem:s2] =	stream.indirect.scatter.add.f32 [tilespmem:s18], [sflag:$0x5], $0x10, s1, s14, $0xb8;
	[tilespmem:$0x9800] =	vst v63  }
0x5b: {  	_ =	swait.ge [sflag:s12], $0x800  }
0x5c: {  	[sflag:s12] =	ssyncset.done $0x0  }
0x5d: {  	s1 =	sadd.s32 $0x300, s0;
	[sflag:s12] =	ssyncadd.s32 $0xFFFFF800  }
0x5e: {  	[tilespmem:s18], [sflag:$0x3] =	stream.indirect.gather [hbm4b:s4+s14], $0x10, s1, s14, $0xb8;
	[tilespmem:$0x9800] =	vst v63  }
0x5f: {  	_ =	swait.ge [sflag:s24], $0x800  }
0x60: {  	[sflag:s24] =	ssyncset.done $0x0  }
.Ltmp0:
0x61: {  	s1 =	sadd.s32 $0x2980, s0;
	[sflag:s24] =	ssyncadd.s32 $0xFFFFF800;
	(pc) =	sbr.rel @p0 .LBB2_2-.Ltmp0, $4  }
0x62: {  	[spmem:s2] =	stream.indirect.scatter.add.f32 [tilespmem:s20], [sflag:$0x5], $0x10, s1, s14, $0xb8;
	[tilespmem:$0x9800] =	vst v63  }
0x63: {  	_ =	swait.ge [sflag:s12], $0x800  }
0x64: {  	[sflag:s12] =	ssyncset.done $0x0  }
0x65: {  	s0 =	sadd.s32 $0x380, s0;
	[sflag:s12] =	ssyncadd.s32 $0xFFFFF800  }
0x66: {  	[tilespmem:s20], [sflag:$0x4] =	stream.indirect.gather [hbm4b:s4+s14], $0x10, s0, s14, $0xb8;
	[tilespmem:$0x9800] =	vst v63  }
0x67: {  	_ =	swait.ge [sflag:s21], $0x800  }
0x68: {  	[sflag:s21] =	ssyncset.done $0x0  }
0x69: {  	[sflag:s21] =	ssyncadd.s32 $0xFFFFF800  }
0x6a: {  	[spmem:s2] =	stream.indirect.scatter.add.f32 [tilespmem:s15], [sflag:$0x5], $0x10, s25, s14, $0xb8;
	[tilespmem:$0x9800] =	vst v63  }
0x6b: {  	_ =	swait.ge [sflag:s12], $0x800  }
0x6c: {  	[sflag:s12] =	ssyncset.done $0x0  }
0x6d: {  	[sflag:s12] =	ssyncadd.s32 $0xFFFFF800  }
0x6e: {  	_ =	swait.ge [sflag:s22], $0x800  }
0x6f: {  	[sflag:s22] =	ssyncset.done $0x0  }
0x70: {  	[sflag:s22] =	ssyncadd.s32 $0xFFFFF800  }
0x71: {  	[spmem:s2] =	stream.indirect.scatter.add.f32 [tilespmem:s16], [sflag:$0x5], $0x10, s26, s14, $0xb8;
	[tilespmem:$0x9800] =	vst v63  }
0x72: {  	_ =	swait.ge [sflag:s12], $0x800  }
0x73: {  	[sflag:s12] =	ssyncset.done $0x0  }
0x74: {  	[sflag:s12] =	ssyncadd.s32 $0xFFFFF800  }
0x75: {  	_ =	swait.ge [sflag:s23], $0x800  }
0x76: {  	[sflag:s23] =	ssyncset.done $0x0  }
0x77: {  	[sflag:s23] =	ssyncadd.s32 $0xFFFFF800  }
0x78: {  	[spmem:s2] =	stream.indirect.scatter.add.f32 [tilespmem:s18], [sflag:$0x5], $0x10, s28, s14, $0xb8;
	[tilespmem:$0x9800] =	vst v63  }
0x79: {  	_ =	swait.ge [sflag:s12], $0x800  }
0x7a: {  	[sflag:s12] =	ssyncset.done $0x0  }
0x7b: {  	[sflag:s12] =	ssyncadd.s32 $0xFFFFF800  }
0x7c: {  	_ =	swait.ge [sflag:s24], $0x800  }
0x7d: {  	[sflag:s24] =	ssyncset.done $0x0  }
0x7e: {  	[sflag:s24] =	ssyncadd.s32 $0xFFFFF800  }
0x7f: {  	[spmem:s2] =	stream.indirect.scatter.add.f32 [tilespmem:s20], [sflag:$0x5], $0x10, s29, s14, $0xb8;
	[tilespmem:$0x9800] =	vst v63  }
0x80: {  	_ =	swait.ge [sflag:s12], $0x800  }
0x81: {  	s30 =	sadd.s32 $0x1, s30;
	[sflag:s12] =	ssyncset.done $0x0  }
0x82: {  	p0 =	sne.s32 s30, s10;
	[sflag:s12] =	ssyncadd.s32 $0xFFFFF800  }
.Ltmp1:
0x83: {  	[bflag:$0x0] =	sbarrier.arrive $0xFFFF;
	(pc) =	sbr.rel @p0 .LBB2_1-.Ltmp1, $4  }
0x84: {  	[hbm:s9], [sflag:s6] =	dma.local [spmem:s11], $0x500  }
0x85: {  	_ =	swait.ge [sflag:s12], $0x500  }
0x86: {  	[sflag:s12] =	ssyncset.done $0x0  }
0x87: {  	[sflag:s12] =	ssyncadd.s32 $0xFFFFFB00  }
0x88: {  	_ =	sfence.sel $0x180000  }
0x89: {  	[bflag:$0x0] =	sbarrier.arrive $0xFFFF  }
0x8a: {  	_ =	strace $0x90000050  }
0x8b: {  	s0 =	stileid.u32;
	[bflag:$0x2] =	sbarrier.arrive $0xFFFF  }
0x8c: {  	p0 =	sne.s32 s0, $0x0;
	s0 =	rddreg [dreg:$0x2]  }
0x8d: {  	s0 =	sadd.s32 @!p0 $0x100000, s0  }
0x8e: {  	[sflag:s0] =	ssyncadd.tile.s32 @!p0 $0x1;
	_ =	shalt  }
.Lfunc_end2:
_tile_overlayer_lowered:
.L_overlay_start_2:
0x8f: {  	(tag) =	ssettag $0x2  }
0x90: {  	s0 =	rddreg [dreg:$0x0];
	s2 =	stileid.u32  }
0x91: {  	s1 =	rddreg [dreg:$0x1];
	p0 =	sne.s32 s2, $0x0  }
0x92: {  	s3 =	rddreg [dreg:$0x2];
	[bflag:$0x3] =	sbarrier.arrive $0xFFFF;
	s2 =	simm.s32 @!p0 $0x1C05  }
0x93: {  	[timem:s3], [sflag:s2] =	dma.local @!p0 [hbm:s0], s1  }
0x94: {  	s0 =	simm.s32 @!p0 $0x5  }
0x95: {  	_ =	swait.ge @!p0 [sflag:s0], s1  }
0x96: {  	s1 =	ssub.s32 @!p0 $0x0, s1;
	[sflag:s0] =	ssyncset.done @!p0 $0x0  }
0x97: {  	[sflag:s0] =	ssyncadd.s32 @!p0 s1  }
0x98: {  	[bflag:$0x3] =	sbarrier.arrive $0xFFFF  }
0x99: {  	_ =	shalt  }

</sc_bundles>
